<compile_context>
chip_gen: v7x
topology: tpu7x:2x2x1
jax: 0.10.2.dev20260603
libtpu: 0.0.44.dev20260713+nightly
codegen_flags: <defaults>
</compile_context>

<pallas_src>
import jax
import jax.numpy as jnp
from jax import lax
from jax.experimental import pallas as pl
from jax.experimental.pallas import tpu as pltpu
from jax.experimental.pallas import tpu_sc as plsc

N = 10000
E = 320000
D = 128
H = 64
OUT = 10
G = 64

NC = 2
NS = 16
NW = NC * NS
CHUNK = 128
NCHUNKS = 80
EPW = NCHUNKS * CHUNK
EPAD = EPW * NW
NROWS = 10240
RPT = NROWS // NS
NP = N // 2
HP = 2 * H


NBUF = 8
NFLY = 4


def _sc_agg_body_spmem(table, srcs, dsts, zinit, out, src_v, dst_v,
                       *scratch):
    rb = scratch[:NBUF]
    acc = scratch[NBUF]
    gs = scratch[NBUF + 1:2 * NBUF + 1]
    ss = scratch[2 * NBUF + 1:]
    c = lax.axis_index("c")
    s = lax.axis_index("s")
    wid = c * NS + s
    pltpu.sync_copy(srcs.at[wid], src_v)
    pltpu.sync_copy(dsts.at[wid], dst_v)
    for j0 in range(NFLY):
        pltpu.async_copy(table.at[src_v.at[j0]], rb[j0], gs[j0])
    @pl.when((c == 0) & (s < NS - 1))
    def _():
        pltpu.sync_copy(table.at[pl.ds(s * RPT, RPT)],
                        acc.at[pl.ds(s * RPT, RPT)])

    @pl.when((c == 0) & (s == NS - 1))
    def _():
        pltpu.sync_copy(table.at[pl.ds((NS - 1) * RPT, N - (NS - 1) * RPT)],
                        acc.at[pl.ds((NS - 1) * RPT, N - (NS - 1) * RPT)])
        pltpu.sync_copy(zinit.at[pl.ds(N, NROWS - N)],
                        acc.at[pl.ds(N, NROWS - N)])

    @pl.when(c == 1)
    def _():
        pltpu.sync_copy(zinit.at[pl.ds(s * RPT, RPT)],
                        acc.at[pl.ds(s * RPT, RPT)])

    plsc.subcore_barrier()

    def group(i, carry):
        for b in range(NBUF):
            j = NBUF * i + b
            b2 = (b + NFLY) % NBUF
            pltpu.make_async_copy(table.at[src_v.at[j]], rb[b], gs[b]).wait()
            pltpu.async_copy(rb[b], acc.at[dst_v.at[j]], ss[b], add=True)

            @pl.when((j + NFLY < NCHUNKS) & (j >= NFLY))
            def _():
                pltpu.make_async_copy(rb[b2], acc.at[dst_v.at[j - NFLY]],
                                      ss[b2]).wait()

            @pl.when(j + NFLY < NCHUNKS)
            def _():
                pltpu.async_copy(table.at[src_v.at[j + NFLY]], rb[b2], gs[b2])
        return carry

    lax.fori_loop(0, NCHUNKS // NBUF, group, 0, unroll=False)
    for b in range(NBUF):
        j = NCHUNKS - NBUF + b
        pltpu.make_async_copy(rb[b], acc.at[dst_v.at[j]], ss[b]).wait()
    plsc.subcore_barrier()
    pltpu.sync_copy(acc.at[pl.ds(s * RPT, RPT)],
                    out.at[c, pl.ds(s * RPT, RPT)])
    return


def _sc_agg(table, srcs, dsts, zinit):
    mesh = plsc.VectorSubcoreMesh(core_axis_name="c", subcore_axis_name="s")
    f = pl.kernel(
        _sc_agg_body_spmem,
        out_type=jax.ShapeDtypeStruct((NC, NROWS, H), jnp.float32),
        mesh=mesh,
        scratch_types=[
            pltpu.VMEM((NCHUNKS, CHUNK), jnp.int32),
            pltpu.VMEM((NCHUNKS, CHUNK), jnp.int32),
            *[pltpu.VMEM((CHUNK, H), jnp.float32) for _ in range(NBUF)],
            pltpu.VMEM_SHARED((NROWS, H), jnp.float32),
            *[pltpu.SemaphoreType.DMA for _ in range(2 * NBUF)],
        ],
        compiler_params=pltpu.CompilerParams(use_tc_tiling_on_sc=False),
    )
    return f(table, srcs, dsts, zinit)


def _elu(v):
    return jnp.where(v > 0, v, jnp.exp(v) - 1.0)


def _tc1_body(x_ref, w_ref, o_ref):
    o_ref[...] = jnp.dot(x_ref[...], w_ref[...],
                         preferred_element_type=jnp.float32)


def _tc1(x, w):
    return pl.pallas_call(
        _tc1_body,
        out_shape=jax.ShapeDtypeStruct((N, H), jnp.float32),
    )(x, w)


def _fold_mean(v):
    m = (v[:, :H] + v[:, H:]) * (1.0 / N)
    return m


def _stage2_body(p_ref, b1_ref, sg_ref, sb_ref, w2_ref, b2_ref,
                 w3_ref, o_ref):
    p = p_ref[...]
    a = p[0, :NP, :] + p[1, :NP, :] + b1_ref[...]
    mu = _fold_mean(jnp.sum(a, axis=0, keepdims=True))
    ex2 = _fold_mean(jnp.sum(a * a, axis=0, keepdims=True))
    var = ex2 - mu * mu
    scale = sg_ref[...] * lax.rsqrt(var + 1e-5)
    shift = sb_ref[...] - mu * scale
    scale2 = jnp.concatenate([scale, scale], axis=1)
    shift2 = jnp.concatenate([shift, shift], axis=1)
    h = _elu(a * scale2 + shift2)
    h = jnp.dot(h, w2_ref[...], preferred_element_type=jnp.float32)
    h = _elu(h + b2_ref[...])
    o_ref[...] = jnp.dot(h, w3_ref[...], preferred_element_type=jnp.float32)


def _stage2(parts, b1p, g1r, bt1r, w2p, b2p, w3p):
    return pl.pallas_call(
        _stage2_body,
        out_shape=jax.ShapeDtypeStruct((NP, HP), jnp.float32),
    )(parts, b1p, g1r, bt1r, w2p, b2p, w3p)


def _stage3_body(p_ref, b3_ref, w4_ref, b4_ref, be_ref, bo_ref,
                 w5_ref, b5_ref, w6_ref, b6_ref, w7_ref, b7_ref, o_ref):
    p = p_ref[...]
    a = p[0, :NP, :] + p[1, :NP, :] + b3_ref[...]
    h = _elu(a)
    h = jnp.dot(h, w4_ref[...], preferred_element_type=jnp.float32)
    h = _elu(h + b4_ref[...])
    ge = (be_ref[...] ==
          lax.broadcasted_iota(jnp.int32, (G, NP), 0)).astype(jnp.float32)
    go = (bo_ref[...] ==
          lax.broadcasted_iota(jnp.int32, (G, NP), 0)).astype(jnp.float32)
    g = (jnp.dot(ge, h[:, :H], preferred_element_type=jnp.float32) +
         jnp.dot(go, h[:, H:], preferred_element_type=jnp.float32))
    g = _elu(jnp.dot(g, w5_ref[...], preferred_element_type=jnp.float32)
             + b5_ref[...])
    g = _elu(jnp.dot(g, w6_ref[...], preferred_element_type=jnp.float32)
             + b6_ref[...])
    logits = jnp.dot(g, w7_ref[...], preferred_element_type=jnp.float32)
    logits = logits + b7_ref[...]
    m = jnp.max(logits, axis=-1, keepdims=True)
    lse = jnp.log(jnp.sum(jnp.exp(logits - m), axis=-1, keepdims=True)) + m
    o_ref[...] = logits - lse


def _stage3(parts, b3p, w4p, b4p, be, bo, w5, b5, w6, b6, w7, b7):
    return pl.pallas_call(
        _stage3_body,
        out_shape=jax.ShapeDtypeStruct((G, OUT), jnp.float32),
    )(parts, b3p, w4p, b4p, be, bo, w5, b5, w6, b6, w7, b7)


def _blockdiag(w):
    z = jnp.zeros_like(w)
    return jnp.concatenate(
        [jnp.concatenate([w, z], axis=1), jnp.concatenate([z, w], axis=1)],
        axis=0)


def kernel(x, edge_index, batch, W1, b1, g1, bt1, W2, b2, W3, b3, W4, b4,
           W5, b5, W6, b6, W7, b7):
    src = edge_index[0]
    dst = edge_index[1]
    pad = EPAD - E
    spread = jnp.arange(pad, dtype=jnp.int32) % 128
    src_p = jnp.concatenate([src, spread])
    dst_p = jnp.concatenate([dst, N + spread])
    srcs = src_p.reshape(NW, NCHUNKS, CHUNK)
    dsts = dst_p.reshape(NW, NCHUNKS, CHUNK)
    zinit = jnp.zeros((NROWS, H), jnp.float32)
    bp = batch.reshape(NP, 2)
    be = bp[:, 0].reshape(1, NP)
    bo = bp[:, 1].reshape(1, NP)
    b1p = jnp.concatenate([b1, b1]).reshape(1, HP)
    b2p = jnp.concatenate([b2, b2]).reshape(1, HP)
    b3p = jnp.concatenate([b3, b3]).reshape(1, HP)
    b4p = jnp.concatenate([b4, b4]).reshape(1, HP)
    g1r = g1.reshape(1, H)
    bt1r = bt1.reshape(1, H)
    w2p = _blockdiag(W2)
    w3p = _blockdiag(W3)
    w4p = _blockdiag(W4)
    b5r = b5.reshape(1, H)
    b6r = b6.reshape(1, H // 2)
    b7r = b7.reshape(1, OUT)

    xw1 = _tc1(x, W1)
    parts1 = _sc_agg(xw1, srcs, dsts, zinit)
    hw3 = _stage2(parts1.reshape(NC, NROWS // 2, HP),
                  b1p, g1r, bt1r, w2p, b2p, w3p)
    parts2 = _sc_agg(hw3.reshape(N, H), srcs, dsts, zinit)
    return _stage3(parts2.reshape(NC, NROWS // 2, HP),
                   b3p, w4p, b4p, be, bo, W5, b5r, W6, b6r, W7, b7r)

# --- scband reference (transcript-rebuilt; emitter-appended) ---
"""Pipeline reference for scband-base-gin-net-76879914599129 (READ-ONLY COPY).

The authoritative reference and input builder live on the scoring server;
editing this copy changes nothing except your own understanding.
"""

import jax, jax.numpy as jnp
import numpy as np

N = 10000
E = 320000
D = 128
H = 64
OUT = 10
G = 64

def setup_inputs(seed: int = 0):
    key = jax.random.key(seed)
    ks = jax.random.split(key, 20)
    def lin(k, i, o):
        s = 1.0 / np.sqrt(i)
        return jax.random.uniform(k, (i, o), minval=-s, maxval=s, dtype=jnp.float32)
    inp = {}
    inp["x"] = jax.random.normal(ks[0], (N, D), dtype=jnp.float32)
    inp["edge_index"] = jax.random.randint(ks[1], (2, E), 0, N, dtype=jnp.int32)
    inp["batch"] = jnp.sort(jax.random.randint(ks[2], (N,), 0, G, dtype=jnp.int32))
    inp["W1"] = lin(ks[3], D, H); inp["b1"] = jnp.zeros((H,), jnp.float32)
    inp["g1"] = jnp.ones((H,), jnp.float32); inp["bt1"] = jnp.zeros((H,), jnp.float32)
    inp["W2"] = lin(ks[4], H, H); inp["b2"] = jnp.zeros((H,), jnp.float32)
    inp["W3"] = lin(ks[5], H, H); inp["b3"] = jnp.zeros((H,), jnp.float32)
    inp["W4"] = lin(ks[6], H, H); inp["b4"] = jnp.zeros((H,), jnp.float32)
    inp["W5"] = lin(ks[7], H, H); inp["b5"] = jnp.zeros((H,), jnp.float32)
    inp["W6"] = lin(ks[8], H, H // 2); inp["b6"] = jnp.zeros((H // 2,), jnp.float32)
    inp["W7"] = lin(ks[9], H // 2, OUT); inp["b7"] = jnp.zeros((OUT,), jnp.float32)
    return inp

def reference(x, edge_index, batch, W1, b1, g1, bt1, W2, b2, W3, b3, W4, b4, W5, b5, W6, b6, W7, b7):
    src = edge_index[0]
    dst = edge_index[1]
    def gin_agg(h):
        # GINConv aggregation, eps=0 (train_eps=False): (1+eps)*x + sum_{j in N(i)} x_j
        return h + jax.ops.segment_sum(h[src], dst, num_segments=N)
    # pre GIN layer: MLP([D, H, H]) with batch norm after first linear
    h = gin_agg(x)
    h = h @ W1 + b1
    mu = jnp.mean(h, axis=0)
    var = jnp.var(h, axis=0)
    h = (h - mu) / jnp.sqrt(var + 1e-5) * g1 + bt1
    h = jax.nn.elu(h)
    h = h @ W2 + b2
    h = jax.nn.elu(h)  # outer activation
    # post GIN layer: MLP([H, H, H]) without norm
    h = gin_agg(h)
    h = jax.nn.elu(h @ W3 + b3)
    h = h @ W4 + b4
    h = jax.nn.elu(h)  # outer activation
    # global add pool over graphs
    p = jax.ops.segment_sum(h, batch, num_segments=G)
    # final MLP [H, H, H//2, OUT], dropout omitted (eval / deterministic)
    p = jax.nn.elu(p @ W5 + b5)
    p = jax.nn.elu(p @ W6 + b6)
    p = p @ W7 + b7
    return jax.nn.log_softmax(p, axis=-1)

if __name__ == "__main__":
    import jax
    _d = setup_inputs()
    print(jax.jit(kernel)(*tuple(_d.values())))

</pallas_src>

<mosaic_0001>
#map = affine_map<(d0, d1) -> (0, 0)>
#map1 = affine_map<(d0, d1) -> (0, 0, 0)>
module attributes {stable_mosaic.version = 14 : i64} {
  func.func @_sc_agg_body_spmem(%arg0: i32, %arg1: i32, %arg2: memref<10000x64xf32, #tpu.memory_space<hbm>>, %arg3: memref<32x80x128xi32, #tpu.memory_space<hbm>>, %arg4: memref<32x80x128xi32, #tpu.memory_space<hbm>>, %arg5: memref<10240x64xf32, #tpu.memory_space<hbm>>, %arg6: memref<2x10240x64xf32, #tpu.memory_space<hbm>>, %arg7: memref<80x128xi32, #tpu.memory_space<vmem>>, %arg8: memref<80x128xi32, #tpu.memory_space<vmem>>, %arg9: memref<128x64xf32, #tpu.memory_space<vmem>>, %arg10: memref<128x64xf32, #tpu.memory_space<vmem>>, %arg11: memref<128x64xf32, #tpu.memory_space<vmem>>, %arg12: memref<128x64xf32, #tpu.memory_space<vmem>>, %arg13: memref<128x64xf32, #tpu.memory_space<vmem>>, %arg14: memref<128x64xf32, #tpu.memory_space<vmem>>, %arg15: memref<128x64xf32, #tpu.memory_space<vmem>>, %arg16: memref<128x64xf32, #tpu.memory_space<vmem>>, %arg17: memref<10240x64xf32, #tpu.memory_space<vmem_shared>>, %arg18: memref<!tpu.dma_semaphore, #tpu.memory_space<semaphore_mem>>, %arg19: memref<!tpu.dma_semaphore, #tpu.memory_space<semaphore_mem>>, %arg20: memref<!tpu.dma_semaphore, #tpu.memory_space<semaphore_mem>>, %arg21: memref<!tpu.dma_semaphore, #tpu.memory_space<semaphore_mem>>, %arg22: memref<!tpu.dma_semaphore, #tpu.memory_space<semaphore_mem>>, %arg23: memref<!tpu.dma_semaphore, #tpu.memory_space<semaphore_mem>>, %arg24: memref<!tpu.dma_semaphore, #tpu.memory_space<semaphore_mem>>, %arg25: memref<!tpu.dma_semaphore, #tpu.memory_space<semaphore_mem>>, %arg26: memref<!tpu.dma_semaphore, #tpu.memory_space<semaphore_mem>>, %arg27: memref<!tpu.dma_semaphore, #tpu.memory_space<semaphore_mem>>, %arg28: memref<!tpu.dma_semaphore, #tpu.memory_space<semaphore_mem>>, %arg29: memref<!tpu.dma_semaphore, #tpu.memory_space<semaphore_mem>>, %arg30: memref<!tpu.dma_semaphore, #tpu.memory_space<semaphore_mem>>, %arg31: memref<!tpu.dma_semaphore, #tpu.memory_space<semaphore_mem>>, %arg32: memref<!tpu.dma_semaphore, #tpu.memory_space<semaphore_mem>>, %arg33: memref<!tpu.dma_semaphore, #tpu.memory_space<semaphore_mem>>) attributes {dimension_semantics = [#tpu.dimension_semantics<core_parallel>, #tpu.dimension_semantics<subcore_parallel>], iteration_bounds = array<i64: 2, 16>, scalar_prefetch = 0 : i64, scratch_operands = 27 : i64, tpu.core_type = #tpu.core_type<sc_vector_subcore>, window_params = [{transform_indices = #map}, {transform_indices = #map1}, {transform_indices = #map1}, {transform_indices = #map}, {transform_indices = #map1}]} {
    %mul3A = arith.constant 16 : i32
    %mul3A_0 = arith.muli %arg0, %mul3A : i32
    %add3A = arith.addi %mul3A_0, %arg1 : i32
    "tpu.region"() ({
      %run_scoped3A = tpu.sem_alloc : memref<!tpu.dma_semaphore, #tpu.memory_space<semaphore_mem>>
      %dma_start3A_109 = arith.constant 0 : i32
      %dma_start3A_110 = arith.constant 0 : i32
      %dma_start3A_111 = tpu.memref_slice %arg3[%add3A, %dma_start3A_109, %dma_start3A_110] : memref<32x80x128xi32, #tpu.memory_space<hbm>> -> memref<1x80x128xi32, #tpu.memory_space<hbm>>
      %dma_start3A_112 = tpu.memref_squeeze %dma_start3A_111 : memref<1x80x128xi32, #tpu.memory_space<hbm>> -> memref<80x128xi32, #tpu.memory_space<hbm>>
      %dma_start3A_113 = arith.constant 0 : i32
      %dma_start3A_114 = arith.constant 0 : i32
      %dma_start3A_115 = tpu.memref_slice %arg3[%add3A, %dma_start3A_113, %dma_start3A_114] : memref<32x80x128xi32, #tpu.memory_space<hbm>> -> memref<1x80x128xi32, #tpu.memory_space<hbm>>
      %dma_start3A_116 = tpu.memref_squeeze %dma_start3A_115 : memref<1x80x128xi32, #tpu.memory_space<hbm>> -> memref<80x128xi32, #tpu.memory_space<hbm>>
      tpu.enqueue_dma source(%dma_start3A_116 : memref<80x128xi32, #tpu.memory_space<hbm>>) target(%arg7 : memref<80x128xi32, #tpu.memory_space<vmem>>) target_semaphore(%run_scoped3A : memref<!tpu.dma_semaphore, #tpu.memory_space<semaphore_mem>>)
      %dma_wait3A_117 = arith.constant 0 : i32
      %dma_wait3A_118 = arith.constant 0 : i32
      %dma_wait3A_119 = tpu.memref_slice %arg3[%add3A, %dma_wait3A_117, %dma_wait3A_118] : memref<32x80x128xi32, #tpu.memory_space<hbm>> -> memref<1x80x128xi32, #tpu.memory_space<hbm>>
      %dma_wait3A_120 = tpu.memref_squeeze %dma_wait3A_119 : memref<1x80x128xi32, #tpu.memory_space<hbm>> -> memref<80x128xi32, #tpu.memory_space<hbm>>
      %dma_wait3A_121 = arith.constant 0 : i32
      %dma_wait3A_122 = arith.constant 0 : i32
      %dma_wait3A_123 = tpu.memref_slice %arg3[%add3A, %dma_wait3A_121, %dma_wait3A_122] : memref<32x80x128xi32, #tpu.memory_space<hbm>> -> memref<1x80x128xi32, #tpu.memory_space<hbm>>
      %dma_wait3A_124 = tpu.memref_squeeze %dma_wait3A_123 : memref<1x80x128xi32, #tpu.memory_space<hbm>> -> memref<80x128xi32, #tpu.memory_space<hbm>>
      tpu.wait_dma2 semaphore(%run_scoped3A : memref<!tpu.dma_semaphore, #tpu.memory_space<semaphore_mem>>) src(%dma_wait3A_124 : memref<80x128xi32, #tpu.memory_space<hbm>>) dst(%arg7 : memref<80x128xi32, #tpu.memory_space<vmem>>)
      tpu.yield
    }) : () -> ()
    "tpu.region"() ({
      %run_scoped3A = tpu.sem_alloc : memref<!tpu.dma_semaphore, #tpu.memory_space<semaphore_mem>>
      %dma_start3A_109 = arith.constant 0 : i32
      %dma_start3A_110 = arith.constant 0 : i32
      %dma_start3A_111 = tpu.memref_slice %arg4[%add3A, %dma_start3A_109, %dma_start3A_110] : memref<32x80x128xi32, #tpu.memory_space<hbm>> -> memref<1x80x128xi32, #tpu.memory_space<hbm>>
      %dma_start3A_112 = tpu.memref_squeeze %dma_start3A_111 : memref<1x80x128xi32, #tpu.memory_space<hbm>> -> memref<80x128xi32, #tpu.memory_space<hbm>>
      %dma_start3A_113 = arith.constant 0 : i32
      %dma_start3A_114 = arith.constant 0 : i32
      %dma_start3A_115 = tpu.memref_slice %arg4[%add3A, %dma_start3A_113, %dma_start3A_114] : memref<32x80x128xi32, #tpu.memory_space<hbm>> -> memref<1x80x128xi32, #tpu.memory_space<hbm>>
      %dma_start3A_116 = tpu.memref_squeeze %dma_start3A_115 : memref<1x80x128xi32, #tpu.memory_space<hbm>> -> memref<80x128xi32, #tpu.memory_space<hbm>>
      tpu.enqueue_dma source(%dma_start3A_116 : memref<80x128xi32, #tpu.memory_space<hbm>>) target(%arg8 : memref<80x128xi32, #tpu.memory_space<vmem>>) target_semaphore(%run_scoped3A : memref<!tpu.dma_semaphore, #tpu.memory_space<semaphore_mem>>)
      %dma_wait3A_117 = arith.constant 0 : i32
      %dma_wait3A_118 = arith.constant 0 : i32
      %dma_wait3A_119 = tpu.memref_slice %arg4[%add3A, %dma_wait3A_117, %dma_wait3A_118] : memref<32x80x128xi32, #tpu.memory_space<hbm>> -> memref<1x80x128xi32, #tpu.memory_space<hbm>>
      %dma_wait3A_120 = tpu.memref_squeeze %dma_wait3A_119 : memref<1x80x128xi32, #tpu.memory_space<hbm>> -> memref<80x128xi32, #tpu.memory_space<hbm>>
      %dma_wait3A_121 = arith.constant 0 : i32
      %dma_wait3A_122 = arith.constant 0 : i32
      %dma_wait3A_123 = tpu.memref_slice %arg4[%add3A, %dma_wait3A_121, %dma_wait3A_122] : memref<32x80x128xi32, #tpu.memory_space<hbm>> -> memref<1x80x128xi32, #tpu.memory_space<hbm>>
      %dma_wait3A_124 = tpu.memref_squeeze %dma_wait3A_123 : memref<1x80x128xi32, #tpu.memory_space<hbm>> -> memref<80x128xi32, #tpu.memory_space<hbm>>
      tpu.wait_dma2 semaphore(%run_scoped3A : memref<!tpu.dma_semaphore, #tpu.memory_space<semaphore_mem>>) src(%dma_wait3A_124 : memref<80x128xi32, #tpu.memory_space<hbm>>) dst(%arg8 : memref<80x128xi32, #tpu.memory_space<vmem>>)
      tpu.yield
    }) : () -> ()
    %dma_start3A = arith.constant 0 : i32
    %dma_start3A_1 = arith.constant 0 : i32
    %dma_start3A_2 = tpu.memref_slice %arg7[%dma_start3A, %dma_start3A_1] : memref<80x128xi32, #tpu.memory_space<vmem>> -> memref<1x128xi32, #tpu.memory_space<vmem>>
    %dma_start3A_3 = tpu.memref_squeeze %dma_start3A_2 : memref<1x128xi32, #tpu.memory_space<vmem>> -> memref<128xi32, #tpu.memory_space<vmem>>
    %dma_start3A_4 = arith.constant 0 : i32
    %dma_start3A_5 = arith.constant 0 : i32
    %dma_start3A_6 = tpu.memref_slice %arg2[%dma_start3A_4, %dma_start3A_5] : memref<10000x64xf32, #tpu.memory_space<hbm>> -> memref<10000x64xf32, #tpu.memory_space<hbm>>
    tpu.enqueue_indirect_dma source(%dma_start3A_6 : memref<10000x64xf32, #tpu.memory_space<hbm>>) target(%arg9 : memref<128x64xf32, #tpu.memory_space<vmem>>) offsets(%dma_start3A_3 : memref<128xi32, #tpu.memory_space<vmem>>) semaphore(%arg18 : memref<!tpu.dma_semaphore, #tpu.memory_space<semaphore_mem>>)
    %dma_start3A_7 = arith.constant 1 : i32
    %dma_start3A_8 = arith.constant 0 : i32
    %dma_start3A_9 = tpu.memref_slice %arg7[%dma_start3A_7, %dma_start3A_8] : memref<80x128xi32, #tpu.memory_space<vmem>> -> memref<1x128xi32, #tpu.memory_space<vmem>>
    %dma_start3A_10 = tpu.memref_squeeze %dma_start3A_9 : memref<1x128xi32, #tpu.memory_space<vmem>> -> memref<128xi32, #tpu.memory_space<vmem>>
    %dma_start3A_11 = arith.constant 0 : i32
    %dma_start3A_12 = arith.constant 0 : i32
    %dma_start3A_13 = tpu.memref_slice %arg2[%dma_start3A_11, %dma_start3A_12] : memref<10000x64xf32, #tpu.memory_space<hbm>> -> memref<10000x64xf32, #tpu.memory_space<hbm>>
    tpu.enqueue_indirect_dma source(%dma_start3A_13 : memref<10000x64xf32, #tpu.memory_space<hbm>>) target(%arg10 : memref<128x64xf32, #tpu.memory_space<vmem>>) offsets(%dma_start3A_10 : memref<128xi32, #tpu.memory_space<vmem>>) semaphore(%arg19 : memref<!tpu.dma_semaphore, #tpu.memory_space<semaphore_mem>>)
    %dma_start3A_14 = arith.constant 2 : i32
    %dma_start3A_15 = arith.constant 0 : i32
    %dma_start3A_16 = tpu.memref_slice %arg7[%dma_start3A_14, %dma_start3A_15] : memref<80x128xi32, #tpu.memory_space<vmem>> -> memref<1x128xi32, #tpu.memory_space<vmem>>
    %dma_start3A_17 = tpu.memref_squeeze %dma_start3A_16 : memref<1x128xi32, #tpu.memory_space<vmem>> -> memref<128xi32, #tpu.memory_space<vmem>>
    %dma_start3A_18 = arith.constant 0 : i32
    %dma_start3A_19 = arith.constant 0 : i32
    %dma_start3A_20 = tpu.memref_slice %arg2[%dma_start3A_18, %dma_start3A_19] : memref<10000x64xf32, #tpu.memory_space<hbm>> -> memref<10000x64xf32, #tpu.memory_space<hbm>>
    tpu.enqueue_indirect_dma source(%dma_start3A_20 : memref<10000x64xf32, #tpu.memory_space<hbm>>) target(%arg11 : memref<128x64xf32, #tpu.memory_space<vmem>>) offsets(%dma_start3A_17 : memref<128xi32, #tpu.memory_space<vmem>>) semaphore(%arg20 : memref<!tpu.dma_semaphore, #tpu.memory_space<semaphore_mem>>)
    %dma_start3A_21 = arith.constant 3 : i32
    %dma_start3A_22 = arith.constant 0 : i32
    %dma_start3A_23 = tpu.memref_slice %arg7[%dma_start3A_21, %dma_start3A_22] : memref<80x128xi32, #tpu.memory_space<vmem>> -> memref<1x128xi32, #tpu.memory_space<vmem>>
    %dma_start3A_24 = tpu.memref_squeeze %dma_start3A_23 : memref<1x128xi32, #tpu.memory_space<vmem>> -> memref<128xi32, #tpu.memory_space<vmem>>
    %dma_start3A_25 = arith.constant 0 : i32
    %dma_start3A_26 = arith.constant 0 : i32
    %dma_start3A_27 = tpu.memref_slice %arg2[%dma_start3A_25, %dma_start3A_26] : memref<10000x64xf32, #tpu.memory_space<hbm>> -> memref<10000x64xf32, #tpu.memory_space<hbm>>
    tpu.enqueue_indirect_dma source(%dma_start3A_27 : memref<10000x64xf32, #tpu.memory_space<hbm>>) target(%arg12 : memref<128x64xf32, #tpu.memory_space<vmem>>) offsets(%dma_start3A_24 : memref<128xi32, #tpu.memory_space<vmem>>) semaphore(%arg21 : memref<!tpu.dma_semaphore, #tpu.memory_space<semaphore_mem>>)
    %eq3A = arith.constant 0 : i32
    %eq3A_28 = arith.cmpi eq, %arg0, %eq3A : i32
    %lt3A = arith.constant 15 : i32
    %lt3A_29 = arith.cmpi slt, %arg1, %lt3A : i32
    %and3A = arith.andi %eq3A_28, %lt3A_29 : i1
    %convert_element_type3A = arith.extui %and3A : i1 to i32
    %cond3A = arith.constant 0 : i32
    %cond3A_30 = arith.cmpi ne, %convert_element_type3A, %cond3A : i32
    scf.if %cond3A_30 {
      %mul3A_109 = arith.constant 640 : i32
      %mul3A_110 = arith.muli %arg1, %mul3A_109 : i32
      %mul3A_111 = arith.constant 640 : i32
      %mul3A_112 = arith.muli %arg1, %mul3A_111 : i32
      "tpu.region"() ({
        %run_scoped3A = tpu.sem_alloc : memref<!tpu.dma_semaphore, #tpu.memory_space<semaphore_mem>>
        %dma_start3A_113 = arith.constant 0 : i32
        %dma_start3A_114 = tpu.memref_slice %arg17[%mul3A_112, %dma_start3A_113] : memref<10240x64xf32, #tpu.memory_space<vmem_shared>> -> memref<640x64xf32, #tpu.memory_space<vmem_shared>>
        %dma_start3A_115 = arith.constant 0 : i32
        %dma_start3A_116 = tpu.memref_slice %arg2[%mul3A_110, %dma_start3A_115] : memref<10000x64xf32, #tpu.memory_space<hbm>> -> memref<640x64xf32, #tpu.memory_space<hbm>>
        tpu.enqueue_dma source(%dma_start3A_116 : memref<640x64xf32, #tpu.memory_space<hbm>>) target(%dma_start3A_114 : memref<640x64xf32, #tpu.memory_space<vmem_shared>>) target_semaphore(%run_scoped3A : memref<!tpu.dma_semaphore, #tpu.memory_space<semaphore_mem>>)
        %dma_wait3A_117 = arith.constant 0 : i32
        %dma_wait3A_118 = tpu.memref_slice %arg17[%mul3A_112, %dma_wait3A_117] : memref<10240x64xf32, #tpu.memory_space<vmem_shared>> -> memref<640x64xf32, #tpu.memory_space<vmem_shared>>
        %dma_wait3A_119 = arith.constant 0 : i32
        %dma_wait3A_120 = tpu.memref_slice %arg2[%mul3A_110, %dma_wait3A_119] : memref<10000x64xf32, #tpu.memory_space<hbm>> -> memref<640x64xf32, #tpu.memory_space<hbm>>
        tpu.wait_dma2 semaphore(%run_scoped3A : memref<!tpu.dma_semaphore, #tpu.memory_space<semaphore_mem>>) src(%dma_wait3A_120 : memref<640x64xf32, #tpu.memory_space<hbm>>) dst(%dma_wait3A_118 : memref<640x64xf32, #tpu.memory_space<vmem_shared>>)
        tpu.yield
      }) : () -> ()
    } else {
    }
    %eq3A_31 = arith.constant 0 : i32
    %eq3A_32 = arith.cmpi eq, %arg0, %eq3A_31 : i32
    %eq3A_33 = arith.constant 15 : i32
    %eq3A_34 = arith.cmpi eq, %arg1, %eq3A_33 : i32
    %and3A_35 = arith.andi %eq3A_32, %eq3A_34 : i1
    %convert_element_type3A_36 = arith.extui %and3A_35 : i1 to i32
    %cond3A_37 = arith.constant 0 : i32
    %cond3A_38 = arith.cmpi ne, %convert_element_type3A_36, %cond3A_37 : i32
    scf.if %cond3A_38 {
      "tpu.region"() ({
        %run_scoped3A = tpu.sem_alloc : memref<!tpu.dma_semaphore, #tpu.memory_space<semaphore_mem>>
        %dma_start3A_109 = arith.constant 9600 : i32
        %dma_start3A_110 = arith.constant 0 : i32
        %dma_start3A_111 = tpu.memref_slice %arg17[%dma_start3A_109, %dma_start3A_110] : memref<10240x64xf32, #tpu.memory_space<vmem_shared>> -> memref<400x64xf32, #tpu.memory_space<vmem_shared>>
        %dma_start3A_112 = arith.constant 9600 : i32
        %dma_start3A_113 = arith.constant 0 : i32
        %dma_start3A_114 = tpu.memref_slice %arg2[%dma_start3A_112, %dma_start3A_113] : memref<10000x64xf32, #tpu.memory_space<hbm>> -> memref<400x64xf32, #tpu.memory_space<hbm>>
        tpu.enqueue_dma source(%dma_start3A_114 : memref<400x64xf32, #tpu.memory_space<hbm>>) target(%dma_start3A_111 : memref<400x64xf32, #tpu.memory_space<vmem_shared>>) target_semaphore(%run_scoped3A : memref<!tpu.dma_semaphore, #tpu.memory_space<semaphore_mem>>)
        %dma_wait3A_115 = arith.constant 9600 : i32
        %dma_wait3A_116 = arith.constant 0 : i32
        %dma_wait3A_117 = tpu.memref_slice %arg17[%dma_wait3A_115, %dma_wait3A_116] : memref<10240x64xf32, #tpu.memory_space<vmem_shared>> -> memref<400x64xf32, #tpu.memory_space<vmem_shared>>
        %dma_wait3A_118 = arith.constant 9600 : i32
        %dma_wait3A_119 = arith.constant 0 : i32
        %dma_wait3A_120 = tpu.memref_slice %arg2[%dma_wait3A_118, %dma_wait3A_119] : memref<10000x64xf32, #tpu.memory_space<hbm>> -> memref<400x64xf32, #tpu.memory_space<hbm>>
        tpu.wait_dma2 semaphore(%run_scoped3A : memref<!tpu.dma_semaphore, #tpu.memory_space<semaphore_mem>>) src(%dma_wait3A_120 : memref<400x64xf32, #tpu.memory_space<hbm>>) dst(%dma_wait3A_117 : memref<400x64xf32, #tpu.memory_space<vmem_shared>>)
        tpu.yield
      }) : () -> ()
      "tpu.region"() ({
        %run_scoped3A = tpu.sem_alloc : memref<!tpu.dma_semaphore, #tpu.memory_space<semaphore_mem>>
        %dma_start3A_109 = arith.constant 10000 : i32
        %dma_start3A_110 = arith.constant 0 : i32
        %dma_start3A_111 = tpu.memref_slice %arg17[%dma_start3A_109, %dma_start3A_110] : memref<10240x64xf32, #tpu.memory_space<vmem_shared>> -> memref<240x64xf32, #tpu.memory_space<vmem_shared>>
        %dma_start3A_112 = arith.constant 10000 : i32
        %dma_start3A_113 = arith.constant 0 : i32
        %dma_start3A_114 = tpu.memref_slice %arg5[%dma_start3A_112, %dma_start3A_113] : memref<10240x64xf32, #tpu.memory_space<hbm>> -> memref<240x64xf32, #tpu.memory_space<hbm>>
        tpu.enqueue_dma source(%dma_start3A_114 : memref<240x64xf32, #tpu.memory_space<hbm>>) target(%dma_start3A_111 : memref<240x64xf32, #tpu.memory_space<vmem_shared>>) target_semaphore(%run_scoped3A : memref<!tpu.dma_semaphore, #tpu.memory_space<semaphore_mem>>)
        %dma_wait3A_115 = arith.constant 10000 : i32
        %dma_wait3A_116 = arith.constant 0 : i32
        %dma_wait3A_117 = tpu.memref_slice %arg17[%dma_wait3A_115, %dma_wait3A_116] : memref<10240x64xf32, #tpu.memory_space<vmem_shared>> -> memref<240x64xf32, #tpu.memory_space<vmem_shared>>
        %dma_wait3A_118 = arith.constant 10000 : i32
        %dma_wait3A_119 = arith.constant 0 : i32
        %dma_wait3A_120 = tpu.memref_slice %arg5[%dma_wait3A_118, %dma_wait3A_119] : memref<10240x64xf32, #tpu.memory_space<hbm>> -> memref<240x64xf32, #tpu.memory_space<hbm>>
        tpu.wait_dma2 semaphore(%run_scoped3A : memref<!tpu.dma_semaphore, #tpu.memory_space<semaphore_mem>>) src(%dma_wait3A_120 : memref<240x64xf32, #tpu.memory_space<hbm>>) dst(%dma_wait3A_117 : memref<240x64xf32, #tpu.memory_space<vmem_shared>>)
        tpu.yield
      }) : () -> ()
    } else {
    }
    %eq3A_39 = arith.constant 1 : i32
    %eq3A_40 = arith.cmpi eq, %arg0, %eq3A_39 : i32
    %convert_element_type3A_41 = arith.extui %eq3A_40 : i1 to i32
    %cond3A_42 = arith.constant 0 : i32
    %cond3A_43 = arith.cmpi ne, %convert_element_type3A_41, %cond3A_42 : i32
    scf.if %cond3A_43 {
      %mul3A_109 = arith.constant 640 : i32
      %mul3A_110 = arith.muli %arg1, %mul3A_109 : i32
      %mul3A_111 = arith.constant 640 : i32
      %mul3A_112 = arith.muli %arg1, %mul3A_111 : i32
      "tpu.region"() ({
        %run_scoped3A = tpu.sem_alloc : memref<!tpu.dma_semaphore, #tpu.memory_space<semaphore_mem>>
        %dma_start3A_113 = arith.constant 0 : i32
        %dma_start3A_114 = tpu.memref_slice %arg17[%mul3A_112, %dma_start3A_113] : memref<10240x64xf32, #tpu.memory_space<vmem_shared>> -> memref<640x64xf32, #tpu.memory_space<vmem_shared>>
        %dma_start3A_115 = arith.constant 0 : i32
        %dma_start3A_116 = tpu.memref_slice %arg5[%mul3A_110, %dma_start3A_115] : memref<10240x64xf32, #tpu.memory_space<hbm>> -> memref<640x64xf32, #tpu.memory_space<hbm>>
        tpu.enqueue_dma source(%dma_start3A_116 : memref<640x64xf32, #tpu.memory_space<hbm>>) target(%dma_start3A_114 : memref<640x64xf32, #tpu.memory_space<vmem_shared>>) target_semaphore(%run_scoped3A : memref<!tpu.dma_semaphore, #tpu.memory_space<semaphore_mem>>)
        %dma_wait3A_117 = arith.constant 0 : i32
        %dma_wait3A_118 = tpu.memref_slice %arg17[%mul3A_112, %dma_wait3A_117] : memref<10240x64xf32, #tpu.memory_space<vmem_shared>> -> memref<640x64xf32, #tpu.memory_space<vmem_shared>>
        %dma_wait3A_119 = arith.constant 0 : i32
        %dma_wait3A_120 = tpu.memref_slice %arg5[%mul3A_110, %dma_wait3A_119] : memref<10240x64xf32, #tpu.memory_space<hbm>> -> memref<640x64xf32, #tpu.memory_space<hbm>>
        tpu.wait_dma2 semaphore(%run_scoped3A : memref<!tpu.dma_semaphore, #tpu.memory_space<semaphore_mem>>) src(%dma_wait3A_120 : memref<640x64xf32, #tpu.memory_space<hbm>>) dst(%dma_wait3A_118 : memref<640x64xf32, #tpu.memory_space<vmem_shared>>)
        tpu.yield
      }) : () -> ()
    } else {
    }
    %barrier3A = arith.constant 0 : index
    tpu.barrier barrier_id(%barrier3A)
    %scan3A = arith.constant 0 : i32
    %scan3A_44 = arith.constant 0 : i32
    %scan3A_45 = arith.constant 10 : i32
    %scan3A_46 = arith.addi %scan3A_44, %scan3A_45 : i32
    %scan3A_47 = arith.constant 1 : i32
    scf.for %scan3A_109 = %scan3A_44 to %scan3A_46 step %scan3A_47  : i32 {
      %mul3A_110 = arith.constant 8 : i32
      %mul3A_111 = arith.muli %mul3A_110, %scan3A_109 : i32
      %add3A_112 = arith.constant 0 : i32
      %add3A_113 = arith.addi %mul3A_111, %add3A_112 : i32
      %dma_wait3A_114 = arith.constant 0 : i32
      %dma_wait3A_115 = tpu.memref_slice %arg7[%add3A_113, %dma_wait3A_114] : memref<80x128xi32, #tpu.memory_space<vmem>> -> memref<1x128xi32, #tpu.memory_space<vmem>>
      %dma_wait3A_116 = tpu.memref_squeeze %dma_wait3A_115 : memref<1x128xi32, #tpu.memory_space<vmem>> -> memref<128xi32, #tpu.memory_space<vmem>>
      %dma_wait3A_117 = arith.constant 0 : i32
      %dma_wait3A_118 = arith.constant 0 : i32
      %dma_wait3A_119 = tpu.memref_slice %arg2[%dma_wait3A_117, %dma_wait3A_118] : memref<10000x64xf32, #tpu.memory_space<hbm>> -> memref<10000x64xf32, #tpu.memory_space<hbm>>
      tpu.wait_indirect_dma semaphore(%arg18 : memref<!tpu.dma_semaphore, #tpu.memory_space<semaphore_mem>>) src(%dma_wait3A_119 : memref<10000x64xf32, #tpu.memory_space<hbm>>) dst(%arg9 : memref<128x64xf32, #tpu.memory_space<vmem>>)
      %dma_start3A_120 = arith.constant 0 : i32
      %dma_start3A_121 = tpu.memref_slice %arg8[%add3A_113, %dma_start3A_120] : memref<80x128xi32, #tpu.memory_space<vmem>> -> memref<1x128xi32, #tpu.memory_space<vmem>>
      %dma_start3A_122 = tpu.memref_squeeze %dma_start3A_121 : memref<1x128xi32, #tpu.memory_space<vmem>> -> memref<128xi32, #tpu.memory_space<vmem>>
      %dma_start3A_123 = arith.constant 0 : i32
      %dma_start3A_124 = arith.constant 0 : i32
      %dma_start3A_125 = tpu.memref_slice %arg17[%dma_start3A_123, %dma_start3A_124] : memref<10240x64xf32, #tpu.memory_space<vmem_shared>> -> memref<10240x64xf32, #tpu.memory_space<vmem_shared>>
      tpu.enqueue_indirect_dma source(%arg9 : memref<128x64xf32, #tpu.memory_space<vmem>>) target(%dma_start3A_125 : memref<10240x64xf32, #tpu.memory_space<vmem_shared>>) offsets(%dma_start3A_122 : memref<128xi32, #tpu.memory_space<vmem>>) semaphore(%arg26 : memref<!tpu.dma_semaphore, #tpu.memory_space<semaphore_mem>>) {add = true}
      %add3A_126 = arith.constant 4 : i32
      %add3A_127 = arith.addi %add3A_113, %add3A_126 : i32
      %lt3A_128 = arith.constant 80 : i32
      %lt3A_129 = arith.cmpi slt, %add3A_127, %lt3A_128 : i32
      %ge3A = arith.constant 4 : i32
      %ge3A_130 = arith.cmpi sge, %add3A_113, %ge3A : i32
      %and3A_131 = arith.andi %lt3A_129, %ge3A_130 : i1
      %convert_element_type3A_132 = arith.extui %and3A_131 : i1 to i32
      %cond3A_133 = arith.constant 0 : i32
      %cond3A_134 = arith.cmpi ne, %convert_element_type3A_132, %cond3A_133 : i32
      scf.if %cond3A_134 {
        %sub3A = arith.constant 4 : i32
        %sub3A_373 = arith.subi %add3A_113, %sub3A : i32
        %dma_wait3A_374 = arith.constant 0 : i32
        %dma_wait3A_375 = tpu.memref_slice %arg8[%sub3A_373, %dma_wait3A_374] : memref<80x128xi32, #tpu.memory_space<vmem>> -> memref<1x128xi32, #tpu.memory_space<vmem>>
        %dma_wait3A_376 = tpu.memref_squeeze %dma_wait3A_375 : memref<1x128xi32, #tpu.memory_space<vmem>> -> memref<128xi32, #tpu.memory_space<vmem>>
        %dma_wait3A_377 = arith.constant 0 : i32
        %dma_wait3A_378 = arith.constant 0 : i32
        %dma_wait3A_379 = tpu.memref_slice %arg17[%dma_wait3A_377, %dma_wait3A_378] : memref<10240x64xf32, #tpu.memory_space<vmem_shared>> -> memref<10240x64xf32, #tpu.memory_space<vmem_shared>>
        tpu.wait_indirect_dma semaphore(%arg30 : memref<!tpu.dma_semaphore, #tpu.memory_space<semaphore_mem>>) src(%arg13 : memref<128x64xf32, #tpu.memory_space<vmem>>) dst(%dma_wait3A_379 : memref<10240x64xf32, #tpu.memory_space<vmem_shared>>)
      } else {
      }
      %add3A_135 = arith.constant 4 : i32
      %add3A_136 = arith.addi %add3A_113, %add3A_135 : i32
      %lt3A_137 = arith.constant 80 : i32
      %lt3A_138 = arith.cmpi slt, %add3A_136, %lt3A_137 : i32
      %convert_element_type3A_139 = arith.extui %lt3A_138 : i1 to i32
      %cond3A_140 = arith.constant 0 : i32
      %cond3A_141 = arith.cmpi ne, %convert_element_type3A_139, %cond3A_140 : i32
      scf.if %cond3A_141 {
        %add3A_373 = arith.constant 4 : i32
        %add3A_374 = arith.addi %add3A_113, %add3A_373 : i32
        %dma_start3A_375 = arith.constant 0 : i32
        %dma_start3A_376 = tpu.memref_slice %arg7[%add3A_374, %dma_start3A_375] : memref<80x128xi32, #tpu.memory_space<vmem>> -> memref<1x128xi32, #tpu.memory_space<vmem>>
        %dma_start3A_377 = tpu.memref_squeeze %dma_start3A_376 : memref<1x128xi32, #tpu.memory_space<vmem>> -> memref<128xi32, #tpu.memory_space<vmem>>
        %dma_start3A_378 = arith.constant 0 : i32
        %dma_start3A_379 = arith.constant 0 : i32
        %dma_start3A_380 = tpu.memref_slice %arg2[%dma_start3A_378, %dma_start3A_379] : memref<10000x64xf32, #tpu.memory_space<hbm>> -> memref<10000x64xf32, #tpu.memory_space<hbm>>
        tpu.enqueue_indirect_dma source(%dma_start3A_380 : memref<10000x64xf32, #tpu.memory_space<hbm>>) target(%arg13 : memref<128x64xf32, #tpu.memory_space<vmem>>) offsets(%dma_start3A_377 : memref<128xi32, #tpu.memory_space<vmem>>) semaphore(%arg22 : memref<!tpu.dma_semaphore, #tpu.memory_space<semaphore_mem>>)
      } else {
      }
      %mul3A_142 = arith.constant 8 : i32
      %mul3A_143 = arith.muli %mul3A_142, %scan3A_109 : i32
      %add3A_144 = arith.constant 1 : i32
      %add3A_145 = arith.addi %mul3A_143, %add3A_144 : i32
      %dma_wait3A_146 = arith.constant 0 : i32
      %dma_wait3A_147 = tpu.memref_slice %arg7[%add3A_145, %dma_wait3A_146] : memref<80x128xi32, #tpu.memory_space<vmem>> -> memref<1x128xi32, #tpu.memory_space<vmem>>
      %dma_wait3A_148 = tpu.memref_squeeze %dma_wait3A_147 : memref<1x128xi32, #tpu.memory_space<vmem>> -> memref<128xi32, #tpu.memory_space<vmem>>
      %dma_wait3A_149 = arith.constant 0 : i32
      %dma_wait3A_150 = arith.constant 0 : i32
      %dma_wait3A_151 = tpu.memref_slice %arg2[%dma_wait3A_149, %dma_wait3A_150] : memref<10000x64xf32, #tpu.memory_space<hbm>> -> memref<10000x64xf32, #tpu.memory_space<hbm>>
      tpu.wait_indirect_dma semaphore(%arg19 : memref<!tpu.dma_semaphore, #tpu.memory_space<semaphore_mem>>) src(%dma_wait3A_151 : memref<10000x64xf32, #tpu.memory_space<hbm>>) dst(%arg10 : memref<128x64xf32, #tpu.memory_space<vmem>>)
      %dma_start3A_152 = arith.constant 0 : i32
      %dma_start3A_153 = tpu.memref_slice %arg8[%add3A_145, %dma_start3A_152] : memref<80x128xi32, #tpu.memory_space<vmem>> -> memref<1x128xi32, #tpu.memory_space<vmem>>
      %dma_start3A_154 = tpu.memref_squeeze %dma_start3A_153 : memref<1x128xi32, #tpu.memory_space<vmem>> -> memref<128xi32, #tpu.memory_space<vmem>>
      %dma_start3A_155 = arith.constant 0 : i32
      %dma_start3A_156 = arith.constant 0 : i32
      %dma_start3A_157 = tpu.memref_slice %arg17[%dma_start3A_155, %dma_start3A_156] : memref<10240x64xf32, #tpu.memory_space<vmem_shared>> -> memref<10240x64xf32, #tpu.memory_space<vmem_shared>>
      tpu.enqueue_indirect_dma source(%arg10 : memref<128x64xf32, #tpu.memory_space<vmem>>) target(%dma_start3A_157 : memref<10240x64xf32, #tpu.memory_space<vmem_shared>>) offsets(%dma_start3A_154 : memref<128xi32, #tpu.memory_space<vmem>>) semaphore(%arg27 : memref<!tpu.dma_semaphore, #tpu.memory_space<semaphore_mem>>) {add = true}
      %add3A_158 = arith.constant 4 : i32
      %add3A_159 = arith.addi %add3A_145, %add3A_158 : i32
      %lt3A_160 = arith.constant 80 : i32
      %lt3A_161 = arith.cmpi slt, %add3A_159, %lt3A_160 : i32
      %ge3A_162 = arith.constant 4 : i32
      %ge3A_163 = arith.cmpi sge, %add3A_145, %ge3A_162 : i32
      %and3A_164 = arith.andi %lt3A_161, %ge3A_163 : i1
      %convert_element_type3A_165 = arith.extui %and3A_164 : i1 to i32
      %cond3A_166 = arith.constant 0 : i32
      %cond3A_167 = arith.cmpi ne, %convert_element_type3A_165, %cond3A_166 : i32
      scf.if %cond3A_167 {
        %sub3A = arith.constant 4 : i32
        %sub3A_373 = arith.subi %add3A_145, %sub3A : i32
        %dma_wait3A_374 = arith.constant 0 : i32
        %dma_wait3A_375 = tpu.memref_slice %arg8[%sub3A_373, %dma_wait3A_374] : memref<80x128xi32, #tpu.memory_space<vmem>> -> memref<1x128xi32, #tpu.memory_space<vmem>>
        %dma_wait3A_376 = tpu.memref_squeeze %dma_wait3A_375 : memref<1x128xi32, #tpu.memory_space<vmem>> -> memref<128xi32, #tpu.memory_space<vmem>>
        %dma_wait3A_377 = arith.constant 0 : i32
        %dma_wait3A_378 = arith.constant 0 : i32
        %dma_wait3A_379 = tpu.memref_slice %arg17[%dma_wait3A_377, %dma_wait3A_378] : memref<10240x64xf32, #tpu.memory_space<vmem_shared>> -> memref<10240x64xf32, #tpu.memory_space<vmem_shared>>
        tpu.wait_indirect_dma semaphore(%arg31 : memref<!tpu.dma_semaphore, #tpu.memory_space<semaphore_mem>>) src(%arg14 : memref<128x64xf32, #tpu.memory_space<vmem>>) dst(%dma_wait3A_379 : memref<10240x64xf32, #tpu.memory_space<vmem_shared>>)
      } else {
      }
      %add3A_168 = arith.constant 4 : i32
      %add3A_169 = arith.addi %add3A_145, %add3A_168 : i32
      %lt3A_170 = arith.constant 80 : i32
      %lt3A_171 = arith.cmpi slt, %add3A_169, %lt3A_170 : i32
      %convert_element_type3A_172 = arith.extui %lt3A_171 : i1 to i32
      %cond3A_173 = arith.constant 0 : i32
      %cond3A_174 = arith.cmpi ne, %convert_element_type3A_172, %cond3A_173 : i32
      scf.if %cond3A_174 {
        %add3A_373 = arith.constant 4 : i32
        %add3A_374 = arith.addi %add3A_145, %add3A_373 : i32
        %dma_start3A_375 = arith.constant 0 : i32
        %dma_start3A_376 = tpu.memref_slice %arg7[%add3A_374, %dma_start3A_375] : memref<80x128xi32, #tpu.memory_space<vmem>> -> memref<1x128xi32, #tpu.memory_space<vmem>>
        %dma_start3A_377 = tpu.memref_squeeze %dma_start3A_376 : memref<1x128xi32, #tpu.memory_space<vmem>> -> memref<128xi32, #tpu.memory_space<vmem>>
        %dma_start3A_378 = arith.constant 0 : i32
        %dma_start3A_379 = arith.constant 0 : i32
        %dma_start3A_380 = tpu.memref_slice %arg2[%dma_start3A_378, %dma_start3A_379] : memref<10000x64xf32, #tpu.memory_space<hbm>> -> memref<10000x64xf32, #tpu.memory_space<hbm>>
        tpu.enqueue_indirect_dma source(%dma_start3A_380 : memref<10000x64xf32, #tpu.memory_space<hbm>>) target(%arg14 : memref<128x64xf32, #tpu.memory_space<vmem>>) offsets(%dma_start3A_377 : memref<128xi32, #tpu.memory_space<vmem>>) semaphore(%arg23 : memref<!tpu.dma_semaphore, #tpu.memory_space<semaphore_mem>>)
      } else {
      }
      %mul3A_175 = arith.constant 8 : i32
      %mul3A_176 = arith.muli %mul3A_175, %scan3A_109 : i32
      %add3A_177 = arith.constant 2 : i32
      %add3A_178 = arith.addi %mul3A_176, %add3A_177 : i32
      %dma_wait3A_179 = arith.constant 0 : i32
      %dma_wait3A_180 = tpu.memref_slice %arg7[%add3A_178, %dma_wait3A_179] : memref<80x128xi32, #tpu.memory_space<vmem>> -> memref<1x128xi32, #tpu.memory_space<vmem>>
      %dma_wait3A_181 = tpu.memref_squeeze %dma_wait3A_180 : memref<1x128xi32, #tpu.memory_space<vmem>> -> memref<128xi32, #tpu.memory_space<vmem>>
      %dma_wait3A_182 = arith.constant 0 : i32
      %dma_wait3A_183 = arith.constant 0 : i32
      %dma_wait3A_184 = tpu.memref_slice %arg2[%dma_wait3A_182, %dma_wait3A_183] : memref<10000x64xf32, #tpu.memory_space<hbm>> -> memref<10000x64xf32, #tpu.memory_space<hbm>>
      tpu.wait_indirect_dma semaphore(%arg20 : memref<!tpu.dma_semaphore, #tpu.memory_space<semaphore_mem>>) src(%dma_wait3A_184 : memref<10000x64xf32, #tpu.memory_space<hbm>>) dst(%arg11 : memref<128x64xf32, #tpu.memory_space<vmem>>)
      %dma_start3A_185 = arith.constant 0 : i32
      %dma_start3A_186 = tpu.memref_slice %arg8[%add3A_178, %dma_start3A_185] : memref<80x128xi32, #tpu.memory_space<vmem>> -> memref<1x128xi32, #tpu.memory_space<vmem>>
      %dma_start3A_187 = tpu.memref_squeeze %dma_start3A_186 : memref<1x128xi32, #tpu.memory_space<vmem>> -> memref<128xi32, #tpu.memory_space<vmem>>
      %dma_start3A_188 = arith.constant 0 : i32
      %dma_start3A_189 = arith.constant 0 : i32
      %dma_start3A_190 = tpu.memref_slice %arg17[%dma_start3A_188, %dma_start3A_189] : memref<10240x64xf32, #tpu.memory_space<vmem_shared>> -> memref<10240x64xf32, #tpu.memory_space<vmem_shared>>
      tpu.enqueue_indirect_dma source(%arg11 : memref<128x64xf32, #tpu.memory_space<vmem>>) target(%dma_start3A_190 : memref<10240x64xf32, #tpu.memory_space<vmem_shared>>) offsets(%dma_start3A_187 : memref<128xi32, #tpu.memory_space<vmem>>) semaphore(%arg28 : memref<!tpu.dma_semaphore, #tpu.memory_space<semaphore_mem>>) {add = true}
      %add3A_191 = arith.constant 4 : i32
      %add3A_192 = arith.addi %add3A_178, %add3A_191 : i32
      %lt3A_193 = arith.constant 80 : i32
      %lt3A_194 = arith.cmpi slt, %add3A_192, %lt3A_193 : i32
      %ge3A_195 = arith.constant 4 : i32
      %ge3A_196 = arith.cmpi sge, %add3A_178, %ge3A_195 : i32
      %and3A_197 = arith.andi %lt3A_194, %ge3A_196 : i1
      %convert_element_type3A_198 = arith.extui %and3A_197 : i1 to i32
      %cond3A_199 = arith.constant 0 : i32
      %cond3A_200 = arith.cmpi ne, %convert_element_type3A_198, %cond3A_199 : i32
      scf.if %cond3A_200 {
        %sub3A = arith.constant 4 : i32
        %sub3A_373 = arith.subi %add3A_178, %sub3A : i32
        %dma_wait3A_374 = arith.constant 0 : i32
        %dma_wait3A_375 = tpu.memref_slice %arg8[%sub3A_373, %dma_wait3A_374] : memref<80x128xi32, #tpu.memory_space<vmem>> -> memref<1x128xi32, #tpu.memory_space<vmem>>
        %dma_wait3A_376 = tpu.memref_squeeze %dma_wait3A_375 : memref<1x128xi32, #tpu.memory_space<vmem>> -> memref<128xi32, #tpu.memory_space<vmem>>
        %dma_wait3A_377 = arith.constant 0 : i32
        %dma_wait3A_378 = arith.constant 0 : i32
        %dma_wait3A_379 = tpu.memref_slice %arg17[%dma_wait3A_377, %dma_wait3A_378] : memref<10240x64xf32, #tpu.memory_space<vmem_shared>> -> memref<10240x64xf32, #tpu.memory_space<vmem_shared>>
        tpu.wait_indirect_dma semaphore(%arg32 : memref<!tpu.dma_semaphore, #tpu.memory_space<semaphore_mem>>) src(%arg15 : memref<128x64xf32, #tpu.memory_space<vmem>>) dst(%dma_wait3A_379 : memref<10240x64xf32, #tpu.memory_space<vmem_shared>>)
      } else {
      }
      %add3A_201 = arith.constant 4 : i32
      %add3A_202 = arith.addi %add3A_178, %add3A_201 : i32
      %lt3A_203 = arith.constant 80 : i32
      %lt3A_204 = arith.cmpi slt, %add3A_202, %lt3A_203 : i32
      %convert_element_type3A_205 = arith.extui %lt3A_204 : i1 to i32
      %cond3A_206 = arith.constant 0 : i32
      %cond3A_207 = arith.cmpi ne, %convert_element_type3A_205, %cond3A_206 : i32
      scf.if %cond3A_207 {
        %add3A_373 = arith.constant 4 : i32
        %add3A_374 = arith.addi %add3A_178, %add3A_373 : i32
        %dma_start3A_375 = arith.constant 0 : i32
        %dma_start3A_376 = tpu.memref_slice %arg7[%add3A_374, %dma_start3A_375] : memref<80x128xi32, #tpu.memory_space<vmem>> -> memref<1x128xi32, #tpu.memory_space<vmem>>
        %dma_start3A_377 = tpu.memref_squeeze %dma_start3A_376 : memref<1x128xi32, #tpu.memory_space<vmem>> -> memref<128xi32, #tpu.memory_space<vmem>>
        %dma_start3A_378 = arith.constant 0 : i32
        %dma_start3A_379 = arith.constant 0 : i32
        %dma_start3A_380 = tpu.memref_slice %arg2[%dma_start3A_378, %dma_start3A_379] : memref<10000x64xf32, #tpu.memory_space<hbm>> -> memref<10000x64xf32, #tpu.memory_space<hbm>>
        tpu.enqueue_indirect_dma source(%dma_start3A_380 : memref<10000x64xf32, #tpu.memory_space<hbm>>) target(%arg15 : memref<128x64xf32, #tpu.memory_space<vmem>>) offsets(%dma_start3A_377 : memref<128xi32, #tpu.memory_space<vmem>>) semaphore(%arg24 : memref<!tpu.dma_semaphore, #tpu.memory_space<semaphore_mem>>)
      } else {
      }
      %mul3A_208 = arith.constant 8 : i32
      %mul3A_209 = arith.muli %mul3A_208, %scan3A_109 : i32
      %add3A_210 = arith.constant 3 : i32
      %add3A_211 = arith.addi %mul3A_209, %add3A_210 : i32
      %dma_wait3A_212 = arith.constant 0 : i32
      %dma_wait3A_213 = tpu.memref_slice %arg7[%add3A_211, %dma_wait3A_212] : memref<80x128xi32, #tpu.memory_space<vmem>> -> memref<1x128xi32, #tpu.memory_space<vmem>>
      %dma_wait3A_214 = tpu.memref_squeeze %dma_wait3A_213 : memref<1x128xi32, #tpu.memory_space<vmem>> -> memref<128xi32, #tpu.memory_space<vmem>>
      %dma_wait3A_215 = arith.constant 0 : i32
      %dma_wait3A_216 = arith.constant 0 : i32
      %dma_wait3A_217 = tpu.memref_slice %arg2[%dma_wait3A_215, %dma_wait3A_216] : memref<10000x64xf32, #tpu.memory_space<hbm>> -> memref<10000x64xf32, #tpu.memory_space<hbm>>
      tpu.wait_indirect_dma semaphore(%arg21 : memref<!tpu.dma_semaphore, #tpu.memory_space<semaphore_mem>>) src(%dma_wait3A_217 : memref<10000x64xf32, #tpu.memory_space<hbm>>) dst(%arg12 : memref<128x64xf32, #tpu.memory_space<vmem>>)
      %dma_start3A_218 = arith.constant 0 : i32
      %dma_start3A_219 = tpu.memref_slice %arg8[%add3A_211, %dma_start3A_218] : memref<80x128xi32, #tpu.memory_space<vmem>> -> memref<1x128xi32, #tpu.memory_space<vmem>>
      %dma_start3A_220 = tpu.memref_squeeze %dma_start3A_219 : memref<1x128xi32, #tpu.memory_space<vmem>> -> memref<128xi32, #tpu.memory_space<vmem>>
      %dma_start3A_221 = arith.constant 0 : i32
      %dma_start3A_222 = arith.constant 0 : i32
      %dma_start3A_223 = tpu.memref_slice %arg17[%dma_start3A_221, %dma_start3A_222] : memref<10240x64xf32, #tpu.memory_space<vmem_shared>> -> memref<10240x64xf32, #tpu.memory_space<vmem_shared>>
      tpu.enqueue_indirect_dma source(%arg12 : memref<128x64xf32, #tpu.memory_space<vmem>>) target(%dma_start3A_223 : memref<10240x64xf32, #tpu.memory_space<vmem_shared>>) offsets(%dma_start3A_220 : memref<128xi32, #tpu.memory_space<vmem>>) semaphore(%arg29 : memref<!tpu.dma_semaphore, #tpu.memory_space<semaphore_mem>>) {add = true}
      %add3A_224 = arith.constant 4 : i32
      %add3A_225 = arith.addi %add3A_211, %add3A_224 : i32
      %lt3A_226 = arith.constant 80 : i32
      %lt3A_227 = arith.cmpi slt, %add3A_225, %lt3A_226 : i32
      %ge3A_228 = arith.constant 4 : i32
      %ge3A_229 = arith.cmpi sge, %add3A_211, %ge3A_228 : i32
      %and3A_230 = arith.andi %lt3A_227, %ge3A_229 : i1
      %convert_element_type3A_231 = arith.extui %and3A_230 : i1 to i32
      %cond3A_232 = arith.constant 0 : i32
      %cond3A_233 = arith.cmpi ne, %convert_element_type3A_231, %cond3A_232 : i32
      scf.if %cond3A_233 {
        %sub3A = arith.constant 4 : i32
        %sub3A_373 = arith.subi %add3A_211, %sub3A : i32
        %dma_wait3A_374 = arith.constant 0 : i32
        %dma_wait3A_375 = tpu.memref_slice %arg8[%sub3A_373, %dma_wait3A_374] : memref<80x128xi32, #tpu.memory_space<vmem>> -> memref<1x128xi32, #tpu.memory_space<vmem>>
        %dma_wait3A_376 = tpu.memref_squeeze %dma_wait3A_375 : memref<1x128xi32, #tpu.memory_space<vmem>> -> memref<128xi32, #tpu.memory_space<vmem>>
        %dma_wait3A_377 = arith.constant 0 : i32
        %dma_wait3A_378 = arith.constant 0 : i32
        %dma_wait3A_379 = tpu.memref_slice %arg17[%dma_wait3A_377, %dma_wait3A_378] : memref<10240x64xf32, #tpu.memory_space<vmem_shared>> -> memref<10240x64xf32, #tpu.memory_space<vmem_shared>>
        tpu.wait_indirect_dma semaphore(%arg33 : memref<!tpu.dma_semaphore, #tpu.memory_space<semaphore_mem>>) src(%arg16 : memref<128x64xf32, #tpu.memory_space<vmem>>) dst(%dma_wait3A_379 : memref<10240x64xf32, #tpu.memory_space<vmem_shared>>)
      } else {
      }
      %add3A_234 = arith.constant 4 : i32
      %add3A_235 = arith.addi %add3A_211, %add3A_234 : i32
      %lt3A_236 = arith.constant 80 : i32
      %lt3A_237 = arith.cmpi slt, %add3A_235, %lt3A_236 : i32
      %convert_element_type3A_238 = arith.extui %lt3A_237 : i1 to i32
      %cond3A_239 = arith.constant 0 : i32
      %cond3A_240 = arith.cmpi ne, %convert_element_type3A_238, %cond3A_239 : i32
      scf.if %cond3A_240 {
        %add3A_373 = arith.constant 4 : i32
        %add3A_374 = arith.addi %add3A_211, %add3A_373 : i32
        %dma_start3A_375 = arith.constant 0 : i32
        %dma_start3A_376 = tpu.memref_slice %arg7[%add3A_374, %dma_start3A_375] : memref<80x128xi32, #tpu.memory_space<vmem>> -> memref<1x128xi32, #tpu.memory_space<vmem>>
        %dma_start3A_377 = tpu.memref_squeeze %dma_start3A_376 : memref<1x128xi32, #tpu.memory_space<vmem>> -> memref<128xi32, #tpu.memory_space<vmem>>
        %dma_start3A_378 = arith.constant 0 : i32
        %dma_start3A_379 = arith.constant 0 : i32
        %dma_start3A_380 = tpu.memref_slice %arg2[%dma_start3A_378, %dma_start3A_379] : memref<10000x64xf32, #tpu.memory_space<hbm>> -> memref<10000x64xf32, #tpu.memory_space<hbm>>
        tpu.enqueue_indirect_dma source(%dma_start3A_380 : memref<10000x64xf32, #tpu.memory_space<hbm>>) target(%arg16 : memref<128x64xf32, #tpu.memory_space<vmem>>) offsets(%dma_start3A_377 : memref<128xi32, #tpu.memory_space<vmem>>) semaphore(%arg25 : memref<!tpu.dma_semaphore, #tpu.memory_space<semaphore_mem>>)
      } else {
      }
      %mul3A_241 = arith.constant 8 : i32
      %mul3A_242 = arith.muli %mul3A_241, %scan3A_109 : i32
      %add3A_243 = arith.constant 4 : i32
      %add3A_244 = arith.addi %mul3A_242, %add3A_243 : i32
      %dma_wait3A_245 = arith.constant 0 : i32
      %dma_wait3A_246 = tpu.memref_slice %arg7[%add3A_244, %dma_wait3A_245] : memref<80x128xi32, #tpu.memory_space<vmem>> -> memref<1x128xi32, #tpu.memory_space<vmem>>
      %dma_wait3A_247 = tpu.memref_squeeze %dma_wait3A_246 : memref<1x128xi32, #tpu.memory_space<vmem>> -> memref<128xi32, #tpu.memory_space<vmem>>
      %dma_wait3A_248 = arith.constant 0 : i32
      %dma_wait3A_249 = arith.constant 0 : i32
      %dma_wait3A_250 = tpu.memref_slice %arg2[%dma_wait3A_248, %dma_wait3A_249] : memref<10000x64xf32, #tpu.memory_space<hbm>> -> memref<10000x64xf32, #tpu.memory_space<hbm>>
      tpu.wait_indirect_dma semaphore(%arg22 : memref<!tpu.dma_semaphore, #tpu.memory_space<semaphore_mem>>) src(%dma_wait3A_250 : memref<10000x64xf32, #tpu.memory_space<hbm>>) dst(%arg13 : memref<128x64xf32, #tpu.memory_space<vmem>>)
      %dma_start3A_251 = arith.constant 0 : i32
      %dma_start3A_252 = tpu.memref_slice %arg8[%add3A_244, %dma_start3A_251] : memref<80x128xi32, #tpu.memory_space<vmem>> -> memref<1x128xi32, #tpu.memory_space<vmem>>
      %dma_start3A_253 = tpu.memref_squeeze %dma_start3A_252 : memref<1x128xi32, #tpu.memory_space<vmem>> -> memref<128xi32, #tpu.memory_space<vmem>>
      %dma_start3A_254 = arith.constant 0 : i32
      %dma_start3A_255 = arith.constant 0 : i32
      %dma_start3A_256 = tpu.memref_slice %arg17[%dma_start3A_254, %dma_start3A_255] : memref<10240x64xf32, #tpu.memory_space<vmem_shared>> -> memref<10240x64xf32, #tpu.memory_space<vmem_shared>>
      tpu.enqueue_indirect_dma source(%arg13 : memref<128x64xf32, #tpu.memory_space<vmem>>) target(%dma_start3A_256 : memref<10240x64xf32, #tpu.memory_space<vmem_shared>>) offsets(%dma_start3A_253 : memref<128xi32, #tpu.memory_space<vmem>>) semaphore(%arg30 : memref<!tpu.dma_semaphore, #tpu.memory_space<semaphore_mem>>) {add = true}
      %add3A_257 = arith.constant 4 : i32
      %add3A_258 = arith.addi %add3A_244, %add3A_257 : i32
      %lt3A_259 = arith.constant 80 : i32
      %lt3A_260 = arith.cmpi slt, %add3A_258, %lt3A_259 : i32
      %ge3A_261 = arith.constant 4 : i32
      %ge3A_262 = arith.cmpi sge, %add3A_244, %ge3A_261 : i32
      %and3A_263 = arith.andi %lt3A_260, %ge3A_262 : i1
      %convert_element_type3A_264 = arith.extui %and3A_263 : i1 to i32
      %cond3A_265 = arith.constant 0 : i32
      %cond3A_266 = arith.cmpi ne, %convert_element_type3A_264, %cond3A_265 : i32
      scf.if %cond3A_266 {
        %sub3A = arith.constant 4 : i32
        %sub3A_373 = arith.subi %add3A_244, %sub3A : i32
        %dma_wait3A_374 = arith.constant 0 : i32
        %dma_wait3A_375 = tpu.memref_slice %arg8[%sub3A_373, %dma_wait3A_374] : memref<80x128xi32, #tpu.memory_space<vmem>> -> memref<1x128xi32, #tpu.memory_space<vmem>>
        %dma_wait3A_376 = tpu.memref_squeeze %dma_wait3A_375 : memref<1x128xi32, #tpu.memory_space<vmem>> -> memref<128xi32, #tpu.memory_space<vmem>>
        %dma_wait3A_377 = arith.constant 0 : i32
        %dma_wait3A_378 = arith.constant 0 : i32
        %dma_wait3A_379 = tpu.memref_slice %arg17[%dma_wait3A_377, %dma_wait3A_378] : memref<10240x64xf32, #tpu.memory_space<vmem_shared>> -> memref<10240x64xf32, #tpu.memory_space<vmem_shared>>
        tpu.wait_indirect_dma semaphore(%arg26 : memref<!tpu.dma_semaphore, #tpu.memory_space<semaphore_mem>>) src(%arg9 : memref<128x64xf32, #tpu.memory_space<vmem>>) dst(%dma_wait3A_379 : memref<10240x64xf32, #tpu.memory_space<vmem_shared>>)
      } else {
      }
      %add3A_267 = arith.constant 4 : i32
      %add3A_268 = arith.addi %add3A_244, %add3A_267 : i32
      %lt3A_269 = arith.constant 80 : i32
      %lt3A_270 = arith.cmpi slt, %add3A_268, %lt3A_269 : i32
      %convert_element_type3A_271 = arith.extui %lt3A_270 : i1 to i32
      %cond3A_272 = arith.constant 0 : i32
      %cond3A_273 = arith.cmpi ne, %convert_element_type3A_271, %cond3A_272 : i32
      scf.if %cond3A_273 {
        %add3A_373 = arith.constant 4 : i32
        %add3A_374 = arith.addi %add3A_244, %add3A_373 : i32
        %dma_start3A_375 = arith.constant 0 : i32
        %dma_start3A_376 = tpu.memref_slice %arg7[%add3A_374, %dma_start3A_375] : memref<80x128xi32, #tpu.memory_space<vmem>> -> memref<1x128xi32, #tpu.memory_space<vmem>>
        %dma_start3A_377 = tpu.memref_squeeze %dma_start3A_376 : memref<1x128xi32, #tpu.memory_space<vmem>> -> memref<128xi32, #tpu.memory_space<vmem>>
        %dma_start3A_378 = arith.constant 0 : i32
        %dma_start3A_379 = arith.constant 0 : i32
        %dma_start3A_380 = tpu.memref_slice %arg2[%dma_start3A_378, %dma_start3A_379] : memref<10000x64xf32, #tpu.memory_space<hbm>> -> memref<10000x64xf32, #tpu.memory_space<hbm>>
        tpu.enqueue_indirect_dma source(%dma_start3A_380 : memref<10000x64xf32, #tpu.memory_space<hbm>>) target(%arg9 : memref<128x64xf32, #tpu.memory_space<vmem>>) offsets(%dma_start3A_377 : memref<128xi32, #tpu.memory_space<vmem>>) semaphore(%arg18 : memref<!tpu.dma_semaphore, #tpu.memory_space<semaphore_mem>>)
      } else {
      }
      %mul3A_274 = arith.constant 8 : i32
      %mul3A_275 = arith.muli %mul3A_274, %scan3A_109 : i32
      %add3A_276 = arith.constant 5 : i32
      %add3A_277 = arith.addi %mul3A_275, %add3A_276 : i32
      %dma_wait3A_278 = arith.constant 0 : i32
      %dma_wait3A_279 = tpu.memref_slice %arg7[%add3A_277, %dma_wait3A_278] : memref<80x128xi32, #tpu.memory_space<vmem>> -> memref<1x128xi32, #tpu.memory_space<vmem>>
      %dma_wait3A_280 = tpu.memref_squeeze %dma_wait3A_279 : memref<1x128xi32, #tpu.memory_space<vmem>> -> memref<128xi32, #tpu.memory_space<vmem>>
      %dma_wait3A_281 = arith.constant 0 : i32
      %dma_wait3A_282 = arith.constant 0 : i32
      %dma_wait3A_283 = tpu.memref_slice %arg2[%dma_wait3A_281, %dma_wait3A_282] : memref<10000x64xf32, #tpu.memory_space<hbm>> -> memref<10000x64xf32, #tpu.memory_space<hbm>>
      tpu.wait_indirect_dma semaphore(%arg23 : memref<!tpu.dma_semaphore, #tpu.memory_space<semaphore_mem>>) src(%dma_wait3A_283 : memref<10000x64xf32, #tpu.memory_space<hbm>>) dst(%arg14 : memref<128x64xf32, #tpu.memory_space<vmem>>)
      %dma_start3A_284 = arith.constant 0 : i32
      %dma_start3A_285 = tpu.memref_slice %arg8[%add3A_277, %dma_start3A_284] : memref<80x128xi32, #tpu.memory_space<vmem>> -> memref<1x128xi32, #tpu.memory_space<vmem>>
      %dma_start3A_286 = tpu.memref_squeeze %dma_start3A_285 : memref<1x128xi32, #tpu.memory_space<vmem>> -> memref<128xi32, #tpu.memory_space<vmem>>
      %dma_start3A_287 = arith.constant 0 : i32
      %dma_start3A_288 = arith.constant 0 : i32
      %dma_start3A_289 = tpu.memref_slice %arg17[%dma_start3A_287, %dma_start3A_288] : memref<10240x64xf32, #tpu.memory_space<vmem_shared>> -> memref<10240x64xf32, #tpu.memory_space<vmem_shared>>
      tpu.enqueue_indirect_dma source(%arg14 : memref<128x64xf32, #tpu.memory_space<vmem>>) target(%dma_start3A_289 : memref<10240x64xf32, #tpu.memory_space<vmem_shared>>) offsets(%dma_start3A_286 : memref<128xi32, #tpu.memory_space<vmem>>) semaphore(%arg31 : memref<!tpu.dma_semaphore, #tpu.memory_space<semaphore_mem>>) {add = true}
      %add3A_290 = arith.constant 4 : i32
      %add3A_291 = arith.addi %add3A_277, %add3A_290 : i32
      %lt3A_292 = arith.constant 80 : i32
      %lt3A_293 = arith.cmpi slt, %add3A_291, %lt3A_292 : i32
      %ge3A_294 = arith.constant 4 : i32
      %ge3A_295 = arith.cmpi sge, %add3A_277, %ge3A_294 : i32
      %and3A_296 = arith.andi %lt3A_293, %ge3A_295 : i1
      %convert_element_type3A_297 = arith.extui %and3A_296 : i1 to i32
      %cond3A_298 = arith.constant 0 : i32
      %cond3A_299 = arith.cmpi ne, %convert_element_type3A_297, %cond3A_298 : i32
      scf.if %cond3A_299 {
        %sub3A = arith.constant 4 : i32
        %sub3A_373 = arith.subi %add3A_277, %sub3A : i32
        %dma_wait3A_374 = arith.constant 0 : i32
        %dma_wait3A_375 = tpu.memref_slice %arg8[%sub3A_373, %dma_wait3A_374] : memref<80x128xi32, #tpu.memory_space<vmem>> -> memref<1x128xi32, #tpu.memory_space<vmem>>
        %dma_wait3A_376 = tpu.memref_squeeze %dma_wait3A_375 : memref<1x128xi32, #tpu.memory_space<vmem>> -> memref<128xi32, #tpu.memory_space<vmem>>
        %dma_wait3A_377 = arith.constant 0 : i32
        %dma_wait3A_378 = arith.constant 0 : i32
        %dma_wait3A_379 = tpu.memref_slice %arg17[%dma_wait3A_377, %dma_wait3A_378] : memref<10240x64xf32, #tpu.memory_space<vmem_shared>> -> memref<10240x64xf32, #tpu.memory_space<vmem_shared>>
        tpu.wait_indirect_dma semaphore(%arg27 : memref<!tpu.dma_semaphore, #tpu.memory_space<semaphore_mem>>) src(%arg10 : memref<128x64xf32, #tpu.memory_space<vmem>>) dst(%dma_wait3A_379 : memref<10240x64xf32, #tpu.memory_space<vmem_shared>>)
      } else {
      }
      %add3A_300 = arith.constant 4 : i32
      %add3A_301 = arith.addi %add3A_277, %add3A_300 : i32
      %lt3A_302 = arith.constant 80 : i32
      %lt3A_303 = arith.cmpi slt, %add3A_301, %lt3A_302 : i32
      %convert_element_type3A_304 = arith.extui %lt3A_303 : i1 to i32
      %cond3A_305 = arith.constant 0 : i32
      %cond3A_306 = arith.cmpi ne, %convert_element_type3A_304, %cond3A_305 : i32
      scf.if %cond3A_306 {
        %add3A_373 = arith.constant 4 : i32
        %add3A_374 = arith.addi %add3A_277, %add3A_373 : i32
        %dma_start3A_375 = arith.constant 0 : i32
        %dma_start3A_376 = tpu.memref_slice %arg7[%add3A_374, %dma_start3A_375] : memref<80x128xi32, #tpu.memory_space<vmem>> -> memref<1x128xi32, #tpu.memory_space<vmem>>
        %dma_start3A_377 = tpu.memref_squeeze %dma_start3A_376 : memref<1x128xi32, #tpu.memory_space<vmem>> -> memref<128xi32, #tpu.memory_space<vmem>>
        %dma_start3A_378 = arith.constant 0 : i32
        %dma_start3A_379 = arith.constant 0 : i32
        %dma_start3A_380 = tpu.memref_slice %arg2[%dma_start3A_378, %dma_start3A_379] : memref<10000x64xf32, #tpu.memory_space<hbm>> -> memref<10000x64xf32, #tpu.memory_space<hbm>>
        tpu.enqueue_indirect_dma source(%dma_start3A_380 : memref<10000x64xf32, #tpu.memory_space<hbm>>) target(%arg10 : memref<128x64xf32, #tpu.memory_space<vmem>>) offsets(%dma_start3A_377 : memref<128xi32, #tpu.memory_space<vmem>>) semaphore(%arg19 : memref<!tpu.dma_semaphore, #tpu.memory_space<semaphore_mem>>)
      } else {
      }
      %mul3A_307 = arith.constant 8 : i32
      %mul3A_308 = arith.muli %mul3A_307, %scan3A_109 : i32
      %add3A_309 = arith.constant 6 : i32
      %add3A_310 = arith.addi %mul3A_308, %add3A_309 : i32
      %dma_wait3A_311 = arith.constant 0 : i32
      %dma_wait3A_312 = tpu.memref_slice %arg7[%add3A_310, %dma_wait3A_311] : memref<80x128xi32, #tpu.memory_space<vmem>> -> memref<1x128xi32, #tpu.memory_space<vmem>>
      %dma_wait3A_313 = tpu.memref_squeeze %dma_wait3A_312 : memref<1x128xi32, #tpu.memory_space<vmem>> -> memref<128xi32, #tpu.memory_space<vmem>>
      %dma_wait3A_314 = arith.constant 0 : i32
      %dma_wait3A_315 = arith.constant 0 : i32
      %dma_wait3A_316 = tpu.memref_slice %arg2[%dma_wait3A_314, %dma_wait3A_315] : memref<10000x64xf32, #tpu.memory_space<hbm>> -> memref<10000x64xf32, #tpu.memory_space<hbm>>
      tpu.wait_indirect_dma semaphore(%arg24 : memref<!tpu.dma_semaphore, #tpu.memory_space<semaphore_mem>>) src(%dma_wait3A_316 : memref<10000x64xf32, #tpu.memory_space<hbm>>) dst(%arg15 : memref<128x64xf32, #tpu.memory_space<vmem>>)
      %dma_start3A_317 = arith.constant 0 : i32
      %dma_start3A_318 = tpu.memref_slice %arg8[%add3A_310, %dma_start3A_317] : memref<80x128xi32, #tpu.memory_space<vmem>> -> memref<1x128xi32, #tpu.memory_space<vmem>>
      %dma_start3A_319 = tpu.memref_squeeze %dma_start3A_318 : memref<1x128xi32, #tpu.memory_space<vmem>> -> memref<128xi32, #tpu.memory_space<vmem>>
      %dma_start3A_320 = arith.constant 0 : i32
      %dma_start3A_321 = arith.constant 0 : i32
      %dma_start3A_322 = tpu.memref_slice %arg17[%dma_start3A_320, %dma_start3A_321] : memref<10240x64xf32, #tpu.memory_space<vmem_shared>> -> memref<10240x64xf32, #tpu.memory_space<vmem_shared>>
      tpu.enqueue_indirect_dma source(%arg15 : memref<128x64xf32, #tpu.memory_space<vmem>>) target(%dma_start3A_322 : memref<10240x64xf32, #tpu.memory_space<vmem_shared>>) offsets(%dma_start3A_319 : memref<128xi32, #tpu.memory_space<vmem>>) semaphore(%arg32 : memref<!tpu.dma_semaphore, #tpu.memory_space<semaphore_mem>>) {add = true}
      %add3A_323 = arith.constant 4 : i32
      %add3A_324 = arith.addi %add3A_310, %add3A_323 : i32
      %lt3A_325 = arith.constant 80 : i32
      %lt3A_326 = arith.cmpi slt, %add3A_324, %lt3A_325 : i32
      %ge3A_327 = arith.constant 4 : i32
      %ge3A_328 = arith.cmpi sge, %add3A_310, %ge3A_327 : i32
      %and3A_329 = arith.andi %lt3A_326, %ge3A_328 : i1
      %convert_element_type3A_330 = arith.extui %and3A_329 : i1 to i32
      %cond3A_331 = arith.constant 0 : i32
      %cond3A_332 = arith.cmpi ne, %convert_element_type3A_330, %cond3A_331 : i32
      scf.if %cond3A_332 {
        %sub3A = arith.constant 4 : i32
        %sub3A_373 = arith.subi %add3A_310, %sub3A : i32
        %dma_wait3A_374 = arith.constant 0 : i32
        %dma_wait3A_375 = tpu.memref_slice %arg8[%sub3A_373, %dma_wait3A_374] : memref<80x128xi32, #tpu.memory_space<vmem>> -> memref<1x128xi32, #tpu.memory_space<vmem>>
        %dma_wait3A_376 = tpu.memref_squeeze %dma_wait3A_375 : memref<1x128xi32, #tpu.memory_space<vmem>> -> memref<128xi32, #tpu.memory_space<vmem>>
        %dma_wait3A_377 = arith.constant 0 : i32
        %dma_wait3A_378 = arith.constant 0 : i32
        %dma_wait3A_379 = tpu.memref_slice %arg17[%dma_wait3A_377, %dma_wait3A_378] : memref<10240x64xf32, #tpu.memory_space<vmem_shared>> -> memref<10240x64xf32, #tpu.memory_space<vmem_shared>>
        tpu.wait_indirect_dma semaphore(%arg28 : memref<!tpu.dma_semaphore, #tpu.memory_space<semaphore_mem>>) src(%arg11 : memref<128x64xf32, #tpu.memory_space<vmem>>) dst(%dma_wait3A_379 : memref<10240x64xf32, #tpu.memory_space<vmem_shared>>)
      } else {
      }
      %add3A_333 = arith.constant 4 : i32
      %add3A_334 = arith.addi %add3A_310, %add3A_333 : i32
      %lt3A_335 = arith.constant 80 : i32
      %lt3A_336 = arith.cmpi slt, %add3A_334, %lt3A_335 : i32
      %convert_element_type3A_337 = arith.extui %lt3A_336 : i1 to i32
      %cond3A_338 = arith.constant 0 : i32
      %cond3A_339 = arith.cmpi ne, %convert_element_type3A_337, %cond3A_338 : i32
      scf.if %cond3A_339 {
        %add3A_373 = arith.constant 4 : i32
        %add3A_374 = arith.addi %add3A_310, %add3A_373 : i32
        %dma_start3A_375 = arith.constant 0 : i32
        %dma_start3A_376 = tpu.memref_slice %arg7[%add3A_374, %dma_start3A_375] : memref<80x128xi32, #tpu.memory_space<vmem>> -> memref<1x128xi32, #tpu.memory_space<vmem>>
        %dma_start3A_377 = tpu.memref_squeeze %dma_start3A_376 : memref<1x128xi32, #tpu.memory_space<vmem>> -> memref<128xi32, #tpu.memory_space<vmem>>
        %dma_start3A_378 = arith.constant 0 : i32
        %dma_start3A_379 = arith.constant 0 : i32
        %dma_start3A_380 = tpu.memref_slice %arg2[%dma_start3A_378, %dma_start3A_379] : memref<10000x64xf32, #tpu.memory_space<hbm>> -> memref<10000x64xf32, #tpu.memory_space<hbm>>
        tpu.enqueue_indirect_dma source(%dma_start3A_380 : memref<10000x64xf32, #tpu.memory_space<hbm>>) target(%arg11 : memref<128x64xf32, #tpu.memory_space<vmem>>) offsets(%dma_start3A_377 : memref<128xi32, #tpu.memory_space<vmem>>) semaphore(%arg20 : memref<!tpu.dma_semaphore, #tpu.memory_space<semaphore_mem>>)
      } else {
      }
      %mul3A_340 = arith.constant 8 : i32
      %mul3A_341 = arith.muli %mul3A_340, %scan3A_109 : i32
      %add3A_342 = arith.constant 7 : i32
      %add3A_343 = arith.addi %mul3A_341, %add3A_342 : i32
      %dma_wait3A_344 = arith.constant 0 : i32
      %dma_wait3A_345 = tpu.memref_slice %arg7[%add3A_343, %dma_wait3A_344] : memref<80x128xi32, #tpu.memory_space<vmem>> -> memref<1x128xi32, #tpu.memory_space<vmem>>
      %dma_wait3A_346 = tpu.memref_squeeze %dma_wait3A_345 : memref<1x128xi32, #tpu.memory_space<vmem>> -> memref<128xi32, #tpu.memory_space<vmem>>
      %dma_wait3A_347 = arith.constant 0 : i32
      %dma_wait3A_348 = arith.constant 0 : i32
      %dma_wait3A_349 = tpu.memref_slice %arg2[%dma_wait3A_347, %dma_wait3A_348] : memref<10000x64xf32, #tpu.memory_space<hbm>> -> memref<10000x64xf32, #tpu.memory_space<hbm>>
      tpu.wait_indirect_dma semaphore(%arg25 : memref<!tpu.dma_semaphore, #tpu.memory_space<semaphore_mem>>) src(%dma_wait3A_349 : memref<10000x64xf32, #tpu.memory_space<hbm>>) dst(%arg16 : memref<128x64xf32, #tpu.memory_space<vmem>>)
      %dma_start3A_350 = arith.constant 0 : i32
      %dma_start3A_351 = tpu.memref_slice %arg8[%add3A_343, %dma_start3A_350] : memref<80x128xi32, #tpu.memory_space<vmem>> -> memref<1x128xi32, #tpu.memory_space<vmem>>
      %dma_start3A_352 = tpu.memref_squeeze %dma_start3A_351 : memref<1x128xi32, #tpu.memory_space<vmem>> -> memref<128xi32, #tpu.memory_space<vmem>>
      %dma_start3A_353 = arith.constant 0 : i32
      %dma_start3A_354 = arith.constant 0 : i32
      %dma_start3A_355 = tpu.memref_slice %arg17[%dma_start3A_353, %dma_start3A_354] : memref<10240x64xf32, #tpu.memory_space<vmem_shared>> -> memref<10240x64xf32, #tpu.memory_space<vmem_shared>>
      tpu.enqueue_indirect_dma source(%arg16 : memref<128x64xf32, #tpu.memory_space<vmem>>) target(%dma_start3A_355 : memref<10240x64xf32, #tpu.memory_space<vmem_shared>>) offsets(%dma_start3A_352 : memref<128xi32, #tpu.memory_space<vmem>>) semaphore(%arg33 : memref<!tpu.dma_semaphore, #tpu.memory_space<semaphore_mem>>) {add = true}
      %add3A_356 = arith.constant 4 : i32
      %add3A_357 = arith.addi %add3A_343, %add3A_356 : i32
      %lt3A_358 = arith.constant 80 : i32
      %lt3A_359 = arith.cmpi slt, %add3A_357, %lt3A_358 : i32
      %ge3A_360 = arith.constant 4 : i32
      %ge3A_361 = arith.cmpi sge, %add3A_343, %ge3A_360 : i32
      %and3A_362 = arith.andi %lt3A_359, %ge3A_361 : i1
      %convert_element_type3A_363 = arith.extui %and3A_362 : i1 to i32
      %cond3A_364 = arith.constant 0 : i32
      %cond3A_365 = arith.cmpi ne, %convert_element_type3A_363, %cond3A_364 : i32
      scf.if %cond3A_365 {
        %sub3A = arith.constant 4 : i32
        %sub3A_373 = arith.subi %add3A_343, %sub3A : i32
        %dma_wait3A_374 = arith.constant 0 : i32
        %dma_wait3A_375 = tpu.memref_slice %arg8[%sub3A_373, %dma_wait3A_374] : memref<80x128xi32, #tpu.memory_space<vmem>> -> memref<1x128xi32, #tpu.memory_space<vmem>>
        %dma_wait3A_376 = tpu.memref_squeeze %dma_wait3A_375 : memref<1x128xi32, #tpu.memory_space<vmem>> -> memref<128xi32, #tpu.memory_space<vmem>>
        %dma_wait3A_377 = arith.constant 0 : i32
        %dma_wait3A_378 = arith.constant 0 : i32
        %dma_wait3A_379 = tpu.memref_slice %arg17[%dma_wait3A_377, %dma_wait3A_378] : memref<10240x64xf32, #tpu.memory_space<vmem_shared>> -> memref<10240x64xf32, #tpu.memory_space<vmem_shared>>
        tpu.wait_indirect_dma semaphore(%arg29 : memref<!tpu.dma_semaphore, #tpu.memory_space<semaphore_mem>>) src(%arg12 : memref<128x64xf32, #tpu.memory_space<vmem>>) dst(%dma_wait3A_379 : memref<10240x64xf32, #tpu.memory_space<vmem_shared>>)
      } else {
      }
      %add3A_366 = arith.constant 4 : i32
      %add3A_367 = arith.addi %add3A_343, %add3A_366 : i32
      %lt3A_368 = arith.constant 80 : i32
      %lt3A_369 = arith.cmpi slt, %add3A_367, %lt3A_368 : i32
      %convert_element_type3A_370 = arith.extui %lt3A_369 : i1 to i32
      %cond3A_371 = arith.constant 0 : i32
      %cond3A_372 = arith.cmpi ne, %convert_element_type3A_370, %cond3A_371 : i32
      scf.if %cond3A_372 {
        %add3A_373 = arith.constant 4 : i32
        %add3A_374 = arith.addi %add3A_343, %add3A_373 : i32
        %dma_start3A_375 = arith.constant 0 : i32
        %dma_start3A_376 = tpu.memref_slice %arg7[%add3A_374, %dma_start3A_375] : memref<80x128xi32, #tpu.memory_space<vmem>> -> memref<1x128xi32, #tpu.memory_space<vmem>>
        %dma_start3A_377 = tpu.memref_squeeze %dma_start3A_376 : memref<1x128xi32, #tpu.memory_space<vmem>> -> memref<128xi32, #tpu.memory_space<vmem>>
        %dma_start3A_378 = arith.constant 0 : i32
        %dma_start3A_379 = arith.constant 0 : i32
        %dma_start3A_380 = tpu.memref_slice %arg2[%dma_start3A_378, %dma_start3A_379] : memref<10000x64xf32, #tpu.memory_space<hbm>> -> memref<10000x64xf32, #tpu.memory_space<hbm>>
        tpu.enqueue_indirect_dma source(%dma_start3A_380 : memref<10000x64xf32, #tpu.memory_space<hbm>>) target(%arg12 : memref<128x64xf32, #tpu.memory_space<vmem>>) offsets(%dma_start3A_377 : memref<128xi32, #tpu.memory_space<vmem>>) semaphore(%arg21 : memref<!tpu.dma_semaphore, #tpu.memory_space<semaphore_mem>>)
      } else {
      }
    }
    %scan3A_48 = arith.constant 10 : i32
    %dma_wait3A = arith.constant 72 : i32
    %dma_wait3A_49 = arith.constant 0 : i32
    %dma_wait3A_50 = tpu.memref_slice %arg8[%dma_wait3A, %dma_wait3A_49] : memref<80x128xi32, #tpu.memory_space<vmem>> -> memref<1x128xi32, #tpu.memory_space<vmem>>
    %dma_wait3A_51 = tpu.memref_squeeze %dma_wait3A_50 : memref<1x128xi32, #tpu.memory_space<vmem>> -> memref<128xi32, #tpu.memory_space<vmem>>
    %dma_wait3A_52 = arith.constant 0 : i32
    %dma_wait3A_53 = arith.constant 0 : i32
    %dma_wait3A_54 = tpu.memref_slice %arg17[%dma_wait3A_52, %dma_wait3A_53] : memref<10240x64xf32, #tpu.memory_space<vmem_shared>> -> memref<10240x64xf32, #tpu.memory_space<vmem_shared>>
    tpu.wait_indirect_dma semaphore(%arg26 : memref<!tpu.dma_semaphore, #tpu.memory_space<semaphore_mem>>) src(%arg9 : memref<128x64xf32, #tpu.memory_space<vmem>>) dst(%dma_wait3A_54 : memref<10240x64xf32, #tpu.memory_space<vmem_shared>>)
    %dma_wait3A_55 = arith.constant 73 : i32
    %dma_wait3A_56 = arith.constant 0 : i32
    %dma_wait3A_57 = tpu.memref_slice %arg8[%dma_wait3A_55, %dma_wait3A_56] : memref<80x128xi32, #tpu.memory_space<vmem>> -> memref<1x128xi32, #tpu.memory_space<vmem>>
    %dma_wait3A_58 = tpu.memref_squeeze %dma_wait3A_57 : memref<1x128xi32, #tpu.memory_space<vmem>> -> memref<128xi32, #tpu.memory_space<vmem>>
    %dma_wait3A_59 = arith.constant 0 : i32
    %dma_wait3A_60 = arith.constant 0 : i32
    %dma_wait3A_61 = tpu.memref_slice %arg17[%dma_wait3A_59, %dma_wait3A_60] : memref<10240x64xf32, #tpu.memory_space<vmem_shared>> -> memref<10240x64xf32, #tpu.memory_space<vmem_shared>>
    tpu.wait_indirect_dma semaphore(%arg27 : memref<!tpu.dma_semaphore, #tpu.memory_space<semaphore_mem>>) src(%arg10 : memref<128x64xf32, #tpu.memory_space<vmem>>) dst(%dma_wait3A_61 : memref<10240x64xf32, #tpu.memory_space<vmem_shared>>)
    %dma_wait3A_62 = arith.constant 74 : i32
    %dma_wait3A_63 = arith.constant 0 : i32
    %dma_wait3A_64 = tpu.memref_slice %arg8[%dma_wait3A_62, %dma_wait3A_63] : memref<80x128xi32, #tpu.memory_space<vmem>> -> memref<1x128xi32, #tpu.memory_space<vmem>>
    %dma_wait3A_65 = tpu.memref_squeeze %dma_wait3A_64 : memref<1x128xi32, #tpu.memory_space<vmem>> -> memref<128xi32, #tpu.memory_space<vmem>>
    %dma_wait3A_66 = arith.constant 0 : i32
    %dma_wait3A_67 = arith.constant 0 : i32
    %dma_wait3A_68 = tpu.memref_slice %arg17[%dma_wait3A_66, %dma_wait3A_67] : memref<10240x64xf32, #tpu.memory_space<vmem_shared>> -> memref<10240x64xf32, #tpu.memory_space<vmem_shared>>
    tpu.wait_indirect_dma semaphore(%arg28 : memref<!tpu.dma_semaphore, #tpu.memory_space<semaphore_mem>>) src(%arg11 : memref<128x64xf32, #tpu.memory_space<vmem>>) dst(%dma_wait3A_68 : memref<10240x64xf32, #tpu.memory_space<vmem_shared>>)
    %dma_wait3A_69 = arith.constant 75 : i32
    %dma_wait3A_70 = arith.constant 0 : i32
    %dma_wait3A_71 = tpu.memref_slice %arg8[%dma_wait3A_69, %dma_wait3A_70] : memref<80x128xi32, #tpu.memory_space<vmem>> -> memref<1x128xi32, #tpu.memory_space<vmem>>
    %dma_wait3A_72 = tpu.memref_squeeze %dma_wait3A_71 : memref<1x128xi32, #tpu.memory_space<vmem>> -> memref<128xi32, #tpu.memory_space<vmem>>
    %dma_wait3A_73 = arith.constant 0 : i32
    %dma_wait3A_74 = arith.constant 0 : i32
    %dma_wait3A_75 = tpu.memref_slice %arg17[%dma_wait3A_73, %dma_wait3A_74] : memref<10240x64xf32, #tpu.memory_space<vmem_shared>> -> memref<10240x64xf32, #tpu.memory_space<vmem_shared>>
    tpu.wait_indirect_dma semaphore(%arg29 : memref<!tpu.dma_semaphore, #tpu.memory_space<semaphore_mem>>) src(%arg12 : memref<128x64xf32, #tpu.memory_space<vmem>>) dst(%dma_wait3A_75 : memref<10240x64xf32, #tpu.memory_space<vmem_shared>>)
    %dma_wait3A_76 = arith.constant 76 : i32
    %dma_wait3A_77 = arith.constant 0 : i32
    %dma_wait3A_78 = tpu.memref_slice %arg8[%dma_wait3A_76, %dma_wait3A_77] : memref<80x128xi32, #tpu.memory_space<vmem>> -> memref<1x128xi32, #tpu.memory_space<vmem>>
    %dma_wait3A_79 = tpu.memref_squeeze %dma_wait3A_78 : memref<1x128xi32, #tpu.memory_space<vmem>> -> memref<128xi32, #tpu.memory_space<vmem>>
    %dma_wait3A_80 = arith.constant 0 : i32
    %dma_wait3A_81 = arith.constant 0 : i32
    %dma_wait3A_82 = tpu.memref_slice %arg17[%dma_wait3A_80, %dma_wait3A_81] : memref<10240x64xf32, #tpu.memory_space<vmem_shared>> -> memref<10240x64xf32, #tpu.memory_space<vmem_shared>>
    tpu.wait_indirect_dma semaphore(%arg30 : memref<!tpu.dma_semaphore, #tpu.memory_space<semaphore_mem>>) src(%arg13 : memref<128x64xf32, #tpu.memory_space<vmem>>) dst(%dma_wait3A_82 : memref<10240x64xf32, #tpu.memory_space<vmem_shared>>)
    %dma_wait3A_83 = arith.constant 77 : i32
    %dma_wait3A_84 = arith.constant 0 : i32
    %dma_wait3A_85 = tpu.memref_slice %arg8[%dma_wait3A_83, %dma_wait3A_84] : memref<80x128xi32, #tpu.memory_space<vmem>> -> memref<1x128xi32, #tpu.memory_space<vmem>>
    %dma_wait3A_86 = tpu.memref_squeeze %dma_wait3A_85 : memref<1x128xi32, #tpu.memory_space<vmem>> -> memref<128xi32, #tpu.memory_space<vmem>>
    %dma_wait3A_87 = arith.constant 0 : i32
    %dma_wait3A_88 = arith.constant 0 : i32
    %dma_wait3A_89 = tpu.memref_slice %arg17[%dma_wait3A_87, %dma_wait3A_88] : memref<10240x64xf32, #tpu.memory_space<vmem_shared>> -> memref<10240x64xf32, #tpu.memory_space<vmem_shared>>
    tpu.wait_indirect_dma semaphore(%arg31 : memref<!tpu.dma_semaphore, #tpu.memory_space<semaphore_mem>>) src(%arg14 : memref<128x64xf32, #tpu.memory_space<vmem>>) dst(%dma_wait3A_89 : memref<10240x64xf32, #tpu.memory_space<vmem_shared>>)
    %dma_wait3A_90 = arith.constant 78 : i32
    %dma_wait3A_91 = arith.constant 0 : i32
    %dma_wait3A_92 = tpu.memref_slice %arg8[%dma_wait3A_90, %dma_wait3A_91] : memref<80x128xi32, #tpu.memory_space<vmem>> -> memref<1x128xi32, #tpu.memory_space<vmem>>
    %dma_wait3A_93 = tpu.memref_squeeze %dma_wait3A_92 : memref<1x128xi32, #tpu.memory_space<vmem>> -> memref<128xi32, #tpu.memory_space<vmem>>
    %dma_wait3A_94 = arith.constant 0 : i32
    %dma_wait3A_95 = arith.constant 0 : i32
    %dma_wait3A_96 = tpu.memref_slice %arg17[%dma_wait3A_94, %dma_wait3A_95] : memref<10240x64xf32, #tpu.memory_space<vmem_shared>> -> memref<10240x64xf32, #tpu.memory_space<vmem_shared>>
    tpu.wait_indirect_dma semaphore(%arg32 : memref<!tpu.dma_semaphore, #tpu.memory_space<semaphore_mem>>) src(%arg15 : memref<128x64xf32, #tpu.memory_space<vmem>>) dst(%dma_wait3A_96 : memref<10240x64xf32, #tpu.memory_space<vmem_shared>>)
    %dma_wait3A_97 = arith.constant 79 : i32
    %dma_wait3A_98 = arith.constant 0 : i32
    %dma_wait3A_99 = tpu.memref_slice %arg8[%dma_wait3A_97, %dma_wait3A_98] : memref<80x128xi32, #tpu.memory_space<vmem>> -> memref<1x128xi32, #tpu.memory_space<vmem>>
    %dma_wait3A_100 = tpu.memref_squeeze %dma_wait3A_99 : memref<1x128xi32, #tpu.memory_space<vmem>> -> memref<128xi32, #tpu.memory_space<vmem>>
    %dma_wait3A_101 = arith.constant 0 : i32
    %dma_wait3A_102 = arith.constant 0 : i32
    %dma_wait3A_103 = tpu.memref_slice %arg17[%dma_wait3A_101, %dma_wait3A_102] : memref<10240x64xf32, #tpu.memory_space<vmem_shared>> -> memref<10240x64xf32, #tpu.memory_space<vmem_shared>>
    tpu.wait_indirect_dma semaphore(%arg33 : memref<!tpu.dma_semaphore, #tpu.memory_space<semaphore_mem>>) src(%arg16 : memref<128x64xf32, #tpu.memory_space<vmem>>) dst(%dma_wait3A_103 : memref<10240x64xf32, #tpu.memory_space<vmem_shared>>)
    %barrier3A_104 = arith.constant 0 : index
    tpu.barrier barrier_id(%barrier3A_104)
    %mul3A_105 = arith.constant 640 : i32
    %mul3A_106 = arith.muli %arg1, %mul3A_105 : i32
    %mul3A_107 = arith.constant 640 : i32
    %mul3A_108 = arith.muli %arg1, %mul3A_107 : i32
    "tpu.region"() ({
      %run_scoped3A = tpu.sem_alloc : memref<!tpu.dma_semaphore, #tpu.memory_space<semaphore_mem>>
      %dma_start3A_109 = arith.constant 0 : i32
      %dma_start3A_110 = tpu.memref_slice %arg6[%arg0, %mul3A_108, %dma_start3A_109] : memref<2x10240x64xf32, #tpu.memory_space<hbm>> -> memref<1x640x64xf32, #tpu.memory_space<hbm>>
      %dma_start3A_111 = tpu.memref_squeeze %dma_start3A_110 : memref<1x640x64xf32, #tpu.memory_space<hbm>> -> memref<640x64xf32, #tpu.memory_space<hbm>>
      %dma_start3A_112 = arith.constant 0 : i32
      %dma_start3A_113 = tpu.memref_slice %arg17[%mul3A_106, %dma_start3A_112] : memref<10240x64xf32, #tpu.memory_space<vmem_shared>> -> memref<640x64xf32, #tpu.memory_space<vmem_shared>>
      tpu.enqueue_dma source(%dma_start3A_113 : memref<640x64xf32, #tpu.memory_space<vmem_shared>>) target(%dma_start3A_111 : memref<640x64xf32, #tpu.memory_space<hbm>>) target_semaphore(%run_scoped3A : memref<!tpu.dma_semaphore, #tpu.memory_space<semaphore_mem>>)
      %dma_wait3A_114 = arith.constant 0 : i32
      %dma_wait3A_115 = tpu.memref_slice %arg6[%arg0, %mul3A_108, %dma_wait3A_114] : memref<2x10240x64xf32, #tpu.memory_space<hbm>> -> memref<1x640x64xf32, #tpu.memory_space<hbm>>
      %dma_wait3A_116 = tpu.memref_squeeze %dma_wait3A_115 : memref<1x640x64xf32, #tpu.memory_space<hbm>> -> memref<640x64xf32, #tpu.memory_space<hbm>>
      %dma_wait3A_117 = arith.constant 0 : i32
      %dma_wait3A_118 = tpu.memref_slice %arg17[%mul3A_106, %dma_wait3A_117] : memref<10240x64xf32, #tpu.memory_space<vmem_shared>> -> memref<640x64xf32, #tpu.memory_space<vmem_shared>>
      tpu.wait_dma2 semaphore(%run_scoped3A : memref<!tpu.dma_semaphore, #tpu.memory_space<semaphore_mem>>) src(%dma_wait3A_118 : memref<640x64xf32, #tpu.memory_space<vmem_shared>>) dst(%dma_wait3A_116 : memref<640x64xf32, #tpu.memory_space<hbm>>)
      tpu.yield
    }) : () -> ()
    return
  }
}

#map = affine_map<(d0, d1) -> (0, 0)>
#map1 = affine_map<(d0, d1) -> (0, 0, 0)>
module attributes {stable_mosaic.version = 14 : i64} {
  func.func @_sc_agg_body_spmem(%arg0: i32, %arg1: i32, %arg2: memref<10000x64xf32, #tpu.memory_space<hbm>>, %arg3: memref<32x80x128xi32, #tpu.memory_space<hbm>>, %arg4: memref<32x80x128xi32, #tpu.memory_space<hbm>>, %arg5: memref<10240x64xf32, #tpu.memory_space<hbm>>, %arg6: memref<2x10240x64xf32, #tpu.memory_space<hbm>>, %arg7: memref<80x128xi32, #tpu.memory_space<vmem>>, %arg8: memref<80x128xi32, #tpu.memory_space<vmem>>, %arg9: memref<128x64xf32, #tpu.memory_space<vmem>>, %arg10: memref<128x64xf32, #tpu.memory_space<vmem>>, %arg11: memref<128x64xf32, #tpu.memory_space<vmem>>, %arg12: memref<128x64xf32, #tpu.memory_space<vmem>>, %arg13: memref<128x64xf32, #tpu.memory_space<vmem>>, %arg14: memref<128x64xf32, #tpu.memory_space<vmem>>, %arg15: memref<128x64xf32, #tpu.memory_space<vmem>>, %arg16: memref<128x64xf32, #tpu.memory_space<vmem>>, %arg17: memref<10240x64xf32, #tpu.memory_space<vmem_shared>>, %arg18: memref<!tpu.dma_semaphore, #tpu.memory_space<semaphore_mem>>, %arg19: memref<!tpu.dma_semaphore, #tpu.memory_space<semaphore_mem>>, %arg20: memref<!tpu.dma_semaphore, #tpu.memory_space<semaphore_mem>>, %arg21: memref<!tpu.dma_semaphore, #tpu.memory_space<semaphore_mem>>, %arg22: memref<!tpu.dma_semaphore, #tpu.memory_space<semaphore_mem>>, %arg23: memref<!tpu.dma_semaphore, #tpu.memory_space<semaphore_mem>>, %arg24: memref<!tpu.dma_semaphore, #tpu.memory_space<semaphore_mem>>, %arg25: memref<!tpu.dma_semaphore, #tpu.memory_space<semaphore_mem>>, %arg26: memref<!tpu.dma_semaphore, #tpu.memory_space<semaphore_mem>>, %arg27: memref<!tpu.dma_semaphore, #tpu.memory_space<semaphore_mem>>, %arg28: memref<!tpu.dma_semaphore, #tpu.memory_space<semaphore_mem>>, %arg29: memref<!tpu.dma_semaphore, #tpu.memory_space<semaphore_mem>>, %arg30: memref<!tpu.dma_semaphore, #tpu.memory_space<semaphore_mem>>, %arg31: memref<!tpu.dma_semaphore, #tpu.memory_space<semaphore_mem>>, %arg32: memref<!tpu.dma_semaphore, #tpu.memory_space<semaphore_mem>>, %arg33: memref<!tpu.dma_semaphore, #tpu.memory_space<semaphore_mem>>) attributes {dimension_semantics = [#tpu.dimension_semantics<core_parallel>, #tpu.dimension_semantics<subcore_parallel>], iteration_bounds = array<i64: 2, 16>, scalar_prefetch = 0 : i64, scratch_operands = 27 : i64, tpu.core_type = #tpu.core_type<sc_vector_subcore>, window_params = [{transform_indices = #map}, {transform_indices = #map1}, {transform_indices = #map1}, {transform_indices = #map}, {transform_indices = #map1}]} {
    %mul3A = arith.constant 16 : i32
    %mul3A_0 = arith.muli %arg0, %mul3A : i32
    %add3A = arith.addi %mul3A_0, %arg1 : i32
    "tpu.region"() ({
      %run_scoped3A = tpu.sem_alloc : memref<!tpu.dma_semaphore, #tpu.memory_space<semaphore_mem>>
      %dma_start3A_109 = arith.constant 0 : i32
      %dma_start3A_110 = arith.constant 0 : i32
      %dma_start3A_111 = tpu.memref_slice %arg3[%add3A, %dma_start3A_109, %dma_start3A_110] : memref<32x80x128xi32, #tpu.memory_space<hbm>> -> memref<1x80x128xi32, #tpu.memory_space<hbm>>
      %dma_start3A_112 = tpu.memref_squeeze %dma_start3A_111 : memref<1x80x128xi32, #tpu.memory_space<hbm>> -> memref<80x128xi32, #tpu.memory_space<hbm>>
      %dma_start3A_113 = arith.constant 0 : i32
      %dma_start3A_114 = arith.constant 0 : i32
      %dma_start3A_115 = tpu.memref_slice %arg3[%add3A, %dma_start3A_113, %dma_start3A_114] : memref<32x80x128xi32, #tpu.memory_space<hbm>> -> memref<1x80x128xi32, #tpu.memory_space<hbm>>
      %dma_start3A_116 = tpu.memref_squeeze %dma_start3A_115 : memref<1x80x128xi32, #tpu.memory_space<hbm>> -> memref<80x128xi32, #tpu.memory_space<hbm>>
      tpu.enqueue_dma source(%dma_start3A_116 : memref<80x128xi32, #tpu.memory_space<hbm>>) target(%arg7 : memref<80x128xi32, #tpu.memory_space<vmem>>) target_semaphore(%run_scoped3A : memref<!tpu.dma_semaphore, #tpu.memory_space<semaphore_mem>>)
      %dma_wait3A_117 = arith.constant 0 : i32
      %dma_wait3A_118 = arith.constant 0 : i32
      %dma_wait3A_119 = tpu.memref_slice %arg3[%add3A, %dma_wait3A_117, %dma_wait3A_118] : memref<32x80x128xi32, #tpu.memory_space<hbm>> -> memref<1x80x128xi32, #tpu.memory_space<hbm>>
      %dma_wait3A_120 = tpu.memref_squeeze %dma_wait3A_119 : memref<1x80x128xi32, #tpu.memory_space<hbm>> -> memref<80x128xi32, #tpu.memory_space<hbm>>
      %dma_wait3A_121 = arith.constant 0 : i32
      %dma_wait3A_122 = arith.constant 0 : i32
      %dma_wait3A_123 = tpu.memref_slice %arg3[%add3A, %dma_wait3A_121, %dma_wait3A_122] : memref<32x80x128xi32, #tpu.memory_space<hbm>> -> memref<1x80x128xi32, #tpu.memory_space<hbm>>
      %dma_wait3A_124 = tpu.memref_squeeze %dma_wait3A_123 : memref<1x80x128xi32, #tpu.memory_space<hbm>> -> memref<80x128xi32, #tpu.memory_space<hbm>>
      tpu.wait_dma2 semaphore(%run_scoped3A : memref<!tpu.dma_semaphore, #tpu.memory_space<semaphore_mem>>) src(%dma_wait3A_124 : memref<80x128xi32, #tpu.memory_space<hbm>>) dst(%arg7 : memref<80x128xi32, #tpu.memory_space<vmem>>)
      tpu.yield
    }) : () -> ()
    "tpu.region"() ({
      %run_scoped3A = tpu.sem_alloc : memref<!tpu.dma_semaphore, #tpu.memory_space<semaphore_mem>>
      %dma_start3A_109 = arith.constant 0 : i32
      %dma_start3A_110 = arith.constant 0 : i32
      %dma_start3A_111 = tpu.memref_slice %arg4[%add3A, %dma_start3A_109, %dma_start3A_110] : memref<32x80x128xi32, #tpu.memory_space<hbm>> -> memref<1x80x128xi32, #tpu.memory_space<hbm>>
      %dma_start3A_112 = tpu.memref_squeeze %dma_start3A_111 : memref<1x80x128xi32, #tpu.memory_space<hbm>> -> memref<80x128xi32, #tpu.memory_space<hbm>>
      %dma_start3A_113 = arith.constant 0 : i32
      %dma_start3A_114 = arith.constant 0 : i32
      %dma_start3A_115 = tpu.memref_slice %arg4[%add3A, %dma_start3A_113, %dma_start3A_114] : memref<32x80x128xi32, #tpu.memory_space<hbm>> -> memref<1x80x128xi32, #tpu.memory_space<hbm>>
      %dma_start3A_116 = tpu.memref_squeeze %dma_start3A_115 : memref<1x80x128xi32, #tpu.memory_space<hbm>> -> memref<80x128xi32, #tpu.memory_space<hbm>>
      tpu.enqueue_dma source(%dma_start3A_116 : memref<80x128xi32, #tpu.memory_space<hbm>>) target(%arg8 : memref<80x128xi32, #tpu.memory_space<vmem>>) target_semaphore(%run_scoped3A : memref<!tpu.dma_semaphore, #tpu.memory_space<semaphore_mem>>)
      %dma_wait3A_117 = arith.constant 0 : i32
      %dma_wait3A_118 = arith.constant 0 : i32
      %dma_wait3A_119 = tpu.memref_slice %arg4[%add3A, %dma_wait3A_117, %dma_wait3A_118] : memref<32x80x128xi32, #tpu.memory_space<hbm>> -> memref<1x80x128xi32, #tpu.memory_space<hbm>>
      %dma_wait3A_120 = tpu.memref_squeeze %dma_wait3A_119 : memref<1x80x128xi32, #tpu.memory_space<hbm>> -> memref<80x128xi32, #tpu.memory_space<hbm>>
      %dma_wait3A_121 = arith.constant 0 : i32
      %dma_wait3A_122 = arith.constant 0 : i32
      %dma_wait3A_123 = tpu.memref_slice %arg4[%add3A, %dma_wait3A_121, %dma_wait3A_122] : memref<32x80x128xi32, #tpu.memory_space<hbm>> -> memref<1x80x128xi32, #tpu.memory_space<hbm>>
      %dma_wait3A_124 = tpu.memref_squeeze %dma_wait3A_123 : memref<1x80x128xi32, #tpu.memory_space<hbm>> -> memref<80x128xi32, #tpu.memory_space<hbm>>
      tpu.wait_dma2 semaphore(%run_scoped3A : memref<!tpu.dma_semaphore, #tpu.memory_space<semaphore_mem>>) src(%dma_wait3A_124 : memref<80x128xi32, #tpu.memory_space<hbm>>) dst(%arg8 : memref<80x128xi32, #tpu.memory_space<vmem>>)
      tpu.yield
    }) : () -> ()
    %dma_start3A = arith.constant 0 : i32
    %dma_start3A_1 = arith.constant 0 : i32
    %dma_start3A_2 = tpu.memref_slice %arg7[%dma_start3A, %dma_start3A_1] : memref<80x128xi32, #tpu.memory_space<vmem>> -> memref<1x128xi32, #tpu.memory_space<vmem>>
    %dma_start3A_3 = tpu.memref_squeeze %dma_start3A_2 : memref<1x128xi32, #tpu.memory_space<vmem>> -> memref<128xi32, #tpu.memory_space<vmem>>
    %dma_start3A_4 = arith.constant 0 : i32
    %dma_start3A_5 = arith.constant 0 : i32
    %dma_start3A_6 = tpu.memref_slice %arg2[%dma_start3A_4, %dma_start3A_5] : memref<10000x64xf32, #tpu.memory_space<hbm>> -> memref<10000x64xf32, #tpu.memory_space<hbm>>
    tpu.enqueue_indirect_dma source(%dma_start3A_6 : memref<10000x64xf32, #tpu.memory_space<hbm>>) target(%arg9 : memref<128x64xf32, #tpu.memory_space<vmem>>) offsets(%dma_start3A_3 : memref<128xi32, #tpu.memory_space<vmem>>) semaphore(%arg18 : memref<!tpu.dma_semaphore, #tpu.memory_space<semaphore_mem>>)
    %dma_start3A_7 = arith.constant 1 : i32
    %dma_start3A_8 = arith.constant 0 : i32
    %dma_start3A_9 = tpu.memref_slice %arg7[%dma_start3A_7, %dma_start3A_8] : memref<80x128xi32, #tpu.memory_space<vmem>> -> memref<1x128xi32, #tpu.memory_space<vmem>>
    %dma_start3A_10 = tpu.memref_squeeze %dma_start3A_9 : memref<1x128xi32, #tpu.memory_space<vmem>> -> memref<128xi32, #tpu.memory_space<vmem>>
    %dma_start3A_11 = arith.constant 0 : i32
    %dma_start3A_12 = arith.constant 0 : i32
    %dma_start3A_13 = tpu.memref_slice %arg2[%dma_start3A_11, %dma_start3A_12] : memref<10000x64xf32, #tpu.memory_space<hbm>> -> memref<10000x64xf32, #tpu.memory_space<hbm>>
    tpu.enqueue_indirect_dma source(%dma_start3A_13 : memref<10000x64xf32, #tpu.memory_space<hbm>>) target(%arg10 : memref<128x64xf32, #tpu.memory_space<vmem>>) offsets(%dma_start3A_10 : memref<128xi32, #tpu.memory_space<vmem>>) semaphore(%arg19 : memref<!tpu.dma_semaphore, #tpu.memory_space<semaphore_mem>>)
    %dma_start3A_14 = arith.constant 2 : i32
    %dma_start3A_15 = arith.constant 0 : i32
    %dma_start3A_16 = tpu.memref_slice %arg7[%dma_start3A_14, %dma_start3A_15] : memref<80x128xi32, #tpu.memory_space<vmem>> -> memref<1x128xi32, #tpu.memory_space<vmem>>
    %dma_start3A_17 = tpu.memref_squeeze %dma_start3A_16 : memref<1x128xi32, #tpu.memory_space<vmem>> -> memref<128xi32, #tpu.memory_space<vmem>>
    %dma_start3A_18 = arith.constant 0 : i32
    %dma_start3A_19 = arith.constant 0 : i32
    %dma_start3A_20 = tpu.memref_slice %arg2[%dma_start3A_18, %dma_start3A_19] : memref<10000x64xf32, #tpu.memory_space<hbm>> -> memref<10000x64xf32, #tpu.memory_space<hbm>>
    tpu.enqueue_indirect_dma source(%dma_start3A_20 : memref<10000x64xf32, #tpu.memory_space<hbm>>) target(%arg11 : memref<128x64xf32, #tpu.memory_space<vmem>>) offsets(%dma_start3A_17 : memref<128xi32, #tpu.memory_space<vmem>>) semaphore(%arg20 : memref<!tpu.dma_semaphore, #tpu.memory_space<semaphore_mem>>)
    %dma_start3A_21 = arith.constant 3 : i32
    %dma_start3A_22 = arith.constant 0 : i32
    %dma_start3A_23 = tpu.memref_slice %arg7[%dma_start3A_21, %dma_start3A_22] : memref<80x128xi32, #tpu.memory_space<vmem>> -> memref<1x128xi32, #tpu.memory_space<vmem>>
    %dma_start3A_24 = tpu.memref_squeeze %dma_start3A_23 : memref<1x128xi32, #tpu.memory_space<vmem>> -> memref<128xi32, #tpu.memory_space<vmem>>
    %dma_start3A_25 = arith.constant 0 : i32
    %dma_start3A_26 = arith.constant 0 : i32
    %dma_start3A_27 = tpu.memref_slice %arg2[%dma_start3A_25, %dma_start3A_26] : memref<10000x64xf32, #tpu.memory_space<hbm>> -> memref<10000x64xf32, #tpu.memory_space<hbm>>
    tpu.enqueue_indirect_dma source(%dma_start3A_27 : memref<10000x64xf32, #tpu.memory_space<hbm>>) target(%arg12 : memref<128x64xf32, #tpu.memory_space<vmem>>) offsets(%dma_start3A_24 : memref<128xi32, #tpu.memory_space<vmem>>) semaphore(%arg21 : memref<!tpu.dma_semaphore, #tpu.memory_space<semaphore_mem>>)
    %eq3A = arith.constant 0 : i32
    %eq3A_28 = arith.cmpi eq, %arg0, %eq3A : i32
    %lt3A = arith.constant 15 : i32
    %lt3A_29 = arith.cmpi slt, %arg1, %lt3A : i32
    %and3A = arith.andi %eq3A_28, %lt3A_29 : i1
    %convert_element_type3A = arith.extui %and3A : i1 to i32
    %cond3A = arith.constant 0 : i32
    %cond3A_30 = arith.cmpi ne, %convert_element_type3A, %cond3A : i32
    scf.if %cond3A_30 {
      %mul3A_109 = arith.constant 640 : i32
      %mul3A_110 = arith.muli %arg1, %mul3A_109 : i32
      %mul3A_111 = arith.constant 640 : i32
      %mul3A_112 = arith.muli %arg1, %mul3A_111 : i32
      "tpu.region"() ({
        %run_scoped3A = tpu.sem_alloc : memref<!tpu.dma_semaphore, #tpu.memory_space<semaphore_mem>>
        %dma_start3A_113 = arith.constant 0 : i32
        %dma_start3A_114 = tpu.memref_slice %arg17[%mul3A_112, %dma_start3A_113] : memref<10240x64xf32, #tpu.memory_space<vmem_shared>> -> memref<640x64xf32, #tpu.memory_space<vmem_shared>>
        %dma_start3A_115 = arith.constant 0 : i32
        %dma_start3A_116 = tpu.memref_slice %arg2[%mul3A_110, %dma_start3A_115] : memref<10000x64xf32, #tpu.memory_space<hbm>> -> memref<640x64xf32, #tpu.memory_space<hbm>>
        tpu.enqueue_dma source(%dma_start3A_116 : memref<640x64xf32, #tpu.memory_space<hbm>>) target(%dma_start3A_114 : memref<640x64xf32, #tpu.memory_space<vmem_shared>>) target_semaphore(%run_scoped3A : memref<!tpu.dma_semaphore, #tpu.memory_space<semaphore_mem>>)
        %dma_wait3A_117 = arith.constant 0 : i32
        %dma_wait3A_118 = tpu.memref_slice %arg17[%mul3A_112, %dma_wait3A_117] : memref<10240x64xf32, #tpu.memory_space<vmem_shared>> -> memref<640x64xf32, #tpu.memory_space<vmem_shared>>
        %dma_wait3A_119 = arith.constant 0 : i32
        %dma_wait3A_120 = tpu.memref_slice %arg2[%mul3A_110, %dma_wait3A_119] : memref<10000x64xf32, #tpu.memory_space<hbm>> -> memref<640x64xf32, #tpu.memory_space<hbm>>
        tpu.wait_dma2 semaphore(%run_scoped3A : memref<!tpu.dma_semaphore, #tpu.memory_space<semaphore_mem>>) src(%dma_wait3A_120 : memref<640x64xf32, #tpu.memory_space<hbm>>) dst(%dma_wait3A_118 : memref<640x64xf32, #tpu.memory_space<vmem_shared>>)
        tpu.yield
      }) : () -> ()
    } else {
    }
    %eq3A_31 = arith.constant 0 : i32
    %eq3A_32 = arith.cmpi eq, %arg0, %eq3A_31 : i32
    %eq3A_33 = arith.constant 15 : i32
    %eq3A_34 = arith.cmpi eq, %arg1, %eq3A_33 : i32
    %and3A_35 = arith.andi %eq3A_32, %eq3A_34 : i1
    %convert_element_type3A_36 = arith.extui %and3A_35 : i1 to i32
    %cond3A_37 = arith.constant 0 : i32
    %cond3A_38 = arith.cmpi ne, %convert_element_type3A_36, %cond3A_37 : i32
    scf.if %cond3A_38 {
      "tpu.region"() ({
        %run_scoped3A = tpu.sem_alloc : memref<!tpu.dma_semaphore, #tpu.memory_space<semaphore_mem>>
        %dma_start3A_109 = arith.constant 9600 : i32
        %dma_start3A_110 = arith.constant 0 : i32
        %dma_start3A_111 = tpu.memref_slice %arg17[%dma_start3A_109, %dma_start3A_110] : memref<10240x64xf32, #tpu.memory_space<vmem_shared>> -> memref<400x64xf32, #tpu.memory_space<vmem_shared>>
        %dma_start3A_112 = arith.constant 9600 : i32
        %dma_start3A_113 = arith.constant 0 : i32
        %dma_start3A_114 = tpu.memref_slice %arg2[%dma_start3A_112, %dma_start3A_113] : memref<10000x64xf32, #tpu.memory_space<hbm>> -> memref<400x64xf32, #tpu.memory_space<hbm>>
        tpu.enqueue_dma source(%dma_start3A_114 : memref<400x64xf32, #tpu.memory_space<hbm>>) target(%dma_start3A_111 : memref<400x64xf32, #tpu.memory_space<vmem_shared>>) target_semaphore(%run_scoped3A : memref<!tpu.dma_semaphore, #tpu.memory_space<semaphore_mem>>)
        %dma_wait3A_115 = arith.constant 9600 : i32
        %dma_wait3A_116 = arith.constant 0 : i32
        %dma_wait3A_117 = tpu.memref_slice %arg17[%dma_wait3A_115, %dma_wait3A_116] : memref<10240x64xf32, #tpu.memory_space<vmem_shared>> -> memref<400x64xf32, #tpu.memory_space<vmem_shared>>
        %dma_wait3A_118 = arith.constant 9600 : i32
        %dma_wait3A_119 = arith.constant 0 : i32
        %dma_wait3A_120 = tpu.memref_slice %arg2[%dma_wait3A_118, %dma_wait3A_119] : memref<10000x64xf32, #tpu.memory_space<hbm>> -> memref<400x64xf32, #tpu.memory_space<hbm>>
        tpu.wait_dma2 semaphore(%run_scoped3A : memref<!tpu.dma_semaphore, #tpu.memory_space<semaphore_mem>>) src(%dma_wait3A_120 : memref<400x64xf32, #tpu.memory_space<hbm>>) dst(%dma_wait3A_117 : memref<400x64xf32, #tpu.memory_space<vmem_shared>>)
        tpu.yield
      }) : () -> ()
      "tpu.region"() ({
        %run_scoped3A = tpu.sem_alloc : memref<!tpu.dma_semaphore, #tpu.memory_space<semaphore_mem>>
        %dma_start3A_109 = arith.constant 10000 : i32
        %dma_start3A_110 = arith.constant 0 : i32
        %dma_start3A_111 = tpu.memref_slice %arg17[%dma_start3A_109, %dma_start3A_110] : memref<10240x64xf32, #tpu.memory_space<vmem_shared>> -> memref<240x64xf32, #tpu.memory_space<vmem_shared>>
        %dma_start3A_112 = arith.constant 10000 : i32
        %dma_start3A_113 = arith.constant 0 : i32
        %dma_start3A_114 = tpu.memref_slice %arg5[%dma_start3A_112, %dma_start3A_113] : memref<10240x64xf32, #tpu.memory_space<hbm>> -> memref<240x64xf32, #tpu.memory_space<hbm>>
        tpu.enqueue_dma source(%dma_start3A_114 : memref<240x64xf32, #tpu.memory_space<hbm>>) target(%dma_start3A_111 : memref<240x64xf32, #tpu.memory_space<vmem_shared>>) target_semaphore(%run_scoped3A : memref<!tpu.dma_semaphore, #tpu.memory_space<semaphore_mem>>)
        %dma_wait3A_115 = arith.constant 10000 : i32
        %dma_wait3A_116 = arith.constant 0 : i32
        %dma_wait3A_117 = tpu.memref_slice %arg17[%dma_wait3A_115, %dma_wait3A_116] : memref<10240x64xf32, #tpu.memory_space<vmem_shared>> -> memref<240x64xf32, #tpu.memory_space<vmem_shared>>
        %dma_wait3A_118 = arith.constant 10000 : i32
        %dma_wait3A_119 = arith.constant 0 : i32
        %dma_wait3A_120 = tpu.memref_slice %arg5[%dma_wait3A_118, %dma_wait3A_119] : memref<10240x64xf32, #tpu.memory_space<hbm>> -> memref<240x64xf32, #tpu.memory_space<hbm>>
        tpu.wait_dma2 semaphore(%run_scoped3A : memref<!tpu.dma_semaphore, #tpu.memory_space<semaphore_mem>>) src(%dma_wait3A_120 : memref<240x64xf32, #tpu.memory_space<hbm>>) dst(%dma_wait3A_117 : memref<240x64xf32, #tpu.memory_space<vmem_shared>>)
        tpu.yield
      }) : () -> ()
    } else {
    }
    %eq3A_39 = arith.constant 1 : i32
    %eq3A_40 = arith.cmpi eq, %arg0, %eq3A_39 : i32
    %convert_element_type3A_41 = arith.extui %eq3A_40 : i1 to i32
    %cond3A_42 = arith.constant 0 : i32
    %cond3A_43 = arith.cmpi ne, %convert_element_type3A_41, %cond3A_42 : i32
    scf.if %cond3A_43 {
      %mul3A_109 = arith.constant 640 : i32
      %mul3A_110 = arith.muli %arg1, %mul3A_109 : i32
      %mul3A_111 = arith.constant 640 : i32
      %mul3A_112 = arith.muli %arg1, %mul3A_111 : i32
      "tpu.region"() ({
        %run_scoped3A = tpu.sem_alloc : memref<!tpu.dma_semaphore, #tpu.memory_space<semaphore_mem>>
        %dma_start3A_113 = arith.constant 0 : i32
        %dma_start3A_114 = tpu.memref_slice %arg17[%mul3A_112, %dma_start3A_113] : memref<10240x64xf32, #tpu.memory_space<vmem_shared>> -> memref<640x64xf32, #tpu.memory_space<vmem_shared>>
        %dma_start3A_115 = arith.constant 0 : i32
        %dma_start3A_116 = tpu.memref_slice %arg5[%mul3A_110, %dma_start3A_115] : memref<10240x64xf32, #tpu.memory_space<hbm>> -> memref<640x64xf32, #tpu.memory_space<hbm>>
        tpu.enqueue_dma source(%dma_start3A_116 : memref<640x64xf32, #tpu.memory_space<hbm>>) target(%dma_start3A_114 : memref<640x64xf32, #tpu.memory_space<vmem_shared>>) target_semaphore(%run_scoped3A : memref<!tpu.dma_semaphore, #tpu.memory_space<semaphore_mem>>)
        %dma_wait3A_117 = arith.constant 0 : i32
        %dma_wait3A_118 = tpu.memref_slice %arg17[%mul3A_112, %dma_wait3A_117] : memref<10240x64xf32, #tpu.memory_space<vmem_shared>> -> memref<640x64xf32, #tpu.memory_space<vmem_shared>>
        %dma_wait3A_119 = arith.constant 0 : i32
        %dma_wait3A_120 = tpu.memref_slice %arg5[%mul3A_110, %dma_wait3A_119] : memref<10240x64xf32, #tpu.memory_space<hbm>> -> memref<640x64xf32, #tpu.memory_space<hbm>>
        tpu.wait_dma2 semaphore(%run_scoped3A : memref<!tpu.dma_semaphore, #tpu.memory_space<semaphore_mem>>) src(%dma_wait3A_120 : memref<640x64xf32, #tpu.memory_space<hbm>>) dst(%dma_wait3A_118 : memref<640x64xf32, #tpu.memory_space<vmem_shared>>)
        tpu.yield
      }) : () -> ()
    } else {
    }
    %barrier3A = arith.constant 0 : index
    tpu.barrier barrier_id(%barrier3A)
    %scan3A = arith.constant 0 : i32
    %scan3A_44 = arith.constant 0 : i32
    %scan3A_45 = arith.constant 10 : i32
    %scan3A_46 = arith.addi %scan3A_44, %scan3A_45 : i32
    %scan3A_47 = arith.constant 1 : i32
    scf.for %scan3A_109 = %scan3A_44 to %scan3A_46 step %scan3A_47  : i32 {
      %mul3A_110 = arith.constant 8 : i32
      %mul3A_111 = arith.muli %mul3A_110, %scan3A_109 : i32
      %add3A_112 = arith.constant 0 : i32
      %add3A_113 = arith.addi %mul3A_111, %add3A_112 : i32
      %dma_wait3A_114 = arith.constant 0 : i32
      %dma_wait3A_115 = tpu.memref_slice %arg7[%add3A_113, %dma_wait3A_114] : memref<80x128xi32, #tpu.memory_space<vmem>> -> memref<1x128xi32, #tpu.memory_space<vmem>>
      %dma_wait3A_116 = tpu.memref_squeeze %dma_wait3A_115 : memref<1x128xi32, #tpu.memory_space<vmem>> -> memref<128xi32, #tpu.memory_space<vmem>>
      %dma_wait3A_117 = arith.constant 0 : i32
      %dma_wait3A_118 = arith.constant 0 : i32
      %dma_wait3A_119 = tpu.memref_slice %arg2[%dma_wait3A_117, %dma_wait3A_118] : memref<10000x64xf32, #tpu.memory_space<hbm>> -> memref<10000x64xf32, #tpu.memory_space<hbm>>
      tpu.wait_indirect_dma semaphore(%arg18 : memref<!tpu.dma_semaphore, #tpu.memory_space<semaphore_mem>>) src(%dma_wait3A_119 : memref<10000x64xf32, #tpu.memory_space<hbm>>) dst(%arg9 : memref<128x64xf32, #tpu.memory_space<vmem>>)
      %dma_start3A_120 = arith.constant 0 : i32
      %dma_start3A_121 = tpu.memref_slice %arg8[%add3A_113, %dma_start3A_120] : memref<80x128xi32, #tpu.memory_space<vmem>> -> memref<1x128xi32, #tpu.memory_space<vmem>>
      %dma_start3A_122 = tpu.memref_squeeze %dma_start3A_121 : memref<1x128xi32, #tpu.memory_space<vmem>> -> memref<128xi32, #tpu.memory_space<vmem>>
      %dma_start3A_123 = arith.constant 0 : i32
      %dma_start3A_124 = arith.constant 0 : i32
      %dma_start3A_125 = tpu.memref_slice %arg17[%dma_start3A_123, %dma_start3A_124] : memref<10240x64xf32, #tpu.memory_space<vmem_shared>> -> memref<10240x64xf32, #tpu.memory_space<vmem_shared>>
      tpu.enqueue_indirect_dma source(%arg9 : memref<128x64xf32, #tpu.memory_space<vmem>>) target(%dma_start3A_125 : memref<10240x64xf32, #tpu.memory_space<vmem_shared>>) offsets(%dma_start3A_122 : memref<128xi32, #tpu.memory_space<vmem>>) semaphore(%arg26 : memref<!tpu.dma_semaphore, #tpu.memory_space<semaphore_mem>>) {add = true}
      %add3A_126 = arith.constant 4 : i32
      %add3A_127 = arith.addi %add3A_113, %add3A_126 : i32
      %lt3A_128 = arith.constant 80 : i32
      %lt3A_129 = arith.cmpi slt, %add3A_127, %lt3A_128 : i32
      %ge3A = arith.constant 4 : i32
      %ge3A_130 = arith.cmpi sge, %add3A_113, %ge3A : i32
      %and3A_131 = arith.andi %lt3A_129, %ge3A_130 : i1
      %convert_element_type3A_132 = arith.extui %and3A_131 : i1 to i32
      %cond3A_133 = arith.constant 0 : i32
      %cond3A_134 = arith.cmpi ne, %convert_element_type3A_132, %cond3A_133 : i32
      scf.if %cond3A_134 {
        %sub3A = arith.constant 4 : i32
        %sub3A_373 = arith.subi %add3A_113, %sub3A : i32
        %dma_wait3A_374 = arith.constant 0 : i32
        %dma_wait3A_375 = tpu.memref_slice %arg8[%sub3A_373, %dma_wait3A_374] : memref<80x128xi32, #tpu.memory_space<vmem>> -> memref<1x128xi32, #tpu.memory_space<vmem>>
        %dma_wait3A_376 = tpu.memref_squeeze %dma_wait3A_375 : memref<1x128xi32, #tpu.memory_space<vmem>> -> memref<128xi32, #tpu.memory_space<vmem>>
        %dma_wait3A_377 = arith.constant 0 : i32
        %dma_wait3A_378 = arith.constant 0 : i32
        %dma_wait3A_379 = tpu.memref_slice %arg17[%dma_wait3A_377, %dma_wait3A_378] : memref<10240x64xf32, #tpu.memory_space<vmem_shared>> -> memref<10240x64xf32, #tpu.memory_space<vmem_shared>>
        tpu.wait_indirect_dma semaphore(%arg30 : memref<!tpu.dma_semaphore, #tpu.memory_space<semaphore_mem>>) src(%arg13 : memref<128x64xf32, #tpu.memory_space<vmem>>) dst(%dma_wait3A_379 : memref<10240x64xf32, #tpu.memory_space<vmem_shared>>)
      } else {
      }
      %add3A_135 = arith.constant 4 : i32
      %add3A_136 = arith.addi %add3A_113, %add3A_135 : i32
      %lt3A_137 = arith.constant 80 : i32
      %lt3A_138 = arith.cmpi slt, %add3A_136, %lt3A_137 : i32
      %convert_element_type3A_139 = arith.extui %lt3A_138 : i1 to i32
      %cond3A_140 = arith.constant 0 : i32
      %cond3A_141 = arith.cmpi ne, %convert_element_type3A_139, %cond3A_140 : i32
      scf.if %cond3A_141 {
        %add3A_373 = arith.constant 4 : i32
        %add3A_374 = arith.addi %add3A_113, %add3A_373 : i32
        %dma_start3A_375 = arith.constant 0 : i32
        %dma_start3A_376 = tpu.memref_slice %arg7[%add3A_374, %dma_start3A_375] : memref<80x128xi32, #tpu.memory_space<vmem>> -> memref<1x128xi32, #tpu.memory_space<vmem>>
        %dma_start3A_377 = tpu.memref_squeeze %dma_start3A_376 : memref<1x128xi32, #tpu.memory_space<vmem>> -> memref<128xi32, #tpu.memory_space<vmem>>
        %dma_start3A_378 = arith.constant 0 : i32
        %dma_start3A_379 = arith.constant 0 : i32
        %dma_start3A_380 = tpu.memref_slice %arg2[%dma_start3A_378, %dma_start3A_379] : memref<10000x64xf32, #tpu.memory_space<hbm>> -> memref<10000x64xf32, #tpu.memory_space<hbm>>
        tpu.enqueue_indirect_dma source(%dma_start3A_380 : memref<10000x64xf32, #tpu.memory_space<hbm>>) target(%arg13 : memref<128x64xf32, #tpu.memory_space<vmem>>) offsets(%dma_start3A_377 : memref<128xi32, #tpu.memory_space<vmem>>) semaphore(%arg22 : memref<!tpu.dma_semaphore, #tpu.memory_space<semaphore_mem>>)
      } else {
      }
      %mul3A_142 = arith.constant 8 : i32
      %mul3A_143 = arith.muli %mul3A_142, %scan3A_109 : i32
      %add3A_144 = arith.constant 1 : i32
      %add3A_145 = arith.addi %mul3A_143, %add3A_144 : i32
      %dma_wait3A_146 = arith.constant 0 : i32
      %dma_wait3A_147 = tpu.memref_slice %arg7[%add3A_145, %dma_wait3A_146] : memref<80x128xi32, #tpu.memory_space<vmem>> -> memref<1x128xi32, #tpu.memory_space<vmem>>
      %dma_wait3A_148 = tpu.memref_squeeze %dma_wait3A_147 : memref<1x128xi32, #tpu.memory_space<vmem>> -> memref<128xi32, #tpu.memory_space<vmem>>
      %dma_wait3A_149 = arith.constant 0 : i32
      %dma_wait3A_150 = arith.constant 0 : i32
      %dma_wait3A_151 = tpu.memref_slice %arg2[%dma_wait3A_149, %dma_wait3A_150] : memref<10000x64xf32, #tpu.memory_space<hbm>> -> memref<10000x64xf32, #tpu.memory_space<hbm>>
      tpu.wait_indirect_dma semaphore(%arg19 : memref<!tpu.dma_semaphore, #tpu.memory_space<semaphore_mem>>) src(%dma_wait3A_151 : memref<10000x64xf32, #tpu.memory_space<hbm>>) dst(%arg10 : memref<128x64xf32, #tpu.memory_space<vmem>>)
      %dma_start3A_152 = arith.constant 0 : i32
      %dma_start3A_153 = tpu.memref_slice %arg8[%add3A_145, %dma_start3A_152] : memref<80x128xi32, #tpu.memory_space<vmem>> -> memref<1x128xi32, #tpu.memory_space<vmem>>
      %dma_start3A_154 = tpu.memref_squeeze %dma_start3A_153 : memref<1x128xi32, #tpu.memory_space<vmem>> -> memref<128xi32, #tpu.memory_space<vmem>>
      %dma_start3A_155 = arith.constant 0 : i32
      %dma_start3A_156 = arith.constant 0 : i32
      %dma_start3A_157 = tpu.memref_slice %arg17[%dma_start3A_155, %dma_start3A_156] : memref<10240x64xf32, #tpu.memory_space<vmem_shared>> -> memref<10240x64xf32, #tpu.memory_space<vmem_shared>>
      tpu.enqueue_indirect_dma source(%arg10 : memref<128x64xf32, #tpu.memory_space<vmem>>) target(%dma_start3A_157 : memref<10240x64xf32, #tpu.memory_space<vmem_shared>>) offsets(%dma_start3A_154 : memref<128xi32, #tpu.memory_space<vmem>>) semaphore(%arg27 : memref<!tpu.dma_semaphore, #tpu.memory_space<semaphore_mem>>) {add = true}
      %add3A_158 = arith.constant 4 : i32
      %add3A_159 = arith.addi %add3A_145, %add3A_158 : i32
      %lt3A_160 = arith.constant 80 : i32
      %lt3A_161 = arith.cmpi slt, %add3A_159, %lt3A_160 : i32
      %ge3A_162 = arith.constant 4 : i32
      %ge3A_163 = arith.cmpi sge, %add3A_145, %ge3A_162 : i32
      %and3A_164 = arith.andi %lt3A_161, %ge3A_163 : i1
      %convert_element_type3A_165 = arith.extui %and3A_164 : i1 to i32
      %cond3A_166 = arith.constant 0 : i32
      %cond3A_167 = arith.cmpi ne, %convert_element_type3A_165, %cond3A_166 : i32
      scf.if %cond3A_167 {
        %sub3A = arith.constant 4 : i32
        %sub3A_373 = arith.subi %add3A_145, %sub3A : i32
        %dma_wait3A_374 = arith.constant 0 : i32
        %dma_wait3A_375 = tpu.memref_slice %arg8[%sub3A_373, %dma_wait3A_374] : memref<80x128xi32, #tpu.memory_space<vmem>> -> memref<1x128xi32, #tpu.memory_space<vmem>>
        %dma_wait3A_376 = tpu.memref_squeeze %dma_wait3A_375 : memref<1x128xi32, #tpu.memory_space<vmem>> -> memref<128xi32, #tpu.memory_space<vmem>>
        %dma_wait3A_377 = arith.constant 0 : i32
        %dma_wait3A_378 = arith.constant 0 : i32
        %dma_wait3A_379 = tpu.memref_slice %arg17[%dma_wait3A_377, %dma_wait3A_378] : memref<10240x64xf32, #tpu.memory_space<vmem_shared>> -> memref<10240x64xf32, #tpu.memory_space<vmem_shared>>
        tpu.wait_indirect_dma semaphore(%arg31 : memref<!tpu.dma_semaphore, #tpu.memory_space<semaphore_mem>>) src(%arg14 : memref<128x64xf32, #tpu.memory_space<vmem>>) dst(%dma_wait3A_379 : memref<10240x64xf32, #tpu.memory_space<vmem_shared>>)
      } else {
      }
      %add3A_168 = arith.constant 4 : i32
      %add3A_169 = arith.addi %add3A_145, %add3A_168 : i32
      %lt3A_170 = arith.constant 80 : i32
      %lt3A_171 = arith.cmpi slt, %add3A_169, %lt3A_170 : i32
      %convert_element_type3A_172 = arith.extui %lt3A_171 : i1 to i32
      %cond3A_173 = arith.constant 0 : i32
      %cond3A_174 = arith.cmpi ne, %convert_element_type3A_172, %cond3A_173 : i32
      scf.if %cond3A_174 {
        %add3A_373 = arith.constant 4 : i32
        %add3A_374 = arith.addi %add3A_145, %add3A_373 : i32
        %dma_start3A_375 = arith.constant 0 : i32
        %dma_start3A_376 = tpu.memref_slice %arg7[%add3A_374, %dma_start3A_375] : memref<80x128xi32, #tpu.memory_space<vmem>> -> memref<1x128xi32, #tpu.memory_space<vmem>>
        %dma_start3A_377 = tpu.memref_squeeze %dma_start3A_376 : memref<1x128xi32, #tpu.memory_space<vmem>> -> memref<128xi32, #tpu.memory_space<vmem>>
        %dma_start3A_378 = arith.constant 0 : i32
        %dma_start3A_379 = arith.constant 0 : i32
        %dma_start3A_380 = tpu.memref_slice %arg2[%dma_start3A_378, %dma_start3A_379] : memref<10000x64xf32, #tpu.memory_space<hbm>> -> memref<10000x64xf32, #tpu.memory_space<hbm>>
        tpu.enqueue_indirect_dma source(%dma_start3A_380 : memref<10000x64xf32, #tpu.memory_space<hbm>>) target(%arg14 : memref<128x64xf32, #tpu.memory_space<vmem>>) offsets(%dma_start3A_377 : memref<128xi32, #tpu.memory_space<vmem>>) semaphore(%arg23 : memref<!tpu.dma_semaphore, #tpu.memory_space<semaphore_mem>>)
      } else {
      }
      %mul3A_175 = arith.constant 8 : i32
      %mul3A_176 = arith.muli %mul3A_175, %scan3A_109 : i32
      %add3A_177 = arith.constant 2 : i32
      %add3A_178 = arith.addi %mul3A_176, %add3A_177 : i32
      %dma_wait3A_179 = arith.constant 0 : i32
      %dma_wait3A_180 = tpu.memref_slice %arg7[%add3A_178, %dma_wait3A_179] : memref<80x128xi32, #tpu.memory_space<vmem>> -> memref<1x128xi32, #tpu.memory_space<vmem>>
      %dma_wait3A_181 = tpu.memref_squeeze %dma_wait3A_180 : memref<1x128xi32, #tpu.memory_space<vmem>> -> memref<128xi32, #tpu.memory_space<vmem>>
      %dma_wait3A_182 = arith.constant 0 : i32
      %dma_wait3A_183 = arith.constant 0 : i32
      %dma_wait3A_184 = tpu.memref_slice %arg2[%dma_wait3A_182, %dma_wait3A_183] : memref<10000x64xf32, #tpu.memory_space<hbm>> -> memref<10000x64xf32, #tpu.memory_space<hbm>>
      tpu.wait_indirect_dma semaphore(%arg20 : memref<!tpu.dma_semaphore, #tpu.memory_space<semaphore_mem>>) src(%dma_wait3A_184 : memref<10000x64xf32, #tpu.memory_space<hbm>>) dst(%arg11 : memref<128x64xf32, #tpu.memory_space<vmem>>)
      %dma_start3A_185 = arith.constant 0 : i32
      %dma_start3A_186 = tpu.memref_slice %arg8[%add3A_178, %dma_start3A_185] : memref<80x128xi32, #tpu.memory_space<vmem>> -> memref<1x128xi32, #tpu.memory_space<vmem>>
      %dma_start3A_187 = tpu.memref_squeeze %dma_start3A_186 : memref<1x128xi32, #tpu.memory_space<vmem>> -> memref<128xi32, #tpu.memory_space<vmem>>
      %dma_start3A_188 = arith.constant 0 : i32
      %dma_start3A_189 = arith.constant 0 : i32
      %dma_start3A_190 = tpu.memref_slice %arg17[%dma_start3A_188, %dma_start3A_189] : memref<10240x64xf32, #tpu.memory_space<vmem_shared>> -> memref<10240x64xf32, #tpu.memory_space<vmem_shared>>
      tpu.enqueue_indirect_dma source(%arg11 : memref<128x64xf32, #tpu.memory_space<vmem>>) target(%dma_start3A_190 : memref<10240x64xf32, #tpu.memory_space<vmem_shared>>) offsets(%dma_start3A_187 : memref<128xi32, #tpu.memory_space<vmem>>) semaphore(%arg28 : memref<!tpu.dma_semaphore, #tpu.memory_space<semaphore_mem>>) {add = true}
      %add3A_191 = arith.constant 4 : i32
      %add3A_192 = arith.addi %add3A_178, %add3A_191 : i32
      %lt3A_193 = arith.constant 80 : i32
      %lt3A_194 = arith.cmpi slt, %add3A_192, %lt3A_193 : i32
      %ge3A_195 = arith.constant 4 : i32
      %ge3A_196 = arith.cmpi sge, %add3A_178, %ge3A_195 : i32
      %and3A_197 = arith.andi %lt3A_194, %ge3A_196 : i1
      %convert_element_type3A_198 = arith.extui %and3A_197 : i1 to i32
      %cond3A_199 = arith.constant 0 : i32
      %cond3A_200 = arith.cmpi ne, %convert_element_type3A_198, %cond3A_199 : i32
      scf.if %cond3A_200 {
        %sub3A = arith.constant 4 : i32
        %sub3A_373 = arith.subi %add3A_178, %sub3A : i32
        %dma_wait3A_374 = arith.constant 0 : i32
        %dma_wait3A_375 = tpu.memref_slice %arg8[%sub3A_373, %dma_wait3A_374] : memref<80x128xi32, #tpu.memory_space<vmem>> -> memref<1x128xi32, #tpu.memory_space<vmem>>
        %dma_wait3A_376 = tpu.memref_squeeze %dma_wait3A_375 : memref<1x128xi32, #tpu.memory_space<vmem>> -> memref<128xi32, #tpu.memory_space<vmem>>
        %dma_wait3A_377 = arith.constant 0 : i32
        %dma_wait3A_378 = arith.constant 0 : i32
        %dma_wait3A_379 = tpu.memref_slice %arg17[%dma_wait3A_377, %dma_wait3A_378] : memref<10240x64xf32, #tpu.memory_space<vmem_shared>> -> memref<10240x64xf32, #tpu.memory_space<vmem_shared>>
        tpu.wait_indirect_dma semaphore(%arg32 : memref<!tpu.dma_semaphore, #tpu.memory_space<semaphore_mem>>) src(%arg15 : memref<128x64xf32, #tpu.memory_space<vmem>>) dst(%dma_wait3A_379 : memref<10240x64xf32, #tpu.memory_space<vmem_shared>>)
      } else {
      }
      %add3A_201 = arith.constant 4 : i32
      %add3A_202 = arith.addi %add3A_178, %add3A_201 : i32
      %lt3A_203 = arith.constant 80 : i32
      %lt3A_204 = arith.cmpi slt, %add3A_202, %lt3A_203 : i32
      %convert_element_type3A_205 = arith.extui %lt3A_204 : i1 to i32
      %cond3A_206 = arith.constant 0 : i32
      %cond3A_207 = arith.cmpi ne, %convert_element_type3A_205, %cond3A_206 : i32
      scf.if %cond3A_207 {
        %add3A_373 = arith.constant 4 : i32
        %add3A_374 = arith.addi %add3A_178, %add3A_373 : i32
        %dma_start3A_375 = arith.constant 0 : i32
        %dma_start3A_376 = tpu.memref_slice %arg7[%add3A_374, %dma_start3A_375] : memref<80x128xi32, #tpu.memory_space<vmem>> -> memref<1x128xi32, #tpu.memory_space<vmem>>
        %dma_start3A_377 = tpu.memref_squeeze %dma_start3A_376 : memref<1x128xi32, #tpu.memory_space<vmem>> -> memref<128xi32, #tpu.memory_space<vmem>>
        %dma_start3A_378 = arith.constant 0 : i32
        %dma_start3A_379 = arith.constant 0 : i32
        %dma_start3A_380 = tpu.memref_slice %arg2[%dma_start3A_378, %dma_start3A_379] : memref<10000x64xf32, #tpu.memory_space<hbm>> -> memref<10000x64xf32, #tpu.memory_space<hbm>>
        tpu.enqueue_indirect_dma source(%dma_start3A_380 : memref<10000x64xf32, #tpu.memory_space<hbm>>) target(%arg15 : memref<128x64xf32, #tpu.memory_space<vmem>>) offsets(%dma_start3A_377 : memref<128xi32, #tpu.memory_space<vmem>>) semaphore(%arg24 : memref<!tpu.dma_semaphore, #tpu.memory_space<semaphore_mem>>)
      } else {
      }
      %mul3A_208 = arith.constant 8 : i32
      %mul3A_209 = arith.muli %mul3A_208, %scan3A_109 : i32
      %add3A_210 = arith.constant 3 : i32
      %add3A_211 = arith.addi %mul3A_209, %add3A_210 : i32
      %dma_wait3A_212 = arith.constant 0 : i32
      %dma_wait3A_213 = tpu.memref_slice %arg7[%add3A_211, %dma_wait3A_212] : memref<80x128xi32, #tpu.memory_space<vmem>> -> memref<1x128xi32, #tpu.memory_space<vmem>>
      %dma_wait3A_214 = tpu.memref_squeeze %dma_wait3A_213 : memref<1x128xi32, #tpu.memory_space<vmem>> -> memref<128xi32, #tpu.memory_space<vmem>>
      %dma_wait3A_215 = arith.constant 0 : i32
      %dma_wait3A_216 = arith.constant 0 : i32
      %dma_wait3A_217 = tpu.memref_slice %arg2[%dma_wait3A_215, %dma_wait3A_216] : memref<10000x64xf32, #tpu.memory_space<hbm>> -> memref<10000x64xf32, #tpu.memory_space<hbm>>
      tpu.wait_indirect_dma semaphore(%arg21 : memref<!tpu.dma_semaphore, #tpu.memory_space<semaphore_mem>>) src(%dma_wait3A_217 : memref<10000x64xf32, #tpu.memory_space<hbm>>) dst(%arg12 : memref<128x64xf32, #tpu.memory_space<vmem>>)
      %dma_start3A_218 = arith.constant 0 : i32
      %dma_start3A_219 = tpu.memref_slice %arg8[%add3A_211, %dma_start3A_218] : memref<80x128xi32, #tpu.memory_space<vmem>> -> memref<1x128xi32, #tpu.memory_space<vmem>>
      %dma_start3A_220 = tpu.memref_squeeze %dma_start3A_219 : memref<1x128xi32, #tpu.memory_space<vmem>> -> memref<128xi32, #tpu.memory_space<vmem>>
      %dma_start3A_221 = arith.constant 0 : i32
      %dma_start3A_222 = arith.constant 0 : i32
      %dma_start3A_223 = tpu.memref_slice %arg17[%dma_start3A_221, %dma_start3A_222] : memref<10240x64xf32, #tpu.memory_space<vmem_shared>> -> memref<10240x64xf32, #tpu.memory_space<vmem_shared>>
      tpu.enqueue_indirect_dma source(%arg12 : memref<128x64xf32, #tpu.memory_space<vmem>>) target(%dma_start3A_223 : memref<10240x64xf32, #tpu.memory_space<vmem_shared>>) offsets(%dma_start3A_220 : memref<128xi32, #tpu.memory_space<vmem>>) semaphore(%arg29 : memref<!tpu.dma_semaphore, #tpu.memory_space<semaphore_mem>>) {add = true}
      %add3A_224 = arith.constant 4 : i32
      %add3A_225 = arith.addi %add3A_211, %add3A_224 : i32
      %lt3A_226 = arith.constant 80 : i32
      %lt3A_227 = arith.cmpi slt, %add3A_225, %lt3A_226 : i32
      %ge3A_228 = arith.constant 4 : i32
      %ge3A_229 = arith.cmpi sge, %add3A_211, %ge3A_228 : i32
      %and3A_230 = arith.andi %lt3A_227, %ge3A_229 : i1
      %convert_element_type3A_231 = arith.extui %and3A_230 : i1 to i32
      %cond3A_232 = arith.constant 0 : i32
      %cond3A_233 = arith.cmpi ne, %convert_element_type3A_231, %cond3A_232 : i32
      scf.if %cond3A_233 {
        %sub3A = arith.constant 4 : i32
        %sub3A_373 = arith.subi %add3A_211, %sub3A : i32
        %dma_wait3A_374 = arith.constant 0 : i32
        %dma_wait3A_375 = tpu.memref_slice %arg8[%sub3A_373, %dma_wait3A_374] : memref<80x128xi32, #tpu.memory_space<vmem>> -> memref<1x128xi32, #tpu.memory_space<vmem>>
        %dma_wait3A_376 = tpu.memref_squeeze %dma_wait3A_375 : memref<1x128xi32, #tpu.memory_space<vmem>> -> memref<128xi32, #tpu.memory_space<vmem>>
        %dma_wait3A_377 = arith.constant 0 : i32
        %dma_wait3A_378 = arith.constant 0 : i32
        %dma_wait3A_379 = tpu.memref_slice %arg17[%dma_wait3A_377, %dma_wait3A_378] : memref<10240x64xf32, #tpu.memory_space<vmem_shared>> -> memref<10240x64xf32, #tpu.memory_space<vmem_shared>>
        tpu.wait_indirect_dma semaphore(%arg33 : memref<!tpu.dma_semaphore, #tpu.memory_space<semaphore_mem>>) src(%arg16 : memref<128x64xf32, #tpu.memory_space<vmem>>) dst(%dma_wait3A_379 : memref<10240x64xf32, #tpu.memory_space<vmem_shared>>)
      } else {
      }
      %add3A_234 = arith.constant 4 : i32
      %add3A_235 = arith.addi %add3A_211, %add3A_234 : i32
      %lt3A_236 = arith.constant 80 : i32
      %lt3A_237 = arith.cmpi slt, %add3A_235, %lt3A_236 : i32
      %convert_element_type3A_238 = arith.extui %lt3A_237 : i1 to i32
      %cond3A_239 = arith.constant 0 : i32
      %cond3A_240 = arith.cmpi ne, %convert_element_type3A_238, %cond3A_239 : i32
      scf.if %cond3A_240 {
        %add3A_373 = arith.constant 4 : i32
        %add3A_374 = arith.addi %add3A_211, %add3A_373 : i32
        %dma_start3A_375 = arith.constant 0 : i32
        %dma_start3A_376 = tpu.memref_slice %arg7[%add3A_374, %dma_start3A_375] : memref<80x128xi32, #tpu.memory_space<vmem>> -> memref<1x128xi32, #tpu.memory_space<vmem>>
        %dma_start3A_377 = tpu.memref_squeeze %dma_start3A_376 : memref<1x128xi32, #tpu.memory_space<vmem>> -> memref<128xi32, #tpu.memory_space<vmem>>
        %dma_start3A_378 = arith.constant 0 : i32
        %dma_start3A_379 = arith.constant 0 : i32
        %dma_start3A_380 = tpu.memref_slice %arg2[%dma_start3A_378, %dma_start3A_379] : memref<10000x64xf32, #tpu.memory_space<hbm>> -> memref<10000x64xf32, #tpu.memory_space<hbm>>
        tpu.enqueue_indirect_dma source(%dma_start3A_380 : memref<10000x64xf32, #tpu.memory_space<hbm>>) target(%arg16 : memref<128x64xf32, #tpu.memory_space<vmem>>) offsets(%dma_start3A_377 : memref<128xi32, #tpu.memory_space<vmem>>) semaphore(%arg25 : memref<!tpu.dma_semaphore, #tpu.memory_space<semaphore_mem>>)
      } else {
      }
      %mul3A_241 = arith.constant 8 : i32
      %mul3A_242 = arith.muli %mul3A_241, %scan3A_109 : i32
      %add3A_243 = arith.constant 4 : i32
      %add3A_244 = arith.addi %mul3A_242, %add3A_243 : i32
      %dma_wait3A_245 = arith.constant 0 : i32
      %dma_wait3A_246 = tpu.memref_slice %arg7[%add3A_244, %dma_wait3A_245] : memref<80x128xi32, #tpu.memory_space<vmem>> -> memref<1x128xi32, #tpu.memory_space<vmem>>
      %dma_wait3A_247 = tpu.memref_squeeze %dma_wait3A_246 : memref<1x128xi32, #tpu.memory_space<vmem>> -> memref<128xi32, #tpu.memory_space<vmem>>
      %dma_wait3A_248 = arith.constant 0 : i32
      %dma_wait3A_249 = arith.constant 0 : i32
      %dma_wait3A_250 = tpu.memref_slice %arg2[%dma_wait3A_248, %dma_wait3A_249] : memref<10000x64xf32, #tpu.memory_space<hbm>> -> memref<10000x64xf32, #tpu.memory_space<hbm>>
      tpu.wait_indirect_dma semaphore(%arg22 : memref<!tpu.dma_semaphore, #tpu.memory_space<semaphore_mem>>) src(%dma_wait3A_250 : memref<10000x64xf32, #tpu.memory_space<hbm>>) dst(%arg13 : memref<128x64xf32, #tpu.memory_space<vmem>>)
      %dma_start3A_251 = arith.constant 0 : i32
      %dma_start3A_252 = tpu.memref_slice %arg8[%add3A_244, %dma_start3A_251] : memref<80x128xi32, #tpu.memory_space<vmem>> -> memref<1x128xi32, #tpu.memory_space<vmem>>
      %dma_start3A_253 = tpu.memref_squeeze %dma_start3A_252 : memref<1x128xi32, #tpu.memory_space<vmem>> -> memref<128xi32, #tpu.memory_space<vmem>>
      %dma_start3A_254 = arith.constant 0 : i32
      %dma_start3A_255 = arith.constant 0 : i32
      %dma_start3A_256 = tpu.memref_slice %arg17[%dma_start3A_254, %dma_start3A_255] : memref<10240x64xf32, #tpu.memory_space<vmem_shared>> -> memref<10240x64xf32, #tpu.memory_space<vmem_shared>>
      tpu.enqueue_indirect_dma source(%arg13 : memref<128x64xf32, #tpu.memory_space<vmem>>) target(%dma_start3A_256 : memref<10240x64xf32, #tpu.memory_space<vmem_shared>>) offsets(%dma_start3A_253 : memref<128xi32, #tpu.memory_space<vmem>>) semaphore(%arg30 : memref<!tpu.dma_semaphore, #tpu.memory_space<semaphore_mem>>) {add = true}
      %add3A_257 = arith.constant 4 : i32
      %add3A_258 = arith.addi %add3A_244, %add3A_257 : i32
      %lt3A_259 = arith.constant 80 : i32
      %lt3A_260 = arith.cmpi slt, %add3A_258, %lt3A_259 : i32
      %ge3A_261 = arith.constant 4 : i32
      %ge3A_262 = arith.cmpi sge, %add3A_244, %ge3A_261 : i32
      %and3A_263 = arith.andi %lt3A_260, %ge3A_262 : i1
      %convert_element_type3A_264 = arith.extui %and3A_263 : i1 to i32
      %cond3A_265 = arith.constant 0 : i32
      %cond3A_266 = arith.cmpi ne, %convert_element_type3A_264, %cond3A_265 : i32
      scf.if %cond3A_266 {
        %sub3A = arith.constant 4 : i32
        %sub3A_373 = arith.subi %add3A_244, %sub3A : i32
        %dma_wait3A_374 = arith.constant 0 : i32
        %dma_wait3A_375 = tpu.memref_slice %arg8[%sub3A_373, %dma_wait3A_374] : memref<80x128xi32, #tpu.memory_space<vmem>> -> memref<1x128xi32, #tpu.memory_space<vmem>>
        %dma_wait3A_376 = tpu.memref_squeeze %dma_wait3A_375 : memref<1x128xi32, #tpu.memory_space<vmem>> -> memref<128xi32, #tpu.memory_space<vmem>>
        %dma_wait3A_377 = arith.constant 0 : i32
        %dma_wait3A_378 = arith.constant 0 : i32
        %dma_wait3A_379 = tpu.memref_slice %arg17[%dma_wait3A_377, %dma_wait3A_378] : memref<10240x64xf32, #tpu.memory_space<vmem_shared>> -> memref<10240x64xf32, #tpu.memory_space<vmem_shared>>
        tpu.wait_indirect_dma semaphore(%arg26 : memref<!tpu.dma_semaphore, #tpu.memory_space<semaphore_mem>>) src(%arg9 : memref<128x64xf32, #tpu.memory_space<vmem>>) dst(%dma_wait3A_379 : memref<10240x64xf32, #tpu.memory_space<vmem_shared>>)
      } else {
      }
      %add3A_267 = arith.constant 4 : i32
      %add3A_268 = arith.addi %add3A_244, %add3A_267 : i32
      %lt3A_269 = arith.constant 80 : i32
      %lt3A_270 = arith.cmpi slt, %add3A_268, %lt3A_269 : i32
      %convert_element_type3A_271 = arith.extui %lt3A_270 : i1 to i32
      %cond3A_272 = arith.constant 0 : i32
      %cond3A_273 = arith.cmpi ne, %convert_element_type3A_271, %cond3A_272 : i32
      scf.if %cond3A_273 {
        %add3A_373 = arith.constant 4 : i32
        %add3A_374 = arith.addi %add3A_244, %add3A_373 : i32
        %dma_start3A_375 = arith.constant 0 : i32
        %dma_start3A_376 = tpu.memref_slice %arg7[%add3A_374, %dma_start3A_375] : memref<80x128xi32, #tpu.memory_space<vmem>> -> memref<1x128xi32, #tpu.memory_space<vmem>>
        %dma_start3A_377 = tpu.memref_squeeze %dma_start3A_376 : memref<1x128xi32, #tpu.memory_space<vmem>> -> memref<128xi32, #tpu.memory_space<vmem>>
        %dma_start3A_378 = arith.constant 0 : i32
        %dma_start3A_379 = arith.constant 0 : i32
        %dma_start3A_380 = tpu.memref_slice %arg2[%dma_start3A_378, %dma_start3A_379] : memref<10000x64xf32, #tpu.memory_space<hbm>> -> memref<10000x64xf32, #tpu.memory_space<hbm>>
        tpu.enqueue_indirect_dma source(%dma_start3A_380 : memref<10000x64xf32, #tpu.memory_space<hbm>>) target(%arg9 : memref<128x64xf32, #tpu.memory_space<vmem>>) offsets(%dma_start3A_377 : memref<128xi32, #tpu.memory_space<vmem>>) semaphore(%arg18 : memref<!tpu.dma_semaphore, #tpu.memory_space<semaphore_mem>>)
      } else {
      }
      %mul3A_274 = arith.constant 8 : i32
      %mul3A_275 = arith.muli %mul3A_274, %scan3A_109 : i32
      %add3A_276 = arith.constant 5 : i32
      %add3A_277 = arith.addi %mul3A_275, %add3A_276 : i32
      %dma_wait3A_278 = arith.constant 0 : i32
      %dma_wait3A_279 = tpu.memref_slice %arg7[%add3A_277, %dma_wait3A_278] : memref<80x128xi32, #tpu.memory_space<vmem>> -> memref<1x128xi32, #tpu.memory_space<vmem>>
      %dma_wait3A_280 = tpu.memref_squeeze %dma_wait3A_279 : memref<1x128xi32, #tpu.memory_space<vmem>> -> memref<128xi32, #tpu.memory_space<vmem>>
      %dma_wait3A_281 = arith.constant 0 : i32
      %dma_wait3A_282 = arith.constant 0 : i32
      %dma_wait3A_283 = tpu.memref_slice %arg2[%dma_wait3A_281, %dma_wait3A_282] : memref<10000x64xf32, #tpu.memory_space<hbm>> -> memref<10000x64xf32, #tpu.memory_space<hbm>>
      tpu.wait_indirect_dma semaphore(%arg23 : memref<!tpu.dma_semaphore, #tpu.memory_space<semaphore_mem>>) src(%dma_wait3A_283 : memref<10000x64xf32, #tpu.memory_space<hbm>>) dst(%arg14 : memref<128x64xf32, #tpu.memory_space<vmem>>)
      %dma_start3A_284 = arith.constant 0 : i32
      %dma_start3A_285 = tpu.memref_slice %arg8[%add3A_277, %dma_start3A_284] : memref<80x128xi32, #tpu.memory_space<vmem>> -> memref<1x128xi32, #tpu.memory_space<vmem>>
      %dma_start3A_286 = tpu.memref_squeeze %dma_start3A_285 : memref<1x128xi32, #tpu.memory_space<vmem>> -> memref<128xi32, #tpu.memory_space<vmem>>
      %dma_start3A_287 = arith.constant 0 : i32
      %dma_start3A_288 = arith.constant 0 : i32
      %dma_start3A_289 = tpu.memref_slice %arg17[%dma_start3A_287, %dma_start3A_288] : memref<10240x64xf32, #tpu.memory_space<vmem_shared>> -> memref<10240x64xf32, #tpu.memory_space<vmem_shared>>
      tpu.enqueue_indirect_dma source(%arg14 : memref<128x64xf32, #tpu.memory_space<vmem>>) target(%dma_start3A_289 : memref<10240x64xf32, #tpu.memory_space<vmem_shared>>) offsets(%dma_start3A_286 : memref<128xi32, #tpu.memory_space<vmem>>) semaphore(%arg31 : memref<!tpu.dma_semaphore, #tpu.memory_space<semaphore_mem>>) {add = true}
      %add3A_290 = arith.constant 4 : i32
      %add3A_291 = arith.addi %add3A_277, %add3A_290 : i32
      %lt3A_292 = arith.constant 80 : i32
      %lt3A_293 = arith.cmpi slt, %add3A_291, %lt3A_292 : i32
      %ge3A_294 = arith.constant 4 : i32
      %ge3A_295 = arith.cmpi sge, %add3A_277, %ge3A_294 : i32
      %and3A_296 = arith.andi %lt3A_293, %ge3A_295 : i1
      %convert_element_type3A_297 = arith.extui %and3A_296 : i1 to i32
      %cond3A_298 = arith.constant 0 : i32
      %cond3A_299 = arith.cmpi ne, %convert_element_type3A_297, %cond3A_298 : i32
      scf.if %cond3A_299 {
        %sub3A = arith.constant 4 : i32
        %sub3A_373 = arith.subi %add3A_277, %sub3A : i32
        %dma_wait3A_374 = arith.constant 0 : i32
        %dma_wait3A_375 = tpu.memref_slice %arg8[%sub3A_373, %dma_wait3A_374] : memref<80x128xi32, #tpu.memory_space<vmem>> -> memref<1x128xi32, #tpu.memory_space<vmem>>
        %dma_wait3A_376 = tpu.memref_squeeze %dma_wait3A_375 : memref<1x128xi32, #tpu.memory_space<vmem>> -> memref<128xi32, #tpu.memory_space<vmem>>
        %dma_wait3A_377 = arith.constant 0 : i32
        %dma_wait3A_378 = arith.constant 0 : i32
        %dma_wait3A_379 = tpu.memref_slice %arg17[%dma_wait3A_377, %dma_wait3A_378] : memref<10240x64xf32, #tpu.memory_space<vmem_shared>> -> memref<10240x64xf32, #tpu.memory_space<vmem_shared>>
        tpu.wait_indirect_dma semaphore(%arg27 : memref<!tpu.dma_semaphore, #tpu.memory_space<semaphore_mem>>) src(%arg10 : memref<128x64xf32, #tpu.memory_space<vmem>>) dst(%dma_wait3A_379 : memref<10240x64xf32, #tpu.memory_space<vmem_shared>>)
      } else {
      }
      %add3A_300 = arith.constant 4 : i32
      %add3A_301 = arith.addi %add3A_277, %add3A_300 : i32
      %lt3A_302 = arith.constant 80 : i32
      %lt3A_303 = arith.cmpi slt, %add3A_301, %lt3A_302 : i32
      %convert_element_type3A_304 = arith.extui %lt3A_303 : i1 to i32
      %cond3A_305 = arith.constant 0 : i32
      %cond3A_306 = arith.cmpi ne, %convert_element_type3A_304, %cond3A_305 : i32
      scf.if %cond3A_306 {
        %add3A_373 = arith.constant 4 : i32
        %add3A_374 = arith.addi %add3A_277, %add3A_373 : i32
        %dma_start3A_375 = arith.constant 0 : i32
        %dma_start3A_376 = tpu.memref_slice %arg7[%add3A_374, %dma_start3A_375] : memref<80x128xi32, #tpu.memory_space<vmem>> -> memref<1x128xi32, #tpu.memory_space<vmem>>
        %dma_start3A_377 = tpu.memref_squeeze %dma_start3A_376 : memref<1x128xi32, #tpu.memory_space<vmem>> -> memref<128xi32, #tpu.memory_space<vmem>>
        %dma_start3A_378 = arith.constant 0 : i32
        %dma_start3A_379 = arith.constant 0 : i32
        %dma_start3A_380 = tpu.memref_slice %arg2[%dma_start3A_378, %dma_start3A_379] : memref<10000x64xf32, #tpu.memory_space<hbm>> -> memref<10000x64xf32, #tpu.memory_space<hbm>>
        tpu.enqueue_indirect_dma source(%dma_start3A_380 : memref<10000x64xf32, #tpu.memory_space<hbm>>) target(%arg10 : memref<128x64xf32, #tpu.memory_space<vmem>>) offsets(%dma_start3A_377 : memref<128xi32, #tpu.memory_space<vmem>>) semaphore(%arg19 : memref<!tpu.dma_semaphore, #tpu.memory_space<semaphore_mem>>)
      } else {
      }
      %mul3A_307 = arith.constant 8 : i32
      %mul3A_308 = arith.muli %mul3A_307, %scan3A_109 : i32
      %add3A_309 = arith.constant 6 : i32
      %add3A_310 = arith.addi %mul3A_308, %add3A_309 : i32
      %dma_wait3A_311 = arith.constant 0 : i32
      %dma_wait3A_312 = tpu.memref_slice %arg7[%add3A_310, %dma_wait3A_311] : memref<80x128xi32, #tpu.memory_space<vmem>> -> memref<1x128xi32, #tpu.memory_space<vmem>>
      %dma_wait3A_313 = tpu.memref_squeeze %dma_wait3A_312 : memref<1x128xi32, #tpu.memory_space<vmem>> -> memref<128xi32, #tpu.memory_space<vmem>>
      %dma_wait3A_314 = arith.constant 0 : i32
      %dma_wait3A_315 = arith.constant 0 : i32
      %dma_wait3A_316 = tpu.memref_slice %arg2[%dma_wait3A_314, %dma_wait3A_315] : memref<10000x64xf32, #tpu.memory_space<hbm>> -> memref<10000x64xf32, #tpu.memory_space<hbm>>
      tpu.wait_indirect_dma semaphore(%arg24 : memref<!tpu.dma_semaphore, #tpu.memory_space<semaphore_mem>>) src(%dma_wait3A_316 : memref<10000x64xf32, #tpu.memory_space<hbm>>) dst(%arg15 : memref<128x64xf32, #tpu.memory_space<vmem>>)
      %dma_start3A_317 = arith.constant 0 : i32
      %dma_start3A_318 = tpu.memref_slice %arg8[%add3A_310, %dma_start3A_317] : memref<80x128xi32, #tpu.memory_space<vmem>> -> memref<1x128xi32, #tpu.memory_space<vmem>>
      %dma_start3A_319 = tpu.memref_squeeze %dma_start3A_318 : memref<1x128xi32, #tpu.memory_space<vmem>> -> memref<128xi32, #tpu.memory_space<vmem>>
      %dma_start3A_320 = arith.constant 0 : i32
      %dma_start3A_321 = arith.constant 0 : i32
      %dma_start3A_322 = tpu.memref_slice %arg17[%dma_start3A_320, %dma_start3A_321] : memref<10240x64xf32, #tpu.memory_space<vmem_shared>> -> memref<10240x64xf32, #tpu.memory_space<vmem_shared>>
      tpu.enqueue_indirect_dma source(%arg15 : memref<128x64xf32, #tpu.memory_space<vmem>>) target(%dma_start3A_322 : memref<10240x64xf32, #tpu.memory_space<vmem_shared>>) offsets(%dma_start3A_319 : memref<128xi32, #tpu.memory_space<vmem>>) semaphore(%arg32 : memref<!tpu.dma_semaphore, #tpu.memory_space<semaphore_mem>>) {add = true}
      %add3A_323 = arith.constant 4 : i32
      %add3A_324 = arith.addi %add3A_310, %add3A_323 : i32
      %lt3A_325 = arith.constant 80 : i32
      %lt3A_326 = arith.cmpi slt, %add3A_324, %lt3A_325 : i32
      %ge3A_327 = arith.constant 4 : i32
      %ge3A_328 = arith.cmpi sge, %add3A_310, %ge3A_327 : i32
      %and3A_329 = arith.andi %lt3A_326, %ge3A_328 : i1
      %convert_element_type3A_330 = arith.extui %and3A_329 : i1 to i32
      %cond3A_331 = arith.constant 0 : i32
      %cond3A_332 = arith.cmpi ne, %convert_element_type3A_330, %cond3A_331 : i32
      scf.if %cond3A_332 {
        %sub3A = arith.constant 4 : i32
        %sub3A_373 = arith.subi %add3A_310, %sub3A : i32
        %dma_wait3A_374 = arith.constant 0 : i32
        %dma_wait3A_375 = tpu.memref_slice %arg8[%sub3A_373, %dma_wait3A_374] : memref<80x128xi32, #tpu.memory_space<vmem>> -> memref<1x128xi32, #tpu.memory_space<vmem>>
        %dma_wait3A_376 = tpu.memref_squeeze %dma_wait3A_375 : memref<1x128xi32, #tpu.memory_space<vmem>> -> memref<128xi32, #tpu.memory_space<vmem>>
        %dma_wait3A_377 = arith.constant 0 : i32
        %dma_wait3A_378 = arith.constant 0 : i32
        %dma_wait3A_379 = tpu.memref_slice %arg17[%dma_wait3A_377, %dma_wait3A_378] : memref<10240x64xf32, #tpu.memory_space<vmem_shared>> -> memref<10240x64xf32, #tpu.memory_space<vmem_shared>>
        tpu.wait_indirect_dma semaphore(%arg28 : memref<!tpu.dma_semaphore, #tpu.memory_space<semaphore_mem>>) src(%arg11 : memref<128x64xf32, #tpu.memory_space<vmem>>) dst(%dma_wait3A_379 : memref<10240x64xf32, #tpu.memory_space<vmem_shared>>)
      } else {
      }
      %add3A_333 = arith.constant 4 : i32
      %add3A_334 = arith.addi %add3A_310, %add3A_333 : i32
      %lt3A_335 = arith.constant 80 : i32
      %lt3A_336 = arith.cmpi slt, %add3A_334, %lt3A_335 : i32
      %convert_element_type3A_337 = arith.extui %lt3A_336 : i1 to i32
      %cond3A_338 = arith.constant 0 : i32
      %cond3A_339 = arith.cmpi ne, %convert_element_type3A_337, %cond3A_338 : i32
      scf.if %cond3A_339 {
        %add3A_373 = arith.constant 4 : i32
        %add3A_374 = arith.addi %add3A_310, %add3A_373 : i32
        %dma_start3A_375 = arith.constant 0 : i32
        %dma_start3A_376 = tpu.memref_slice %arg7[%add3A_374, %dma_start3A_375] : memref<80x128xi32, #tpu.memory_space<vmem>> -> memref<1x128xi32, #tpu.memory_space<vmem>>
        %dma_start3A_377 = tpu.memref_squeeze %dma_start3A_376 : memref<1x128xi32, #tpu.memory_space<vmem>> -> memref<128xi32, #tpu.memory_space<vmem>>
        %dma_start3A_378 = arith.constant 0 : i32
        %dma_start3A_379 = arith.constant 0 : i32
        %dma_start3A_380 = tpu.memref_slice %arg2[%dma_start3A_378, %dma_start3A_379] : memref<10000x64xf32, #tpu.memory_space<hbm>> -> memref<10000x64xf32, #tpu.memory_space<hbm>>
        tpu.enqueue_indirect_dma source(%dma_start3A_380 : memref<10000x64xf32, #tpu.memory_space<hbm>>) target(%arg11 : memref<128x64xf32, #tpu.memory_space<vmem>>) offsets(%dma_start3A_377 : memref<128xi32, #tpu.memory_space<vmem>>) semaphore(%arg20 : memref<!tpu.dma_semaphore, #tpu.memory_space<semaphore_mem>>)
      } else {
      }
      %mul3A_340 = arith.constant 8 : i32
      %mul3A_341 = arith.muli %mul3A_340, %scan3A_109 : i32
      %add3A_342 = arith.constant 7 : i32
      %add3A_343 = arith.addi %mul3A_341, %add3A_342 : i32
      %dma_wait3A_344 = arith.constant 0 : i32
      %dma_wait3A_345 = tpu.memref_slice %arg7[%add3A_343, %dma_wait3A_344] : memref<80x128xi32, #tpu.memory_space<vmem>> -> memref<1x128xi32, #tpu.memory_space<vmem>>
      %dma_wait3A_346 = tpu.memref_squeeze %dma_wait3A_345 : memref<1x128xi32, #tpu.memory_space<vmem>> -> memref<128xi32, #tpu.memory_space<vmem>>
      %dma_wait3A_347 = arith.constant 0 : i32
      %dma_wait3A_348 = arith.constant 0 : i32
      %dma_wait3A_349 = tpu.memref_slice %arg2[%dma_wait3A_347, %dma_wait3A_348] : memref<10000x64xf32, #tpu.memory_space<hbm>> -> memref<10000x64xf32, #tpu.memory_space<hbm>>
      tpu.wait_indirect_dma semaphore(%arg25 : memref<!tpu.dma_semaphore, #tpu.memory_space<semaphore_mem>>) src(%dma_wait3A_349 : memref<10000x64xf32, #tpu.memory_space<hbm>>) dst(%arg16 : memref<128x64xf32, #tpu.memory_space<vmem>>)
      %dma_start3A_350 = arith.constant 0 : i32
      %dma_start3A_351 = tpu.memref_slice %arg8[%add3A_343, %dma_start3A_350] : memref<80x128xi32, #tpu.memory_space<vmem>> -> memref<1x128xi32, #tpu.memory_space<vmem>>
      %dma_start3A_352 = tpu.memref_squeeze %dma_start3A_351 : memref<1x128xi32, #tpu.memory_space<vmem>> -> memref<128xi32, #tpu.memory_space<vmem>>
      %dma_start3A_353 = arith.constant 0 : i32
      %dma_start3A_354 = arith.constant 0 : i32
      %dma_start3A_355 = tpu.memref_slice %arg17[%dma_start3A_353, %dma_start3A_354] : memref<10240x64xf32, #tpu.memory_space<vmem_shared>> -> memref<10240x64xf32, #tpu.memory_space<vmem_shared>>
      tpu.enqueue_indirect_dma source(%arg16 : memref<128x64xf32, #tpu.memory_space<vmem>>) target(%dma_start3A_355 : memref<10240x64xf32, #tpu.memory_space<vmem_shared>>) offsets(%dma_start3A_352 : memref<128xi32, #tpu.memory_space<vmem>>) semaphore(%arg33 : memref<!tpu.dma_semaphore, #tpu.memory_space<semaphore_mem>>) {add = true}
      %add3A_356 = arith.constant 4 : i32
      %add3A_357 = arith.addi %add3A_343, %add3A_356 : i32
      %lt3A_358 = arith.constant 80 : i32
      %lt3A_359 = arith.cmpi slt, %add3A_357, %lt3A_358 : i32
      %ge3A_360 = arith.constant 4 : i32
      %ge3A_361 = arith.cmpi sge, %add3A_343, %ge3A_360 : i32
      %and3A_362 = arith.andi %lt3A_359, %ge3A_361 : i1
      %convert_element_type3A_363 = arith.extui %and3A_362 : i1 to i32
      %cond3A_364 = arith.constant 0 : i32
      %cond3A_365 = arith.cmpi ne, %convert_element_type3A_363, %cond3A_364 : i32
      scf.if %cond3A_365 {
        %sub3A = arith.constant 4 : i32
        %sub3A_373 = arith.subi %add3A_343, %sub3A : i32
        %dma_wait3A_374 = arith.constant 0 : i32
        %dma_wait3A_375 = tpu.memref_slice %arg8[%sub3A_373, %dma_wait3A_374] : memref<80x128xi32, #tpu.memory_space<vmem>> -> memref<1x128xi32, #tpu.memory_space<vmem>>
        %dma_wait3A_376 = tpu.memref_squeeze %dma_wait3A_375 : memref<1x128xi32, #tpu.memory_space<vmem>> -> memref<128xi32, #tpu.memory_space<vmem>>
        %dma_wait3A_377 = arith.constant 0 : i32
        %dma_wait3A_378 = arith.constant 0 : i32
        %dma_wait3A_379 = tpu.memref_slice %arg17[%dma_wait3A_377, %dma_wait3A_378] : memref<10240x64xf32, #tpu.memory_space<vmem_shared>> -> memref<10240x64xf32, #tpu.memory_space<vmem_shared>>
        tpu.wait_indirect_dma semaphore(%arg29 : memref<!tpu.dma_semaphore, #tpu.memory_space<semaphore_mem>>) src(%arg12 : memref<128x64xf32, #tpu.memory_space<vmem>>) dst(%dma_wait3A_379 : memref<10240x64xf32, #tpu.memory_space<vmem_shared>>)
      } else {
      }
      %add3A_366 = arith.constant 4 : i32
      %add3A_367 = arith.addi %add3A_343, %add3A_366 : i32
      %lt3A_368 = arith.constant 80 : i32
      %lt3A_369 = arith.cmpi slt, %add3A_367, %lt3A_368 : i32
      %convert_element_type3A_370 = arith.extui %lt3A_369 : i1 to i32
      %cond3A_371 = arith.constant 0 : i32
      %cond3A_372 = arith.cmpi ne, %convert_element_type3A_370, %cond3A_371 : i32
      scf.if %cond3A_372 {
        %add3A_373 = arith.constant 4 : i32
        %add3A_374 = arith.addi %add3A_343, %add3A_373 : i32
        %dma_start3A_375 = arith.constant 0 : i32
        %dma_start3A_376 = tpu.memref_slice %arg7[%add3A_374, %dma_start3A_375] : memref<80x128xi32, #tpu.memory_space<vmem>> -> memref<1x128xi32, #tpu.memory_space<vmem>>
        %dma_start3A_377 = tpu.memref_squeeze %dma_start3A_376 : memref<1x128xi32, #tpu.memory_space<vmem>> -> memref<128xi32, #tpu.memory_space<vmem>>
        %dma_start3A_378 = arith.constant 0 : i32
        %dma_start3A_379 = arith.constant 0 : i32
        %dma_start3A_380 = tpu.memref_slice %arg2[%dma_start3A_378, %dma_start3A_379] : memref<10000x64xf32, #tpu.memory_space<hbm>> -> memref<10000x64xf32, #tpu.memory_space<hbm>>
        tpu.enqueue_indirect_dma source(%dma_start3A_380 : memref<10000x64xf32, #tpu.memory_space<hbm>>) target(%arg12 : memref<128x64xf32, #tpu.memory_space<vmem>>) offsets(%dma_start3A_377 : memref<128xi32, #tpu.memory_space<vmem>>) semaphore(%arg21 : memref<!tpu.dma_semaphore, #tpu.memory_space<semaphore_mem>>)
      } else {
      }
    }
    %scan3A_48 = arith.constant 10 : i32
    %dma_wait3A = arith.constant 72 : i32
    %dma_wait3A_49 = arith.constant 0 : i32
    %dma_wait3A_50 = tpu.memref_slice %arg8[%dma_wait3A, %dma_wait3A_49] : memref<80x128xi32, #tpu.memory_space<vmem>> -> memref<1x128xi32, #tpu.memory_space<vmem>>
    %dma_wait3A_51 = tpu.memref_squeeze %dma_wait3A_50 : memref<1x128xi32, #tpu.memory_space<vmem>> -> memref<128xi32, #tpu.memory_space<vmem>>
    %dma_wait3A_52 = arith.constant 0 : i32
    %dma_wait3A_53 = arith.constant 0 : i32
    %dma_wait3A_54 = tpu.memref_slice %arg17[%dma_wait3A_52, %dma_wait3A_53] : memref<10240x64xf32, #tpu.memory_space<vmem_shared>> -> memref<10240x64xf32, #tpu.memory_space<vmem_shared>>
    tpu.wait_indirect_dma semaphore(%arg26 : memref<!tpu.dma_semaphore, #tpu.memory_space<semaphore_mem>>) src(%arg9 : memref<128x64xf32, #tpu.memory_space<vmem>>) dst(%dma_wait3A_54 : memref<10240x64xf32, #tpu.memory_space<vmem_shared>>)
    %dma_wait3A_55 = arith.constant 73 : i32
    %dma_wait3A_56 = arith.constant 0 : i32
    %dma_wait3A_57 = tpu.memref_slice %arg8[%dma_wait3A_55, %dma_wait3A_56] : memref<80x128xi32, #tpu.memory_space<vmem>> -> memref<1x128xi32, #tpu.memory_space<vmem>>
    %dma_wait3A_58 = tpu.memref_squeeze %dma_wait3A_57 : memref<1x128xi32, #tpu.memory_space<vmem>> -> memref<128xi32, #tpu.memory_space<vmem>>
    %dma_wait3A_59 = arith.constant 0 : i32
    %dma_wait3A_60 = arith.constant 0 : i32
    %dma_wait3A_61 = tpu.memref_slice %arg17[%dma_wait3A_59, %dma_wait3A_60] : memref<10240x64xf32, #tpu.memory_space<vmem_shared>> -> memref<10240x64xf32, #tpu.memory_space<vmem_shared>>
    tpu.wait_indirect_dma semaphore(%arg27 : memref<!tpu.dma_semaphore, #tpu.memory_space<semaphore_mem>>) src(%arg10 : memref<128x64xf32, #tpu.memory_space<vmem>>) dst(%dma_wait3A_61 : memref<10240x64xf32, #tpu.memory_space<vmem_shared>>)
    %dma_wait3A_62 = arith.constant 74 : i32
    %dma_wait3A_63 = arith.constant 0 : i32
    %dma_wait3A_64 = tpu.memref_slice %arg8[%dma_wait3A_62, %dma_wait3A_63] : memref<80x128xi32, #tpu.memory_space<vmem>> -> memref<1x128xi32, #tpu.memory_space<vmem>>
    %dma_wait3A_65 = tpu.memref_squeeze %dma_wait3A_64 : memref<1x128xi32, #tpu.memory_space<vmem>> -> memref<128xi32, #tpu.memory_space<vmem>>
    %dma_wait3A_66 = arith.constant 0 : i32
    %dma_wait3A_67 = arith.constant 0 : i32
    %dma_wait3A_68 = tpu.memref_slice %arg17[%dma_wait3A_66, %dma_wait3A_67] : memref<10240x64xf32, #tpu.memory_space<vmem_shared>> -> memref<10240x64xf32, #tpu.memory_space<vmem_shared>>
    tpu.wait_indirect_dma semaphore(%arg28 : memref<!tpu.dma_semaphore, #tpu.memory_space<semaphore_mem>>) src(%arg11 : memref<128x64xf32, #tpu.memory_space<vmem>>) dst(%dma_wait3A_68 : memref<10240x64xf32, #tpu.memory_space<vmem_shared>>)
    %dma_wait3A_69 = arith.constant 75 : i32
    %dma_wait3A_70 = arith.constant 0 : i32
    %dma_wait3A_71 = tpu.memref_slice %arg8[%dma_wait3A_69, %dma_wait3A_70] : memref<80x128xi32, #tpu.memory_space<vmem>> -> memref<1x128xi32, #tpu.memory_space<vmem>>
    %dma_wait3A_72 = tpu.memref_squeeze %dma_wait3A_71 : memref<1x128xi32, #tpu.memory_space<vmem>> -> memref<128xi32, #tpu.memory_space<vmem>>
    %dma_wait3A_73 = arith.constant 0 : i32
    %dma_wait3A_74 = arith.constant 0 : i32
    %dma_wait3A_75 = tpu.memref_slice %arg17[%dma_wait3A_73, %dma_wait3A_74] : memref<10240x64xf32, #tpu.memory_space<vmem_shared>> -> memref<10240x64xf32, #tpu.memory_space<vmem_shared>>
    tpu.wait_indirect_dma semaphore(%arg29 : memref<!tpu.dma_semaphore, #tpu.memory_space<semaphore_mem>>) src(%arg12 : memref<128x64xf32, #tpu.memory_space<vmem>>) dst(%dma_wait3A_75 : memref<10240x64xf32, #tpu.memory_space<vmem_shared>>)
    %dma_wait3A_76 = arith.constant 76 : i32
    %dma_wait3A_77 = arith.constant 0 : i32
    %dma_wait3A_78 = tpu.memref_slice %arg8[%dma_wait3A_76, %dma_wait3A_77] : memref<80x128xi32, #tpu.memory_space<vmem>> -> memref<1x128xi32, #tpu.memory_space<vmem>>
    %dma_wait3A_79 = tpu.memref_squeeze %dma_wait3A_78 : memref<1x128xi32, #tpu.memory_space<vmem>> -> memref<128xi32, #tpu.memory_space<vmem>>
    %dma_wait3A_80 = arith.constant 0 : i32
    %dma_wait3A_81 = arith.constant 0 : i32
    %dma_wait3A_82 = tpu.memref_slice %arg17[%dma_wait3A_80, %dma_wait3A_81] : memref<10240x64xf32, #tpu.memory_space<vmem_shared>> -> memref<10240x64xf32, #tpu.memory_space<vmem_shared>>
    tpu.wait_indirect_dma semaphore(%arg30 : memref<!tpu.dma_semaphore, #tpu.memory_space<semaphore_mem>>) src(%arg13 : memref<128x64xf32, #tpu.memory_space<vmem>>) dst(%dma_wait3A_82 : memref<10240x64xf32, #tpu.memory_space<vmem_shared>>)
    %dma_wait3A_83 = arith.constant 77 : i32
    %dma_wait3A_84 = arith.constant 0 : i32
    %dma_wait3A_85 = tpu.memref_slice %arg8[%dma_wait3A_83, %dma_wait3A_84] : memref<80x128xi32, #tpu.memory_space<vmem>> -> memref<1x128xi32, #tpu.memory_space<vmem>>
    %dma_wait3A_86 = tpu.memref_squeeze %dma_wait3A_85 : memref<1x128xi32, #tpu.memory_space<vmem>> -> memref<128xi32, #tpu.memory_space<vmem>>
    %dma_wait3A_87 = arith.constant 0 : i32
    %dma_wait3A_88 = arith.constant 0 : i32
    %dma_wait3A_89 = tpu.memref_slice %arg17[%dma_wait3A_87, %dma_wait3A_88] : memref<10240x64xf32, #tpu.memory_space<vmem_shared>> -> memref<10240x64xf32, #tpu.memory_space<vmem_shared>>
    tpu.wait_indirect_dma semaphore(%arg31 : memref<!tpu.dma_semaphore, #tpu.memory_space<semaphore_mem>>) src(%arg14 : memref<128x64xf32, #tpu.memory_space<vmem>>) dst(%dma_wait3A_89 : memref<10240x64xf32, #tpu.memory_space<vmem_shared>>)
    %dma_wait3A_90 = arith.constant 78 : i32
    %dma_wait3A_91 = arith.constant 0 : i32
    %dma_wait3A_92 = tpu.memref_slice %arg8[%dma_wait3A_90, %dma_wait3A_91] : memref<80x128xi32, #tpu.memory_space<vmem>> -> memref<1x128xi32, #tpu.memory_space<vmem>>
    %dma_wait3A_93 = tpu.memref_squeeze %dma_wait3A_92 : memref<1x128xi32, #tpu.memory_space<vmem>> -> memref<128xi32, #tpu.memory_space<vmem>>
    %dma_wait3A_94 = arith.constant 0 : i32
    %dma_wait3A_95 = arith.constant 0 : i32
    %dma_wait3A_96 = tpu.memref_slice %arg17[%dma_wait3A_94, %dma_wait3A_95] : memref<10240x64xf32, #tpu.memory_space<vmem_shared>> -> memref<10240x64xf32, #tpu.memory_space<vmem_shared>>
    tpu.wait_indirect_dma semaphore(%arg32 : memref<!tpu.dma_semaphore, #tpu.memory_space<semaphore_mem>>) src(%arg15 : memref<128x64xf32, #tpu.memory_space<vmem>>) dst(%dma_wait3A_96 : memref<10240x64xf32, #tpu.memory_space<vmem_shared>>)
    %dma_wait3A_97 = arith.constant 79 : i32
    %dma_wait3A_98 = arith.constant 0 : i32
    %dma_wait3A_99 = tpu.memref_slice %arg8[%dma_wait3A_97, %dma_wait3A_98] : memref<80x128xi32, #tpu.memory_space<vmem>> -> memref<1x128xi32, #tpu.memory_space<vmem>>
    %dma_wait3A_100 = tpu.memref_squeeze %dma_wait3A_99 : memref<1x128xi32, #tpu.memory_space<vmem>> -> memref<128xi32, #tpu.memory_space<vmem>>
    %dma_wait3A_101 = arith.constant 0 : i32
    %dma_wait3A_102 = arith.constant 0 : i32
    %dma_wait3A_103 = tpu.memref_slice %arg17[%dma_wait3A_101, %dma_wait3A_102] : memref<10240x64xf32, #tpu.memory_space<vmem_shared>> -> memref<10240x64xf32, #tpu.memory_space<vmem_shared>>
    tpu.wait_indirect_dma semaphore(%arg33 : memref<!tpu.dma_semaphore, #tpu.memory_space<semaphore_mem>>) src(%arg16 : memref<128x64xf32, #tpu.memory_space<vmem>>) dst(%dma_wait3A_103 : memref<10240x64xf32, #tpu.memory_space<vmem_shared>>)
    %barrier3A_104 = arith.constant 0 : index
    tpu.barrier barrier_id(%barrier3A_104)
    %mul3A_105 = arith.constant 640 : i32
    %mul3A_106 = arith.muli %arg1, %mul3A_105 : i32
    %mul3A_107 = arith.constant 640 : i32
    %mul3A_108 = arith.muli %arg1, %mul3A_107 : i32
    "tpu.region"() ({
      %run_scoped3A = tpu.sem_alloc : memref<!tpu.dma_semaphore, #tpu.memory_space<semaphore_mem>>
      %dma_start3A_109 = arith.constant 0 : i32
      %dma_start3A_110 = tpu.memref_slice %arg6[%arg0, %mul3A_108, %dma_start3A_109] : memref<2x10240x64xf32, #tpu.memory_space<hbm>> -> memref<1x640x64xf32, #tpu.memory_space<hbm>>
      %dma_start3A_111 = tpu.memref_squeeze %dma_start3A_110 : memref<1x640x64xf32, #tpu.memory_space<hbm>> -> memref<640x64xf32, #tpu.memory_space<hbm>>
      %dma_start3A_112 = arith.constant 0 : i32
      %dma_start3A_113 = tpu.memref_slice %arg17[%mul3A_106, %dma_start3A_112] : memref<10240x64xf32, #tpu.memory_space<vmem_shared>> -> memref<640x64xf32, #tpu.memory_space<vmem_shared>>
      tpu.enqueue_dma source(%dma_start3A_113 : memref<640x64xf32, #tpu.memory_space<vmem_shared>>) target(%dma_start3A_111 : memref<640x64xf32, #tpu.memory_space<hbm>>) target_semaphore(%run_scoped3A : memref<!tpu.dma_semaphore, #tpu.memory_space<semaphore_mem>>)
      %dma_wait3A_114 = arith.constant 0 : i32
      %dma_wait3A_115 = tpu.memref_slice %arg6[%arg0, %mul3A_108, %dma_wait3A_114] : memref<2x10240x64xf32, #tpu.memory_space<hbm>> -> memref<1x640x64xf32, #tpu.memory_space<hbm>>
      %dma_wait3A_116 = tpu.memref_squeeze %dma_wait3A_115 : memref<1x640x64xf32, #tpu.memory_space<hbm>> -> memref<640x64xf32, #tpu.memory_space<hbm>>
      %dma_wait3A_117 = arith.constant 0 : i32
      %dma_wait3A_118 = tpu.memref_slice %arg17[%mul3A_106, %dma_wait3A_117] : memref<10240x64xf32, #tpu.memory_space<vmem_shared>> -> memref<640x64xf32, #tpu.memory_space<vmem_shared>>
      tpu.wait_dma2 semaphore(%run_scoped3A : memref<!tpu.dma_semaphore, #tpu.memory_space<semaphore_mem>>) src(%dma_wait3A_118 : memref<640x64xf32, #tpu.memory_space<vmem_shared>>) dst(%dma_wait3A_116 : memref<640x64xf32, #tpu.memory_space<hbm>>)
      tpu.yield
    }) : () -> ()
    return
  }
}

module attributes {stable_mosaic.version = 14 : i64} {
  func.func @_tc1_body(%arg0: memref<10000x128xf32, #tpu.memory_space<vmem>>, %arg1: memref<128x64xf32, #tpu.memory_space<vmem>>, %arg2: memref<10000x64xf32, #tpu.memory_space<vmem>>) attributes {dimension_semantics = [], scalar_prefetch = 0 : i64, scratch_operands = 0 : i64, tpu.core_type = #tpu.core_type<tc>} {
    %get3A = arith.constant 0 : index
    %get3A_0 = arith.constant 0 : index
    %get3A_1 = vector.load %arg0[%get3A, %get3A_0] : memref<10000x128xf32, #tpu.memory_space<vmem>>, vector<10000x128xf32>
    %get3A_2 = arith.constant 0 : index
    %get3A_3 = arith.constant 0 : index
    %get3A_4 = vector.load %arg1[%get3A_2, %get3A_3] : memref<128x64xf32, #tpu.memory_space<vmem>>, vector<128x64xf32>
    %dot_general3A = arith.constant dense<0.000000e+00> : vector<10000x64xf32>
    %dot_general3A_5 = tpu.matmul %get3A_1, %get3A_4, %dot_general3A {dimension_numbers = #tpu.dot_dimension_numbers<[1], [0], [0], [1], [0, 0, 1, 1], [], []>, transpose_lhs_hint = false} : vector<10000x128xf32>, vector<128x64xf32>, vector<10000x64xf32> -> vector<10000x64xf32>
    %swap3A = arith.constant 0 : index
    %swap3A_6 = arith.constant 0 : index
    %swap3A_7 = vector.load %arg2[%swap3A, %swap3A_6] : memref<10000x64xf32, #tpu.memory_space<vmem>>, vector<10000x64xf32>
    tpu.vector_store %arg2[%swap3A, %swap3A_6], %dot_general3A_5 {strides = array<i32>} : memref<10000x64xf32, #tpu.memory_space<vmem>>, vector<10000x64xf32>,
    return
  }
}

module attributes {stable_mosaic.version = 14 : i64} {
  func.func @_stage2_body(%arg0: memref<2x5120x128xf32, #tpu.memory_space<vmem>>, %arg1: memref<1x128xf32, #tpu.memory_space<vmem>>, %arg2: memref<1x64xf32, #tpu.memory_space<vmem>>, %arg3: memref<1x64xf32, #tpu.memory_space<vmem>>, %arg4: memref<128x128xf32, #tpu.memory_space<vmem>>, %arg5: memref<1x128xf32, #tpu.memory_space<vmem>>, %arg6: memref<128x128xf32, #tpu.memory_space<vmem>>, %arg7: memref<5000x128xf32, #tpu.memory_space<vmem>>) attributes {dimension_semantics = [], scalar_prefetch = 0 : i64, scratch_operands = 0 : i64, tpu.core_type = #tpu.core_type<tc>} {
    %get3A = arith.constant 0 : index
    %get3A_0 = arith.constant 0 : index
    %get3A_1 = arith.constant 0 : index
    %get3A_2 = vector.load %arg0[%get3A, %get3A_0, %get3A_1] : memref<2x5120x128xf32, #tpu.memory_space<vmem>>, vector<2x5120x128xf32>
    %slice3A = vector.extract_strided_slice %get3A_2 {offsets = [0, 0, 0], sizes = [1, 5000, 128], strides = [1, 1, 1]} : vector<2x5120x128xf32> to vector<1x5000x128xf32>
    %squeeze3A = vector.shape_cast %slice3A : vector<1x5000x128xf32> to vector<5000x128xf32>
    %slice3A_3 = vector.extract_strided_slice %get3A_2 {offsets = [1, 0, 0], sizes = [1, 5000, 128], strides = [1, 1, 1]} : vector<2x5120x128xf32> to vector<1x5000x128xf32>
    %squeeze3A_4 = vector.shape_cast %slice3A_3 : vector<1x5000x128xf32> to vector<5000x128xf32>
    %add3A = arith.addf %squeeze3A, %squeeze3A_4 : vector<5000x128xf32>
    %get3A_5 = arith.constant 0 : index
    %get3A_6 = arith.constant 0 : index
    %get3A_7 = vector.load %arg1[%get3A_5, %get3A_6] : memref<1x128xf32, #tpu.memory_space<vmem>>, vector<1x128xf32>
    %add3A_8 = vector.broadcast %get3A_7 : vector<1x128xf32> to vector<5000x128xf32>
    %add3A_9 = arith.addf %add3A, %add3A_8 : vector<5000x128xf32>
    %reduce_sum3A = arith.constant dense<0.000000e+00> : vector<128xf32>
    %reduce_sum3A_10 = vector.multi_reduction <add>, %add3A_9, %reduce_sum3A [0] : vector<5000x128xf32> to vector<128xf32>
    %broadcast_in_dim3A = vector.shape_cast %reduce_sum3A_10 : vector<128xf32> to vector<1x128xf32>
    %slice3A_11 = vector.extract_strided_slice %broadcast_in_dim3A {offsets = [0, 0], sizes = [1, 64], strides = [1, 1]} : vector<1x128xf32> to vector<1x64xf32>
    %slice3A_12 = vector.extract_strided_slice %broadcast_in_dim3A {offsets = [0, 64], sizes = [1, 64], strides = [1, 1]} : vector<1x128xf32> to vector<1x64xf32>
    %add3A_13 = arith.addf %slice3A_11, %slice3A_12 : vector<1x64xf32>
    %mul3A = arith.constant 9.99999974E-5 : f32
    %mul3A_14 = vector.broadcast %mul3A : f32 to vector<1x64xf32>
    %mul3A_15 = arith.mulf %add3A_13, %mul3A_14 : vector<1x64xf32>
    %mul3A_16 = arith.mulf %add3A_9, %add3A_9 : vector<5000x128xf32>
    %reduce_sum3A_17 = arith.constant dense<0.000000e+00> : vector<128xf32>
    %reduce_sum3A_18 = vector.multi_reduction <add>, %mul3A_16, %reduce_sum3A_17 [0] : vector<5000x128xf32> to vector<128xf32>
    %broadcast_in_dim3A_19 = vector.shape_cast %reduce_sum3A_18 : vector<128xf32> to vector<1x128xf32>
    %slice3A_20 = vector.extract_strided_slice %broadcast_in_dim3A_19 {offsets = [0, 0], sizes = [1, 64], strides = [1, 1]} : vector<1x128xf32> to vector<1x64xf32>
    %slice3A_21 = vector.extract_strided_slice %broadcast_in_dim3A_19 {offsets = [0, 64], sizes = [1, 64], strides = [1, 1]} : vector<1x128xf32> to vector<1x64xf32>
    %add3A_22 = arith.addf %slice3A_20, %slice3A_21 : vector<1x64xf32>
    %mul3A_23 = arith.constant 9.99999974E-5 : f32
    %mul3A_24 = vector.broadcast %mul3A_23 : f32 to vector<1x64xf32>
    %mul3A_25 = arith.mulf %add3A_22, %mul3A_24 : vector<1x64xf32>
    %mul3A_26 = arith.mulf %mul3A_15, %mul3A_15 : vector<1x64xf32>
    %sub3A = arith.subf %mul3A_25, %mul3A_26 : vector<1x64xf32>
    %get3A_27 = arith.constant 0 : index
    %get3A_28 = arith.constant 0 : index
    %get3A_29 = vector.load %arg2[%get3A_27, %get3A_28] : memref<1x64xf32, #tpu.memory_space<vmem>>, vector<1x64xf32>
    %add3A_30 = arith.constant 9.99999974E-6 : f32
    %add3A_31 = vector.broadcast %add3A_30 : f32 to vector<1x64xf32>
    %add3A_32 = arith.addf %sub3A, %add3A_31 : vector<1x64xf32>
    %rsqrt3A = math.rsqrt %add3A_32 : vector<1x64xf32>
    %mul3A_33 = arith.mulf %get3A_29, %rsqrt3A : vector<1x64xf32>
    %get3A_34 = arith.constant 0 : index
    %get3A_35 = arith.constant 0 : index
    %get3A_36 = vector.load %arg3[%get3A_34, %get3A_35] : memref<1x64xf32, #tpu.memory_space<vmem>>, vector<1x64xf32>
    %mul3A_37 = arith.mulf %mul3A_15, %mul3A_33 : vector<1x64xf32>
    %sub3A_38 = arith.subf %get3A_36, %mul3A_37 : vector<1x64xf32>
    %concatenate3A = tpu.concatenate %mul3A_33, %mul3A_33 in 1 : vector<1x64xf32>, vector<1x64xf32> -> vector<1x128xf32>
    %concatenate3A_39 = tpu.concatenate %sub3A_38, %sub3A_38 in 1 : vector<1x64xf32>, vector<1x64xf32> -> vector<1x128xf32>
    %mul3A_40 = vector.broadcast %concatenate3A : vector<1x128xf32> to vector<5000x128xf32>
    %mul3A_41 = arith.mulf %add3A_9, %mul3A_40 : vector<5000x128xf32>
    %add3A_42 = vector.broadcast %concatenate3A_39 : vector<1x128xf32> to vector<5000x128xf32>
    %add3A_43 = arith.addf %mul3A_41, %add3A_42 : vector<5000x128xf32>
    %gt3A = arith.constant 0.000000e+00 : f32
    %gt3A_44 = vector.broadcast %gt3A : f32 to vector<5000x128xf32>
    %gt3A_45 = arith.cmpf ogt, %add3A_43, %gt3A_44 : vector<5000x128xf32>
    %exp3A = math.exp %add3A_43 : vector<5000x128xf32>
    %sub3A_46 = arith.constant 1.000000e+00 : f32
    %sub3A_47 = vector.broadcast %sub3A_46 : f32 to vector<5000x128xf32>
    %sub3A_48 = arith.subf %exp3A, %sub3A_47 : vector<5000x128xf32>
    %select_n3A = arith.select %gt3A_45, %add3A_43, %sub3A_48 : vector<5000x128xi1>, vector<5000x128xf32>
    %get3A_49 = arith.constant 0 : index
    %get3A_50 = arith.constant 0 : index
    %get3A_51 = vector.load %arg4[%get3A_49, %get3A_50] : memref<128x128xf32, #tpu.memory_space<vmem>>, vector<128x128xf32>
    %dot_general3A = arith.constant dense<0.000000e+00> : vector<5000x128xf32>
    %dot_general3A_52 = tpu.matmul %select_n3A, %get3A_51, %dot_general3A {dimension_numbers = #tpu.dot_dimension_numbers<[1], [0], [0], [1], [0, 0, 1, 1], [], []>, transpose_lhs_hint = false} : vector<5000x128xf32>, vector<128x128xf32>, vector<5000x128xf32> -> vector<5000x128xf32>
    %get3A_53 = arith.constant 0 : index
    %get3A_54 = arith.constant 0 : index
    %get3A_55 = vector.load %arg5[%get3A_53, %get3A_54] : memref<1x128xf32, #tpu.memory_space<vmem>>, vector<1x128xf32>
    %add3A_56 = vector.broadcast %get3A_55 : vector<1x128xf32> to vector<5000x128xf32>
    %add3A_57 = arith.addf %dot_general3A_52, %add3A_56 : vector<5000x128xf32>
    %gt3A_58 = arith.constant 0.000000e+00 : f32
    %gt3A_59 = vector.broadcast %gt3A_58 : f32 to vector<5000x128xf32>
    %gt3A_60 = arith.cmpf ogt, %add3A_57, %gt3A_59 : vector<5000x128xf32>
    %exp3A_61 = math.exp %add3A_57 : vector<5000x128xf32>
    %sub3A_62 = arith.constant 1.000000e+00 : f32
    %sub3A_63 = vector.broadcast %sub3A_62 : f32 to vector<5000x128xf32>
    %sub3A_64 = arith.subf %exp3A_61, %sub3A_63 : vector<5000x128xf32>
    %select_n3A_65 = arith.select %gt3A_60, %add3A_57, %sub3A_64 : vector<5000x128xi1>, vector<5000x128xf32>
    %get3A_66 = arith.constant 0 : index
    %get3A_67 = arith.constant 0 : index
    %get3A_68 = vector.load %arg6[%get3A_66, %get3A_67] : memref<128x128xf32, #tpu.memory_space<vmem>>, vector<128x128xf32>
    %dot_general3A_69 = arith.constant dense<0.000000e+00> : vector<5000x128xf32>
    %dot_general3A_70 = tpu.matmul %select_n3A_65, %get3A_68, %dot_general3A_69 {dimension_numbers = #tpu.dot_dimension_numbers<[1], [0], [0], [1], [0, 0, 1, 1], [], []>, transpose_lhs_hint = false} : vector<5000x128xf32>, vector<128x128xf32>, vector<5000x128xf32> -> vector<5000x128xf32>
    %swap3A = arith.constant 0 : index
    %swap3A_71 = arith.constant 0 : index
    %swap3A_72 = vector.load %arg7[%swap3A, %swap3A_71] : memref<5000x128xf32, #tpu.memory_space<vmem>>, vector<5000x128xf32>
    tpu.vector_store %arg7[%swap3A, %swap3A_71], %dot_general3A_70 {strides = array<i32>} : memref<5000x128xf32, #tpu.memory_space<vmem>>, vector<5000x128xf32>,
    return
  }
}

module attributes {stable_mosaic.version = 14 : i64} {
  func.func @_stage3_body(%arg0: memref<2x5120x128xf32, #tpu.memory_space<vmem>>, %arg1: memref<1x128xf32, #tpu.memory_space<vmem>>, %arg2: memref<128x128xf32, #tpu.memory_space<vmem>>, %arg3: memref<1x128xf32, #tpu.memory_space<vmem>>, %arg4: memref<1x5000xi32, #tpu.memory_space<vmem>>, %arg5: memref<1x5000xi32, #tpu.memory_space<vmem>>, %arg6: memref<64x64xf32, #tpu.memory_space<vmem>>, %arg7: memref<1x64xf32, #tpu.memory_space<vmem>>, %arg8: memref<64x32xf32, #tpu.memory_space<vmem>>, %arg9: memref<1x32xf32, #tpu.memory_space<vmem>>, %arg10: memref<32x10xf32, #tpu.memory_space<vmem>>, %arg11: memref<1x10xf32, #tpu.memory_space<vmem>>, %arg12: memref<64x10xf32, #tpu.memory_space<vmem>>) attributes {dimension_semantics = [], scalar_prefetch = 0 : i64, scratch_operands = 0 : i64, tpu.core_type = #tpu.core_type<tc>} {
    %get3A = arith.constant 0 : index
    %get3A_0 = arith.constant 0 : index
    %get3A_1 = arith.constant 0 : index
    %get3A_2 = vector.load %arg0[%get3A, %get3A_0, %get3A_1] : memref<2x5120x128xf32, #tpu.memory_space<vmem>>, vector<2x5120x128xf32>
    %slice3A = vector.extract_strided_slice %get3A_2 {offsets = [0, 0, 0], sizes = [1, 5000, 128], strides = [1, 1, 1]} : vector<2x5120x128xf32> to vector<1x5000x128xf32>
    %squeeze3A = vector.shape_cast %slice3A : vector<1x5000x128xf32> to vector<5000x128xf32>
    %slice3A_3 = vector.extract_strided_slice %get3A_2 {offsets = [1, 0, 0], sizes = [1, 5000, 128], strides = [1, 1, 1]} : vector<2x5120x128xf32> to vector<1x5000x128xf32>
    %squeeze3A_4 = vector.shape_cast %slice3A_3 : vector<1x5000x128xf32> to vector<5000x128xf32>
    %add3A = arith.addf %squeeze3A, %squeeze3A_4 : vector<5000x128xf32>
    %get3A_5 = arith.constant 0 : index
    %get3A_6 = arith.constant 0 : index
    %get3A_7 = vector.load %arg1[%get3A_5, %get3A_6] : memref<1x128xf32, #tpu.memory_space<vmem>>, vector<1x128xf32>
    %add3A_8 = vector.broadcast %get3A_7 : vector<1x128xf32> to vector<5000x128xf32>
    %add3A_9 = arith.addf %add3A, %add3A_8 : vector<5000x128xf32>
    %gt3A = arith.constant 0.000000e+00 : f32
    %gt3A_10 = vector.broadcast %gt3A : f32 to vector<5000x128xf32>
    %gt3A_11 = arith.cmpf ogt, %add3A_9, %gt3A_10 : vector<5000x128xf32>
    %exp3A = math.exp %add3A_9 : vector<5000x128xf32>
    %sub3A = arith.constant 1.000000e+00 : f32
    %sub3A_12 = vector.broadcast %sub3A : f32 to vector<5000x128xf32>
    %sub3A_13 = arith.subf %exp3A, %sub3A_12 : vector<5000x128xf32>
    %select_n3A = arith.select %gt3A_11, %add3A_9, %sub3A_13 : vector<5000x128xi1>, vector<5000x128xf32>
    %get3A_14 = arith.constant 0 : index
    %get3A_15 = arith.constant 0 : index
    %get3A_16 = vector.load %arg2[%get3A_14, %get3A_15] : memref<128x128xf32, #tpu.memory_space<vmem>>, vector<128x128xf32>
    %dot_general3A = arith.constant dense<0.000000e+00> : vector<5000x128xf32>
    %dot_general3A_17 = tpu.matmul %select_n3A, %get3A_16, %dot_general3A {dimension_numbers = #tpu.dot_dimension_numbers<[1], [0], [0], [1], [0, 0, 1, 1], [], []>, transpose_lhs_hint = false} : vector<5000x128xf32>, vector<128x128xf32>, vector<5000x128xf32> -> vector<5000x128xf32>
    %get3A_18 = arith.constant 0 : index
    %get3A_19 = arith.constant 0 : index
    %get3A_20 = vector.load %arg3[%get3A_18, %get3A_19] : memref<1x128xf32, #tpu.memory_space<vmem>>, vector<1x128xf32>
    %add3A_21 = vector.broadcast %get3A_20 : vector<1x128xf32> to vector<5000x128xf32>
    %add3A_22 = arith.addf %dot_general3A_17, %add3A_21 : vector<5000x128xf32>
    %gt3A_23 = arith.constant 0.000000e+00 : f32
    %gt3A_24 = vector.broadcast %gt3A_23 : f32 to vector<5000x128xf32>
    %gt3A_25 = arith.cmpf ogt, %add3A_22, %gt3A_24 : vector<5000x128xf32>
    %exp3A_26 = math.exp %add3A_22 : vector<5000x128xf32>
    %sub3A_27 = arith.constant 1.000000e+00 : f32
    %sub3A_28 = vector.broadcast %sub3A_27 : f32 to vector<5000x128xf32>
    %sub3A_29 = arith.subf %exp3A_26, %sub3A_28 : vector<5000x128xf32>
    %select_n3A_30 = arith.select %gt3A_25, %add3A_22, %sub3A_29 : vector<5000x128xi1>, vector<5000x128xf32>
    %get3A_31 = arith.constant 0 : index
    %get3A_32 = arith.constant 0 : index
    %get3A_33 = vector.load %arg4[%get3A_31, %get3A_32] : memref<1x5000xi32, #tpu.memory_space<vmem>>, vector<1x5000xi32>
    %iota3A = tpu.iota {dimensions = array<i32: 0>} : vector<64x5000xi32>
    %eq3A = vector.broadcast %get3A_33 : vector<1x5000xi32> to vector<64x5000xi32>
    %eq3A_34 = arith.cmpi eq, %eq3A, %iota3A : vector<64x5000xi32>
    %convert_element_type3A = arith.extui %eq3A_34 : vector<64x5000xi1> to vector<64x5000xi32>
    %convert_element_type3A_35 = arith.sitofp %convert_element_type3A : vector<64x5000xi32> to vector<64x5000xf32>
    %get3A_36 = arith.constant 0 : index
    %get3A_37 = arith.constant 0 : index
    %get3A_38 = vector.load %arg5[%get3A_36, %get3A_37] : memref<1x5000xi32, #tpu.memory_space<vmem>>, vector<1x5000xi32>
    %iota3A_39 = tpu.iota {dimensions = array<i32: 0>} : vector<64x5000xi32>
    %eq3A_40 = vector.broadcast %get3A_38 : vector<1x5000xi32> to vector<64x5000xi32>
    %eq3A_41 = arith.cmpi eq, %eq3A_40, %iota3A_39 : vector<64x5000xi32>
    %convert_element_type3A_42 = arith.extui %eq3A_41 : vector<64x5000xi1> to vector<64x5000xi32>
    %convert_element_type3A_43 = arith.sitofp %convert_element_type3A_42 : vector<64x5000xi32> to vector<64x5000xf32>
    %slice3A_44 = vector.extract_strided_slice %select_n3A_30 {offsets = [0, 0], sizes = [5000, 64], strides = [1, 1]} : vector<5000x128xf32> to vector<5000x64xf32>
    %dot_general3A_45 = arith.constant dense<0.000000e+00> : vector<64x64xf32>
    %dot_general3A_46 = tpu.matmul %convert_element_type3A_35, %slice3A_44, %dot_general3A_45 {dimension_numbers = #tpu.dot_dimension_numbers<[1], [0], [0], [1], [0, 0, 1, 1], [], []>, transpose_lhs_hint = false} : vector<64x5000xf32>, vector<5000x64xf32>, vector<64x64xf32> -> vector<64x64xf32>
    %slice3A_47 = vector.extract_strided_slice %select_n3A_30 {offsets = [0, 64], sizes = [5000, 64], strides = [1, 1]} : vector<5000x128xf32> to vector<5000x64xf32>
    %dot_general3A_48 = arith.constant dense<0.000000e+00> : vector<64x64xf32>
    %dot_general3A_49 = tpu.matmul %convert_element_type3A_43, %slice3A_47, %dot_general3A_48 {dimension_numbers = #tpu.dot_dimension_numbers<[1], [0], [0], [1], [0, 0, 1, 1], [], []>, transpose_lhs_hint = false} : vector<64x5000xf32>, vector<5000x64xf32>, vector<64x64xf32> -> vector<64x64xf32>
    %add3A_50 = arith.addf %dot_general3A_46, %dot_general3A_49 : vector<64x64xf32>
    %get3A_51 = arith.constant 0 : index
    %get3A_52 = arith.constant 0 : index
    %get3A_53 = vector.load %arg6[%get3A_51, %get3A_52] : memref<64x64xf32, #tpu.memory_space<vmem>>, vector<64x64xf32>
    %dot_general3A_54 = arith.constant dense<0.000000e+00> : vector<64x64xf32>
    %dot_general3A_55 = tpu.matmul %add3A_50, %get3A_53, %dot_general3A_54 {dimension_numbers = #tpu.dot_dimension_numbers<[1], [0], [0], [1], [0, 0, 1, 1], [], []>, transpose_lhs_hint = false} : vector<64x64xf32>, vector<64x64xf32>, vector<64x64xf32> -> vector<64x64xf32>
    %get3A_56 = arith.constant 0 : index
    %get3A_57 = arith.constant 0 : index
    %get3A_58 = vector.load %arg7[%get3A_56, %get3A_57] : memref<1x64xf32, #tpu.memory_space<vmem>>, vector<1x64xf32>
    %add3A_59 = vector.broadcast %get3A_58 : vector<1x64xf32> to vector<64x64xf32>
    %add3A_60 = arith.addf %dot_general3A_55, %add3A_59 : vector<64x64xf32>
    %gt3A_61 = arith.constant 0.000000e+00 : f32
    %gt3A_62 = vector.broadcast %gt3A_61 : f32 to vector<64x64xf32>
    %gt3A_63 = arith.cmpf ogt, %add3A_60, %gt3A_62 : vector<64x64xf32>
    %exp3A_64 = math.exp %add3A_60 : vector<64x64xf32>
    %sub3A_65 = arith.constant 1.000000e+00 : f32
    %sub3A_66 = vector.broadcast %sub3A_65 : f32 to vector<64x64xf32>
    %sub3A_67 = arith.subf %exp3A_64, %sub3A_66 : vector<64x64xf32>
    %select_n3A_68 = arith.select %gt3A_63, %add3A_60, %sub3A_67 : vector<64x64xi1>, vector<64x64xf32>
    %get3A_69 = arith.constant 0 : index
    %get3A_70 = arith.constant 0 : index
    %get3A_71 = vector.load %arg8[%get3A_69, %get3A_70] : memref<64x32xf32, #tpu.memory_space<vmem>>, vector<64x32xf32>
    %dot_general3A_72 = arith.constant dense<0.000000e+00> : vector<64x32xf32>
    %dot_general3A_73 = tpu.matmul %select_n3A_68, %get3A_71, %dot_general3A_72 {dimension_numbers = #tpu.dot_dimension_numbers<[1], [0], [0], [1], [0, 0, 1, 1], [], []>, transpose_lhs_hint = false} : vector<64x64xf32>, vector<64x32xf32>, vector<64x32xf32> -> vector<64x32xf32>
    %get3A_74 = arith.constant 0 : index
    %get3A_75 = arith.constant 0 : index
    %get3A_76 = vector.load %arg9[%get3A_74, %get3A_75] : memref<1x32xf32, #tpu.memory_space<vmem>>, vector<1x32xf32>
    %add3A_77 = vector.broadcast %get3A_76 : vector<1x32xf32> to vector<64x32xf32>
    %add3A_78 = arith.addf %dot_general3A_73, %add3A_77 : vector<64x32xf32>
    %gt3A_79 = arith.constant 0.000000e+00 : f32
    %gt3A_80 = vector.broadcast %gt3A_79 : f32 to vector<64x32xf32>
    %gt3A_81 = arith.cmpf ogt, %add3A_78, %gt3A_80 : vector<64x32xf32>
    %exp3A_82 = math.exp %add3A_78 : vector<64x32xf32>
    %sub3A_83 = arith.constant 1.000000e+00 : f32
    %sub3A_84 = vector.broadcast %sub3A_83 : f32 to vector<64x32xf32>
    %sub3A_85 = arith.subf %exp3A_82, %sub3A_84 : vector<64x32xf32>
    %select_n3A_86 = arith.select %gt3A_81, %add3A_78, %sub3A_85 : vector<64x32xi1>, vector<64x32xf32>
    %get3A_87 = arith.constant 0 : index
    %get3A_88 = arith.constant 0 : index
    %get3A_89 = vector.load %arg10[%get3A_87, %get3A_88] : memref<32x10xf32, #tpu.memory_space<vmem>>, vector<32x10xf32>
    %dot_general3A_90 = arith.constant dense<0.000000e+00> : vector<64x10xf32>
    %dot_general3A_91 = tpu.matmul %select_n3A_86, %get3A_89, %dot_general3A_90 {dimension_numbers = #tpu.dot_dimension_numbers<[1], [0], [0], [1], [0, 0, 1, 1], [], []>, transpose_lhs_hint = false} : vector<64x32xf32>, vector<32x10xf32>, vector<64x10xf32> -> vector<64x10xf32>
    %get3A_92 = arith.constant 0 : index
    %get3A_93 = arith.constant 0 : index
    %get3A_94 = vector.load %arg11[%get3A_92, %get3A_93] : memref<1x10xf32, #tpu.memory_space<vmem>>, vector<1x10xf32>
    %add3A_95 = vector.broadcast %get3A_94 : vector<1x10xf32> to vector<64x10xf32>
    %add3A_96 = arith.addf %dot_general3A_91, %add3A_95 : vector<64x10xf32>
    %reduce_max3A = arith.constant dense<0xFF800000> : vector<64xf32>
    %reduce_max3A_97 = vector.multi_reduction <maximumf>, %add3A_96, %reduce_max3A [1] : vector<64x10xf32> to vector<64xf32>
    %broadcast_in_dim3A = vector.shape_cast %reduce_max3A_97 : vector<64xf32> to vector<64x1xf32>
    %sub3A_98 = vector.broadcast %broadcast_in_dim3A : vector<64x1xf32> to vector<64x10xf32>
    %sub3A_99 = arith.subf %add3A_96, %sub3A_98 : vector<64x10xf32>
    %exp3A_100 = math.exp %sub3A_99 : vector<64x10xf32>
    %reduce_sum3A = arith.constant dense<0.000000e+00> : vector<64xf32>
    %reduce_sum3A_101 = vector.multi_reduction <add>, %exp3A_100, %reduce_sum3A [1] : vector<64x10xf32> to vector<64xf32>
    %broadcast_in_dim3A_102 = vector.shape_cast %reduce_sum3A_101 : vector<64xf32> to vector<64x1xf32>
    %log3A = math.log %broadcast_in_dim3A_102 : vector<64x1xf32>
    %add3A_103 = arith.addf %log3A, %broadcast_in_dim3A : vector<64x1xf32>
    %sub3A_104 = vector.broadcast %add3A_103 : vector<64x1xf32> to vector<64x10xf32>
    %sub3A_105 = arith.subf %add3A_96, %sub3A_104 : vector<64x10xf32>
    %swap3A = arith.constant 0 : index
    %swap3A_106 = arith.constant 0 : index
    %swap3A_107 = vector.load %arg12[%swap3A, %swap3A_106] : memref<64x10xf32, #tpu.memory_space<vmem>>, vector<64x10xf32>
    tpu.vector_store %arg12[%swap3A, %swap3A_106], %sub3A_105 {strides = array<i32>} : memref<64x10xf32, #tpu.memory_space<vmem>>, vector<64x10xf32>,
    return
  }
}

</mosaic_0001>

<sc_bundles>
// kernel: kernel.10.cloned.1.call-start
scs
__scs_entry_jumppad:
0x0: {  	(pc) =	sbr.rel $0x88, $3  }
0x1: {  	(tag) =	ssettag $0x0;
	lr =	simm.s32 $0x1  }
0x2: {  	[smem:$0x3F8E] =	sst lr;
	_ =	strace $0xD0000000  }
0x3: {  	_ = 	snop  }
0x4: {  	_ = 	snop  }
0x5: {  	_ = 	snop  }
0x6: {  	_ = 	snop  }
0x7: {  	_ = 	snop  }
__scs_overlays_trampoline_lowered:
0x8: {  	[smem:$0x3F9D] =	sst s0  }
0x9: {  	[smem:$0x3F9E] =	sst s1  }
0xa: {  	[smem:$0x3F9F] =	sst s2  }
0xb: {  	[smem:$0x3FA0] =	sst s3  }
0xc: {  	[smem:$0x3FA1] =	sst s4  }
0xd: {  	[smem:$0x3FA2] =	sst s5  }
0xe: {  	[smem:$0x3FA3] =	sst s6  }
0xf: {  	[smem:$0x3FA4] =	sst s7  }
0x10: {  	[smem:$0x3FA5] =	sst s8  }
0x11: {  	[smem:$0x3FA6] =	sst s9;
	s0 =	simm.s32 @!p0 $0x0  }
0x12: {  	s1 =	sld [smem:$0x3F8C];
	s0 =	simm.s32 @p0 $0x1  }
0x13: {  	[smem:$0x3FA7] =	sst s0;
	s0 =	simm.s32 @!p1 $0x0  }
0x14: {  	s2 =	sld [smem:$0x3F8B];
	s0 =	simm.s32 @p1 $0x1  }
0x15: {  	[smem:$0x3FA8] =	sst s0;
	s0 =	simm.s32 @!p2 $0x0  }
0x16: {  	s3 =	sld [smem:$0x3FDB];
	s0 =	simm.s32 @p2 $0x1  }
0x17: {  	s4 =	simm.s32 $0x1BF5;
	[smem:$0x3FAA] =	sst s0  }
0x18: {  	s0 =	sld [smem:$0x3F8D];
	_ =	swait.ge [sflag:s4], $0x0  }
0x19: {  	s7 =	sld [smem:$0x3F8E]  }
0x1a: {  	s8 =	sadd.s32 $0xFFFFE003, lr  }
0x1b: {  	s9 =	sadd.s32 $0xFFFFFEF7, lr;
	s5 =	simm.s32 $0xFFFFFFFF;
	p2 =	slt.u32 s8, $0xFFFFF086  }
0x1c: {  	p1 =	slt.u32 s9, $0xF7A;
	s5 =	simm.s32 @!p2 $0x0  }
0x1d: {  	s5 =	simm.s32 @p1 $0x1;
	p0 =	seq.s32 s7, s2  }
0x1e: {  	s7 =	smul.u32 @!p0 $0xF7A, s2;
	p2 =	seq.s32 @!p0 s5, $0x0  }
0x1f: {  	s9 =	smul.u32 $0xF7A, s1;
	s8 =	simm.s32 @!p0 $0x1BF5;
	p2 =	por !p2, p0  }
0x20: {  	[sflag:s8] =	ssyncset.s32 @!p0 $0xFFFFF086;
	s6 =	sadd.s32 @!p0 s3, s7;
	s7 =	simm.s32 @!p0 $0x108  }
0x21: {  	s3 =	sadd.s32 s3, s9;
	s6 =	sadd.s32 @!p0 $0x88, s6;
	s7 =	simm.s32 @p2 $0x1082  }
0x22: {  	[simem:s7], [sflag:s8] =	dma.local @!p0 [hbm:s6], $0xF7A  }
0x23: {  	s9 =	sor.u32 $0xD0000000, s2;
	s6 =	simm.s32 $0x108;
	_ =	swait.ge @!p0 [sflag:s8], $0x0  }
0x24: {  	s3 =	sadd.s32 $0x88, s3;
	s6 =	simm.s32 @!p1 $0x1082;
	[sflag:s4] =	ssyncset.s32 $0xFFFFF086  }
0x25: {  	[simem:s6], [sflag:s4] =	dma.local [hbm:s3], $0xF7A  }
0x26: {  	[smem:$0x3F8E] =	sst s1;
	(tag) =	ssettag s2;
	_ =	strace s9  }
0x27: {  	s1 =	sld [smem:$0x3F9E]  }
0x28: {  	s2 =	sld [smem:$0x3F9F]  }
0x29: {  	s4 =	sld [smem:$0x3FA1]  }
0x2a: {  	p0 =	seq.s32 s5, $0x0;
	s5 =	sld [smem:$0x3FA2]  }
0x2b: {  	s6 =	sld [smem:$0x3FA3]  }
0x2c: {  	s7 =	sld [smem:$0x3FA4]  }
0x2d: {  	s3 =	simm.s32 $0x108;
	s8 =	sld [smem:$0x3FA5]  }
0x2e: {  	s3 =	simm.s32 @!p0 $0x1082;
	s9 =	sld [smem:$0x3FA6]  }
0x2f: {  	lr =	sadd.s32 s0, s3;
	s0 =	sld [smem:$0x3F9D]  }
0x30: {  	s3 =	sld [smem:$0x3FA0]  }
0x31: {  	[smem:$0x3FA9] =	sst s10  }
0x32: {  	s10 =	sld [smem:$0x3FA7];
	_ =	sdelay $0x3  }
0x33: {  	p0 =	seq.s32 s10, $0x1;
	s10 =	sld [smem:$0x3FA9];
	_ =	sdelay $0x3  }
0x34: {  	[smem:$0x3FA9] =	sst s10  }
0x35: {  	s10 =	sld [smem:$0x3FA8];
	_ =	sdelay $0x3  }
0x36: {  	p1 =	seq.s32 s10, $0x1;
	s10 =	sld [smem:$0x3FA9];
	_ =	sdelay $0x3  }
0x37: {  	[smem:$0x3FA9] =	sst s10  }
0x38: {  	s10 =	sld [smem:$0x3FAA]  }
0x39: {  	_ = 	snop;
	(pc) =	sbr.ind lr, $3  }
0x3a: {  	_ = 	snop  }
0x3b: {  	_ = 	snop  }
0x3c: {  	p2 =	seq.s32 s10, $0x1;
	s10 =	sld [smem:$0x3FA9]  }
0x3d: {  	_ =	shalt  }
0x3e: {  	_ =	shalt  }
0x3f: {  	_ =	shalt  }
0x40: {  	_ =	shalt  }
0x41: {  	_ =	shalt  }
0x42: {  	_ =	shalt  }
0x43: {  	_ =	shalt  }
0x44: {  	_ =	shalt  }
0x45: {  	_ =	shalt  }
0x46: {  	_ =	shalt  }
0x47: {  	_ =	shalt  }
0x48: {  	_ =	shalt  }
0x49: {  	_ =	shalt  }
0x4a: {  	_ =	shalt  }
0x4b: {  	_ =	shalt  }
0x4c: {  	_ =	shalt  }
0x4d: {  	_ =	shalt  }
0x4e: {  	_ =	shalt  }
0x4f: {  	_ =	shalt  }
0x50: {  	_ =	shalt  }
0x51: {  	_ =	shalt  }
0x52: {  	_ =	shalt  }
0x53: {  	_ =	shalt  }
0x54: {  	_ =	shalt  }
0x55: {  	_ =	shalt  }
0x56: {  	_ =	shalt  }
0x57: {  	_ =	shalt  }
0x58: {  	_ =	shalt  }
0x59: {  	_ =	shalt  }
0x5a: {  	_ =	shalt  }
0x5b: {  	_ =	shalt  }
0x5c: {  	_ =	shalt  }
0x5d: {  	_ =	shalt  }
0x5e: {  	_ =	shalt  }
0x5f: {  	_ =	shalt  }
0x60: {  	_ =	shalt  }
0x61: {  	_ =	shalt  }
0x62: {  	_ =	shalt  }
0x63: {  	_ =	shalt  }
0x64: {  	_ =	shalt  }
0x65: {  	_ =	shalt  }
0x66: {  	_ =	shalt  }
0x67: {  	_ =	shalt  }
0x68: {  	_ =	shalt  }
0x69: {  	_ =	shalt  }
0x6a: {  	_ =	shalt  }
0x6b: {  	_ =	shalt  }
0x6c: {  	_ =	shalt  }
0x6d: {  	_ =	shalt  }
0x6e: {  	_ =	shalt  }
0x6f: {  	_ =	shalt  }
0x70: {  	_ =	shalt  }
0x71: {  	_ =	shalt  }
0x72: {  	_ =	shalt  }
0x73: {  	_ =	shalt  }
0x74: {  	_ =	shalt  }
0x75: {  	_ =	shalt  }
0x76: {  	_ =	shalt  }
0x77: {  	_ =	shalt  }
0x78: {  	_ =	shalt  }
0x79: {  	_ =	shalt  }
0x7a: {  	_ =	shalt  }
0x7b: {  	_ =	shalt  }
0x7c: {  	_ =	shalt  }
0x7d: {  	_ =	shalt  }
0x7e: {  	_ =	shalt  }
0x7f: {  	_ =	shalt  }
0x80: {  	_ =	shalt  }
0x81: {  	_ =	shalt  }
0x82: {  	_ =	shalt  }
0x83: {  	_ =	shalt  }
0x84: {  	_ =	shalt  }
0x85: {  	_ =	shalt  }
0x86: {  	_ =	shalt  }
0x87: {  	_ =	shalt  }
.Lfunc_end0:
.L_simem_size_0:
called_computation.1_lowered:
.L_overlay_start_0:
0x88: {  	s2 =	sld [smem:$0x3FD9]  }
0x89: {  	s3 =	sld [smem:$0x3FFE];
	_ =	sdelay $0x1  }
0x8a: {  	s1 =	srdreg.scid  }
0x8b: {  	s0 =	sand.u32 $0x1, s1  }
0x8c: {  	s16 =	sshll.u32 s0, $0xA;
	s2 =	sadd.s32 s3, s2  }
0x8d: {  	s2 =	sadd.s32 s2, s16  }
0x8e: {  	[smem:$0x3FB5] =	sst s2  }
0x8f: {  	_ = 	snop  }
0x90: {  	(tm) =	ssettm $0x1  }
0x91: {  	s17 =	sld [smem:$0x3FFB];
	_ =	sdelay $0x3  }
0x92: {  	_ =	strace s17  }
0x93: {  	s2 =	sld [smem:$0x3FFC];
	_ =	sdelay $0x3  }
0x94: {  	_ =	strace s2  }
0x95: {  	s2 =	sld [smem:$0x3FFD];
	_ =	sdelay $0x3  }
0x96: {  	_ =	strace s2  }
0x97: {  	_ =	strace $0x8FFFFFFF  }
0x98: {  	s18 =	sld [smem:$0x3FDB];
	_ =	sdelay $0x1  }
0x99: {  	s19 =	simm.s32 $_scs_section_size  }
0x9a: {  	s4 =	simm.s32 $_size__tile_overlayer_lowered;
	s5 =	simm.s32 $_tile_overlayer_lowered  }
0x9b: {  	s22 =	simm.s32 $0x1BFF;
	s21 =	sshll.u32 s5, $0x1;
	s2 =	sadd.s32 s19, s18  }
0x9c: {  	s6 =	simm.s32 $0x0;
	s20 =	sshll.u32 s4, $0x1;
	s4 =	sadd.s32 s21, s2  }
0x9d: {  	[timem:s6], [sflag:s22] =	dma.local [hbm:s4], s20  }
0x9e: {  	_ =	swait.ge [sflag:s22], s20  }
0x9f: {  	s3 =	ssub.s32 $0x0, s20;
	[sflag:s22] =	ssyncset.done $0x0  }
0xa0: {  	[sflag:s22] =	ssyncadd.s32 s3;
	_ =	sdelay $0x1  }
0xa1: {  	s23 =	simm.s32 $0x1B8B  }
0xa2: {  	_ =	swait.ge [sflag:s23], $0x1  }
0xa3: {  	[sflag:s23] =	ssyncset.done $0x0  }
0xa4: {  	s25 =	simm.s32 $0x1B8E;
	s24 =	sld [smem:$0x3FFE];
	[sflag:s23] =	ssyncadd.s32 $0xFFFFFFFF  }
0xa5: {  	s26 =	simm.s32 $execute0_lowered;
	[smem:$0x3FD2] =	sst s25  }
0xa6: {  	s4 =	sshll.u32 s26, $0x1;
	_ =	strace $0x80000049;
	[dreg:$0x1] =	wrdreg $0xFFFFFFFF  }
0xa7: {  	s28 =	simm.s32 $_size_execute0_lowered;
	s2 =	sadd.s32 s2, s4;
	[dreg:$0x0] =	wrdreg $0x0  }
0xa8: {  	s4 =	sshll.u32 s28, $0x1;
	[dreg:$0x2] =	wrdreg s2  }
0xa9: {  	[dreg:$0x3] =	wrdreg s4  }
0xaa: {  	[dreg:$0x4] =	wrdreg $0xC0  }
0xab: {  	_ =	task [dreg:s6], $0x5FFFF  }
0xac: {  	[dreg:$0x1] =	wrdreg $0xFFFFFFFF  }
0xad: {  	[dreg:$0x0] =	wrdreg $0x60  }
0xae: {  	[dreg:$0x2] =	wrdreg s24  }
0xaf: {  	[dreg:$0x3] =	wrdreg $0x150000  }
0xb0: {  	[dreg:$0x4] =	wrdreg $0x9  }
0xb1: {  	_ =	task.clear_ibuf [dreg:s6], $0x5FFFF;
	_ =	strace $0x90000049  }
0xb2: {  	s29 =	simm.s32 $0x9;
	_ =	strace $0x8000004B  }
0xb3: {  	_ =	swait.ge [sflag:s29], $0x1  }
0xb4: {  	[sflag:s29] =	ssyncadd.s32 $0xFFFFFFFF  }
0xb5: {  	_ =	strace $0x9000004B  }
0xb6: {  	_ =	sfence  }
0xb7: {  	s30 =	sld [smem:$0x0];
	_ =	sdelay $0x2  }
0xb8: {  	s31 =	sshll.u32 s1, $0xD;
	s1 =	sshrl.u32 s1, $0x2  }
0xb9: {  	s3 =	sand.u32 $0x4000, s31;
	s1 =	sadd.s32 s1, s30  }
0xba: {  	s0 =	sor.u32 s3, s0;
	s1 =	sshll.u32 s1, $0x11  }
0xbb: {  	s0 =	sor.u32 s1, s0  }
0xbc: {  	s0 =	sadd.s32 $0x8F2B, s0  }
0xbd: {  	[sflag:s0] =	ssyncadd.remote.s32 $0x1  }
0xbe: {  	_ =	sfence.sel $0xFFFF  }
0xbf: {  	[dreg:$0x0] =	wrdreg $0xFFFFFFFF;
	(pc) =	sbr.abs _section_cstart, $3  }
0xc0: {  	[dreg:$0x1] =	wrdreg $0xFFFFFFFF  }
0xc1: {  	_ =	task.clear_ibuf [dreg:s6], $0x2FFFF;
	_ =	strace $0x9FFFFFFF  }
0xc2: {  	(tm) =	ssettm $0x7FFFFFFF  }
0xc3: {  	_ =	shalt  }
tec
execute0_lowered:
.L_overlay_start_1:
0x0: {  	(tag) =	ssettag $0x1  }
0x1: {  	s0 =	srdreg.scid  }
0x2: {  	s11 =	stileid.u32;
	s3 =	rddreg [dreg:$0x0]  }
0x3: {  	s2 =	rddreg [dreg:$0x1];
	s4 =	simm.s32 $0x0;
	s14 =	simm.s32 $0x11  }
0x4: {  	s16 =	simm.s32 $0x80;
	s17 =	simm.s32 $0x5000;
	s18 =	simm.s32 $0x7000  }
0x5: {  	s20 =	simm.s32 $0x9000;
	s28 =	simm.s32 $0x2;
	s29 =	simm.s32 $0xF000  }
0x6: {  	s30 =	simm.s32 $0x3;
	s31 =	simm.s32 $0x11000;
	s15 =	simm.s32 $0x13000  }
0x7: {  	s19 =	simm.s32 $0x5;
	s13 =	simm.s32 $0xF;
	s0 =	sand.u32 $0x1, s0  }
0x8: {  	s5 =	smul.u32 $0xA000, s11;
	[smem:$0x7FF] =	sst s4;
	s4 =	sadd.s32 $0x2800, s3  }
0x9: {  	p1 =	sne.s32 s11, $0xF;
	p2 =	seq.s32 s11, $0xF;
	s23 =	sadd.s32 $0x15400, s3  }
0xa: {  	s1 =	sshll.u32 s0, $0x4;
	s6 =	smul.u32 $0xA0000, s0;
	_ =	strace $0x8000004A  }
0xb: {  	s7 =	ssub.s32 $0x2, s0;
	p0 =	seq.s32 s0, $0x0;
	[dreg:$0x6] =	wrdreg s23  }
0xc: {  	s23 =	simm.s32 $0x10;
	s1 =	sor.u32 s11, s1;
	s8 =	sshrl.u32 s5, $0x3  }
0xd: {  	s9 =	sshrl.u32 s7, $0x1;
	p1 =	por !p0, !p1;
	p2 =	por !p0, !p2  }
0xe: {  	s1 =	smul.u32 $0x500, s1;
	s6 =	sadd.s32 s5, s6;
	s10 =	sadd.s32 s8, s3  }
0xf: {  	s9 =	ssub.s32 s7, s9;
	p0 =	por !p1, !p1;
	p1 =	por !p2, !p2  }
0x10: {  	s7 =	sadd.s32 s5, s2;
	s5 =	sadd.s32 $0x9C400, s2;
	s24 =	sadd.s32 s4, s8  }
0x11: {  	s6 =	sshrl.u32 s6, $0x3;
	s22 =	sadd.s32 $0x2A200, s10;
	[dreg:$0x8] =	wrdreg s24  }
0x12: {  	s26 =	smax.u32 s9, $0x1;
	p2 =	por p1, p0;
	s9 =	simm.s32 $0xB  }
0x13: {  	s10 =	simm.s32 $0xC;
	s24 =	simm.s32 $0x0;
	s1 =	sadd.s32 s1, s3  }
0x14: {  	s6 =	sadd.s32 s6, s3;
	[dreg:$0x5] =	wrdreg s22;
	s3 =	sadd.s32 $0x3DA80, s3  }
0x15: {  	[dreg:$0xa] =	wrdreg s26;
	p2 =	seq.s32 @!p2 s0, $0x0;
	s22 =	simm.s32 $0xB000  }
0x16: {  	s26 =	simm.s32 $0xD000;
	s21 =	sadd.s32 $0x16200, s1;
	[dreg:$0x7] =	wrdreg s3  }
0x17: {  	s1 =	sadd.s32 $0x20200, s1;
	s25 =	sadd.s32 $0x3E200, s6;
	[dreg:$0x3] =	wrdreg s21  }
.Ltmp0:
0x18: {  	p2 =	por @!p0 p2, p1;
	[dreg:$0x4] =	wrdreg s1;
	(pc) =	sbr.rel .LBB2_1-.Ltmp0, $4  }
0x19: {  	p1 =	por !p1, p0;
	s1 =	sadd.s32 $0x96000, s2;
	[dreg:$0x9] =	wrdreg s25  }
0x1a: {  	p2 =	por p2, p0;
	s25 =	simm.s32 $0x1;
	s0 =	sshrl.u32 @!p1 s1, $0x3  }
0x1b: {  	s21 =	simm.s32 $0x7;
	[dreg:$0xb] =	wrdreg s0;
	s0 =	sshrl.u32 @!p1 s5, $0x3  }
0x1c: {  	s1 =	simm.s32 $0x4;
	s5 =	simm.s32 $0x8;
	[dreg:$0xc] =	wrdreg s0  }
.LBB2_4:
0x1d: {  	_ =	swait.ge [sflag:s5], $0x2000  }
0x1e: {  	[sflag:s5] =	ssyncset.done $0x0  }
0x1f: {  	s0 =	simm.s32 $0x9;
	[sflag:s5] =	ssyncadd.s32 $0xFFFFE000  }
0x20: {  	[spmem:s2] =	stream.indirect.scatter.add.f32 [tilespmem:s15], [sflag:$0x10], $0x40, s6, s16, $0xb8;
	[tilespmem:$0x1F000] =	vst v63  }
0x21: {  	_ =	swait.ge [sflag:s0], $0x2000  }
0x22: {  	[sflag:s0] =	ssyncset.done $0x0  }
0x23: {  	s11 =	simm.s32 $0xA;
	[sflag:s0] =	ssyncadd.s32 $0xFFFFE000  }
0x24: {  	_ =	swait.ge [sflag:s11], $0x2000  }
0x25: {  	[sflag:s11] =	ssyncset.done $0x0  }
0x26: {  	[sflag:s11] =	ssyncadd.s32 $0xFFFFE000  }
0x27: {  	_ =	swait.ge [sflag:s9], $0x2000  }
0x28: {  	[sflag:s9] =	ssyncset.done $0x0  }
0x29: {  	[sflag:s9] =	ssyncadd.s32 $0xFFFFE000  }
0x2a: {  	_ =	swait.ge [sflag:s10], $0x2000  }
0x2b: {  	[sflag:s10] =	ssyncset.done $0x0  }
0x2c: {  	s12 =	simm.s32 $0xD;
	[sflag:s10] =	ssyncadd.s32 $0xFFFFE000  }
0x2d: {  	_ =	swait.ge [sflag:s12], $0x2000  }
0x2e: {  	[sflag:s12] =	ssyncset.done $0x0  }
0x2f: {  	s3 =	simm.s32 $0xE;
	[sflag:s12] =	ssyncadd.s32 $0xFFFFE000  }
0x30: {  	_ =	swait.ge [sflag:s3], $0x2000  }
0x31: {  	[sflag:s3] =	ssyncset.done $0x0  }
0x32: {  	[sflag:s3] =	ssyncadd.s32 $0xFFFFE000  }
0x33: {  	_ =	swait.ge [sflag:s13], $0x2000  }
0x34: {  	[sflag:s13] =	ssyncset.done $0x0  }
0x35: {  	[sflag:s13] =	ssyncadd.s32 $0xFFFFE000  }
0x36: {  	_ =	swait.ge [sflag:s23], $0x2000  }
0x37: {  	[sflag:s23] =	ssyncset.done $0x0  }
0x38: {  	s11 =	stileid.u32;
	[sflag:s23] =	ssyncadd.s32 $0xFFFFE000  }
0x39: {  	s6 =	sshll.u32 s11, $0x6;
	[bflag:$0x0] =	sbarrier.arrive $0xFFFF  }
0x3a: {  	s0 =	sor.u32 $0x1C11, s6;
	s3 =	sshrl.u32 s7, $0x3;
	s8 =	rddreg [dreg:$0x9]  }
0x3b: {  	[hbm:s8], [sflag:s0] =	dma.local [spmem:s3], $0x1400  }
0x3c: {  	_ =	swait.ge [sflag:s14], $0x1400  }
0x3d: {  	s24 =	sadd.s32 $0x1, s24;
	s12 =	rddreg [dreg:$0xa]  }
0x3e: {  	p3 =	sne.s32 s24, s12  }
.Ltmp1:
0x3f: {  	_ = 	snop;
	(pc) =	sbr.rel @!p3 .LBB2_5-.Ltmp1, $3  }
0x40: {  	_ =	sdelay $0x1  }
0x41: {  	[sflag:s14] =	ssyncset.done $0x0  }
0x42: {  	[sflag:s14] =	ssyncadd.s32 $0xFFFFEC00  }
.LBB2_1:
0x43: {  	s0 =	simm.s32 $0x0;
	s3 =	rddreg [dreg:$0x3]  }
0x44: {  	[tilespmem:s0], [sflag:$0x11] =	stream.linear.gather [hbm4b:s3+s0], $0x2800, $0x38;
	[tilespmem:$0x1F000] =	vst v63  }
0x45: {  	_ =	swait.ge [sflag:s14], $0x2800  }
0x46: {  	[sflag:s14] =	ssyncset.done $0x0  }
0x47: {  	s6 =	simm.s32 $0x2800;
	s12 =	rddreg [dreg:$0x4];
	[sflag:s14] =	ssyncadd.s32 $0xFFFFD800  }
0x48: {  	[tilespmem:s6], [sflag:$0x11] =	stream.linear.gather [hbm4b:s12+s0], $0x2800, $0x38;
	[tilespmem:$0x1F000] =	vst v63  }
0x49: {  	_ =	swait.ge [sflag:s14], $0x2800  }
0x4a: {  	[sflag:s14] =	ssyncset.done $0x0  }
0x4b: {  	[sflag:s14] =	ssyncadd.s32 $0xFFFFD800  }
0x4c: {  	[tilespmem:s17], [sflag:$0x1] =	stream.indirect.gather [hbm4b:s4+s16], $0x40, s0, s16, $0xb8;
	[tilespmem:$0x1F000] =	vst v63  }
0x4d: {  	_ = 	snop  }
0x4e: {  	[tilespmem:s18], [sflag:$0x2] =	stream.indirect.gather [hbm4b:s4+s16], $0x40, s16, s16, $0xb8;
	[tilespmem:$0x1F000] =	vst v63  }
0x4f: {  	s8 =	simm.s32 $0x100;
	s3 =	sshrl.u32 @!p2 s7, $0x3;
	s0 =	sshll.u32 @!p2 s11, $0x6  }
0x50: {  	[tilespmem:s20], [sflag:$0x3] =	stream.indirect.gather [hbm4b:s4+s16], $0x40, s8, s16, $0xb8;
	[tilespmem:$0x1F000] =	vst v63  }
0x51: {  	s12 =	simm.s32 $0x180;
	s6 =	rddreg [dreg:$0x5];
	s0 =	sor.u32 @!p2 $0x1C11, s0  }
0x52: {  	[tilespmem:s22], [sflag:$0x4] =	stream.indirect.gather [hbm4b:s4+s16], $0x40, s12, s16, $0xb8;
	[tilespmem:$0x1F000] =	vst v63  }
0x53: {  	[spmem:s3], [sflag:s0] =	dma.local @!p2 [hbm:s6], $0x1400  }
0x54: {  	s0 =	simm.s32 @!p2 $0x11  }
0x55: {  	_ =	swait.ge @!p2 [sflag:s0], $0x1400  }
0x56: {  	[sflag:s0] =	ssyncset.done @!p2 $0x0;
	s3 =	rddreg [dreg:$0x6]  }
0x57: {  	s6 =	rddreg [dreg:$0xb];
	[sflag:s0] =	ssyncadd.s32 @!p2 $0xFFFFEC00;
	s0 =	simm.s32 @!p1 $0x1FD1  }
0x58: {  	[spmem:s6], [sflag:s0] =	dma.local @!p1 [hbm:s3], $0xC80  }
0x59: {  	s3 =	simm.s32 @!p1 $0x11  }
0x5a: {  	_ =	swait.ge @!p1 [sflag:s3], $0xC80  }
0x5b: {  	[sflag:s3] =	ssyncset.done @!p1 $0x0;
	s6 =	rddreg [dreg:$0x7]  }
0x5c: {  	s8 =	rddreg [dreg:$0xc];
	[sflag:s3] =	ssyncadd.s32 @!p1 $0xFFFFF380  }
0x5d: {  	[spmem:s8], [sflag:s0] =	dma.local @!p1 [hbm:s6], $0x780  }
0x5e: {  	s0 =	sshll.u32 @p0 s11, $0x6;
	_ =	swait.ge @!p1 [sflag:s3], $0x780  }
0x5f: {  	s0 =	sor.u32 @p0 $0x1C11, s0;
	[sflag:s3] =	ssyncset.done @!p1 $0x0  }
0x60: {  	s6 =	rddreg [dreg:$0x8];
	[sflag:s3] =	ssyncadd.s32 @!p1 $0xFFFFF880;
	s3 =	sshrl.u32 @p0 s7, $0x3  }
0x61: {  	[spmem:s3], [sflag:s0] =	dma.local @p0 [hbm:s6], $0x1400  }
0x62: {  	s0 =	simm.s32 @p0 $0x11  }
0x63: {  	_ =	swait.ge @p0 [sflag:s0], $0x1400  }
0x64: {  	[sflag:s0] =	ssyncset.done @p0 $0x0  }
0x65: {  	[sflag:s0] =	ssyncadd.s32 @p0 $0xFFFFEC00  }
0x66: {  	s3 =	simm.s32 $0x0;
	[bflag:$0x0] =	sbarrier.arrive $0xFFFF  }
.LBB2_2:
0x67: {  	_ =	swait.ge [sflag:s25], $0x2000  }
0x68: {  	s0 =	sshra.s32 s3, $0x2;
	[sflag:s25] =	ssyncset.done $0x0  }
0x69: {  	p3 =	seq.s32 s3, $0x0;
	s6 =	sadd.s32 $0x2800, s0;
	[sflag:s25] =	ssyncadd.s32 $0xFFFFE000  }
0x6a: {  	[spmem:s2] =	stream.indirect.scatter.add.f32 [tilespmem:s17], [sflag:$0x9], $0x40, s6, s16, $0xb8;
	[tilespmem:$0x1F000] =	vst v63  }
0x6b: {  	s6 =	simm.s32 @!p3 $0xD  }
0x6c: {  	_ =	swait.ge @!p3 [sflag:s6], $0x2000  }
0x6d: {  	[sflag:s6] =	ssyncset.done @!p3 $0x0  }
0x6e: {  	s8 =	sadd.s32 $0x200, s0;
	[sflag:s6] =	ssyncadd.s32 @!p3 $0xFFFFE000  }
0x6f: {  	[tilespmem:s26], [sflag:$0x5] =	stream.indirect.gather [hbm4b:s4+s16], $0x40, s8, s16, $0xb8;
	[tilespmem:$0x1F000] =	vst v63  }
0x70: {  	_ =	swait.ge [sflag:s28], $0x2000  }
0x71: {  	[sflag:s28] =	ssyncset.done $0x0  }
0x72: {  	s11 =	sadd.s32 $0x2880, s0;
	s6 =	simm.s32 @!p3 $0xE;
	[sflag:s28] =	ssyncadd.s32 $0xFFFFE000  }
0x73: {  	[spmem:s2] =	stream.indirect.scatter.add.f32 [tilespmem:s18], [sflag:$0xA], $0x40, s11, s16, $0xb8;
	[tilespmem:$0x1F000] =	vst v63  }
0x74: {  	_ =	swait.ge @!p3 [sflag:s6], $0x2000  }
0x75: {  	[sflag:s6] =	ssyncset.done @!p3 $0x0  }
0x76: {  	s12 =	sadd.s32 $0x280, s0;
	[sflag:s6] =	ssyncadd.s32 @!p3 $0xFFFFE000  }
0x77: {  	[tilespmem:s29], [sflag:$0x6] =	stream.indirect.gather [hbm4b:s4+s16], $0x40, s12, s16, $0xb8;
	[tilespmem:$0x1F000] =	vst v63  }
0x78: {  	_ =	swait.ge [sflag:s30], $0x2000  }
0x79: {  	[sflag:s30] =	ssyncset.done $0x0  }
0x7a: {  	s8 =	sadd.s32 $0x2900, s0;
	s6 =	simm.s32 @!p3 $0xF;
	[sflag:s30] =	ssyncadd.s32 $0xFFFFE000  }
0x7b: {  	[spmem:s2] =	stream.indirect.scatter.add.f32 [tilespmem:s20], [sflag:$0xB], $0x40, s8, s16, $0xb8;
	[tilespmem:$0x1F000] =	vst v63  }
0x7c: {  	_ =	swait.ge @!p3 [sflag:s6], $0x2000  }
0x7d: {  	[sflag:s6] =	ssyncset.done @!p3 $0x0  }
0x7e: {  	s11 =	sadd.s32 $0x300, s0;
	[sflag:s6] =	ssyncadd.s32 @!p3 $0xFFFFE000  }
0x7f: {  	[tilespmem:s31], [sflag:$0x7] =	stream.indirect.gather [hbm4b:s4+s16], $0x40, s11, s16, $0xb8;
	[tilespmem:$0x1F000] =	vst v63  }
0x80: {  	_ =	swait.ge [sflag:s1], $0x2000  }
0x81: {  	[sflag:s1] =	ssyncset.done $0x0  }
0x82: {  	s12 =	sadd.s32 $0x2980, s0;
	s6 =	simm.s32 @!p3 $0x10;
	[sflag:s1] =	ssyncadd.s32 $0xFFFFE000  }
0x83: {  	[spmem:s2] =	stream.indirect.scatter.add.f32 [tilespmem:s22], [sflag:$0xC], $0x40, s12, s16, $0xb8;
	[tilespmem:$0x1F000] =	vst v63  }
0x84: {  	_ =	swait.ge @!p3 [sflag:s6], $0x2000  }
0x85: {  	[sflag:s6] =	ssyncset.done @!p3 $0x0  }
0x86: {  	s8 =	sadd.s32 $0x380, s0;
	[sflag:s6] =	ssyncadd.s32 @!p3 $0xFFFFE000  }
0x87: {  	[tilespmem:s15], [sflag:$0x8] =	stream.indirect.gather [hbm4b:s4+s16], $0x40, s8, s16, $0xb8;
	[tilespmem:$0x1F000] =	vst v63  }
0x88: {  	_ =	swait.ge [sflag:s19], $0x2000  }
0x89: {  	p3 =	seq.s32 s3, $0x9000;
	[sflag:s19] =	ssyncset.done $0x0  }
0x8a: {  	s11 =	sadd.s32 $0x2A00, s0;
	s6 =	simm.s32 @p3 $0x6;
	[sflag:s19] =	ssyncadd.s32 $0xFFFFE000  }
0x8b: {  	[spmem:s2] =	stream.indirect.scatter.add.f32 [tilespmem:s26], [sflag:$0xD], $0x40, s11, s16, $0xb8;
	[tilespmem:$0x1F000] =	vst v63  }
0x8c: {  	_ =	swait.ge @p3 [sflag:s6], $0x2000  }
0x8d: {  	[sflag:s6] =	ssyncset.done @p3 $0x0  }
0x8e: {  	[sflag:s6] =	ssyncadd.s32 @p3 $0xFFFFE000;
	s6 =	sshra.s32 @p3 s3, $0x2  }
0x8f: {  	s8 =	simm.s32 @p3 $0x80;
	s11 =	simm.s32 @p3 $0xF000;
	s6 =	sadd.s32 @p3 $0x2A80, s6  }
0x90: {  	[spmem:s2] =	stream.indirect.scatter.add.f32 @p3 [tilespmem:s11], [sflag:$0xE], $0x40, s6, s8, $0xb8;
	[tilespmem:$0x1F000] =	vst v63  }
0x91: {  	s6 =	simm.s32 @!p3 $0x9  }
0x92: {  	_ =	swait.ge @!p3 [sflag:s6], $0x2000  }
0x93: {  	[sflag:s6] =	ssyncset.done @!p3 $0x0  }
0x94: {  	[sflag:s6] =	ssyncadd.s32 @!p3 $0xFFFFE000;
	s6 =	sshra.s32 @!p3 s3, $0x2  }
0x95: {  	s12 =	simm.s32 @!p3 $0x5000;
	s11 =	simm.s32 @!p3 $0x80;
	s8 =	sadd.s32 @!p3 $0x400, s6  }
0x96: {  	[tilespmem:s12], [sflag:$0x1] =	stream.indirect.gather @!p3 [hbm4b:s4+s11], $0x40, s8, s11, $0xb8;
	[tilespmem:$0x1F000] =	vst v63  }
0x97: {  	s8 =	simm.s32 @!p3 $0x6  }
0x98: {  	_ =	swait.ge @!p3 [sflag:s8], $0x2000  }
0x99: {  	[sflag:s8] =	ssyncset.done @!p3 $0x0  }
0x9a: {  	s12 =	simm.s32 @!p3 $0xF000;
	[sflag:s8] =	ssyncadd.s32 @!p3 $0xFFFFE000;
	s8 =	sadd.s32 @!p3 $0x2A80, s6  }
0x9b: {  	[spmem:s2] =	stream.indirect.scatter.add.f32 @!p3 [tilespmem:s12], [sflag:$0xE], $0x40, s8, s11, $0xb8;
	[tilespmem:$0x1F000] =	vst v63  }
0x9c: {  	s8 =	simm.s32 @!p3 $0xA  }
0x9d: {  	_ =	swait.ge @!p3 [sflag:s8], $0x2000  }
0x9e: {  	[sflag:s8] =	ssyncset.done @!p3 $0x0  }
0x9f: {  	s6 =	sadd.s32 @!p3 $0x480, s6;
	[sflag:s8] =	ssyncadd.s32 @!p3 $0xFFFFE000;
	s8 =	simm.s32 @!p3 $0x7000  }
0xa0: {  	[tilespmem:s8], [sflag:$0x2] =	stream.indirect.gather @!p3 [hbm4b:s4+s11], $0x40, s6, s11, $0xb8;
	[tilespmem:$0x1F000] =	vst v63  }
.Ltmp2:
0xa1: {  	_ = 	snop;
	(pc) =	sbr.rel @p3 .LBB2_4-.Ltmp2, $4  }
0xa2: {  	_ =	swait.ge [sflag:s21], $0x2000  }
0xa3: {  	[sflag:s21] =	ssyncset.done $0x0  }
0xa4: {  	s12 =	sadd.s32 $0x2B00, s0;
	s6 =	sadd.s32 $0x2B80, s0;
	[sflag:s21] =	ssyncadd.s32 $0xFFFFE000  }
0xa5: {  	[spmem:s2] =	stream.indirect.scatter.add.f32 [tilespmem:s31], [sflag:$0xF], $0x40, s12, s16, $0xb8;
	[tilespmem:$0x1F000] =	vst v63  }
0xa6: {  	_ =	swait.ge [sflag:s9], $0x2000  }
0xa7: {  	[sflag:s9] =	ssyncset.done $0x0  }
0xa8: {  	s8 =	sadd.s32 $0x500, s0;
	[sflag:s9] =	ssyncadd.s32 $0xFFFFE000  }
0xa9: {  	[tilespmem:s20], [sflag:$0x3] =	stream.indirect.gather [hbm4b:s4+s16], $0x40, s8, s16, $0xb8;
	[tilespmem:$0x1F000] =	vst v63  }
0xaa: {  	_ =	swait.ge [sflag:s5], $0x2000  }
0xab: {  	[sflag:s5] =	ssyncset.done $0x0  }
0xac: {  	[sflag:s5] =	ssyncadd.s32 $0xFFFFE000  }
0xad: {  	[spmem:s2] =	stream.indirect.scatter.add.f32 [tilespmem:s15], [sflag:$0x10], $0x40, s6, s16, $0xb8;
	[tilespmem:$0x1F000] =	vst v63  }
.Ltmp3:
0xae: {  	_ = 	snop;
	(pc) =	sbr.rel .LBB2_2-.Ltmp3, $4  }
0xaf: {  	_ =	swait.ge [sflag:s10], $0x2000  }
0xb0: {  	[sflag:s10] =	ssyncset.done $0x0  }
0xb1: {  	s12 =	sadd.s32 $0x580, s0;
	s3 =	sadd.s32 $0x1000, s3;
	[sflag:s10] =	ssyncadd.s32 $0xFFFFE000  }
0xb2: {  	[tilespmem:s22], [sflag:$0x4] =	stream.indirect.gather [hbm4b:s4+s16], $0x40, s12, s16, $0xb8;
	[tilespmem:$0x1F000] =	vst v63  }
.LBB2_5:
0xb3: {  	_ =	sfence.sel $0x180000  }
0xb4: {  	[bflag:$0x0] =	sbarrier.arrive $0xFFFF  }
0xb5: {  	_ =	strace $0x9000004A  }
0xb6: {  	[bflag:$0x2] =	sbarrier.arrive $0xFFFF  }
0xb7: {  	p0 =	sne.s32 s11, $0x0;
	s0 =	rddreg [dreg:$0x2]  }
0xb8: {  	s0 =	sadd.s32 @!p0 $0x100000, s0  }
0xb9: {  	[sflag:s0] =	ssyncadd.tile.s32 @!p0 $0x1;
	_ =	shalt  }
.Lfunc_end2:
_tile_overlayer_lowered:
.L_overlay_start_2:
0xba: {  	(tag) =	ssettag $0x2  }
0xbb: {  	s0 =	rddreg [dreg:$0x0];
	s2 =	stileid.u32  }
0xbc: {  	s1 =	rddreg [dreg:$0x1];
	p0 =	sne.s32 s2, $0x0  }
0xbd: {  	s3 =	rddreg [dreg:$0x2];
	[bflag:$0x3] =	sbarrier.arrive $0xFFFF;
	s2 =	simm.s32 @!p0 $0x1C11  }
0xbe: {  	[timem:s3], [sflag:s2] =	dma.local @!p0 [hbm:s0], s1  }
0xbf: {  	s0 =	simm.s32 @!p0 $0x11  }
0xc0: {  	_ =	swait.ge @!p0 [sflag:s0], s1  }
0xc1: {  	s1 =	ssub.s32 @!p0 $0x0, s1;
	[sflag:s0] =	ssyncset.done @!p0 $0x0  }
0xc2: {  	[sflag:s0] =	ssyncadd.s32 @!p0 s1  }
0xc3: {  	[bflag:$0x3] =	sbarrier.arrive $0xFFFF  }
0xc4: {  	_ =	shalt  }

// kernel: kernel.7.cloned.1.call-start
scs
__scs_entry_jumppad:
0x0: {  	(pc) =	sbr.rel $0x88, $3  }
0x1: {  	(tag) =	ssettag $0x0;
	lr =	simm.s32 $0x1  }
0x2: {  	[smem:$0x3F8E] =	sst lr;
	_ =	strace $0xD0000000  }
0x3: {  	_ = 	snop  }
0x4: {  	_ = 	snop  }
0x5: {  	_ = 	snop  }
0x6: {  	_ = 	snop  }
0x7: {  	_ = 	snop  }
__scs_overlays_trampoline_lowered:
0x8: {  	[smem:$0x3F9D] =	sst s0  }
0x9: {  	[smem:$0x3F9E] =	sst s1  }
0xa: {  	[smem:$0x3F9F] =	sst s2  }
0xb: {  	[smem:$0x3FA0] =	sst s3  }
0xc: {  	[smem:$0x3FA1] =	sst s4  }
0xd: {  	[smem:$0x3FA2] =	sst s5  }
0xe: {  	[smem:$0x3FA3] =	sst s6  }
0xf: {  	[smem:$0x3FA4] =	sst s7  }
0x10: {  	[smem:$0x3FA5] =	sst s8  }
0x11: {  	[smem:$0x3FA6] =	sst s9;
	s0 =	simm.s32 @!p0 $0x0  }
0x12: {  	s1 =	sld [smem:$0x3F8C];
	s0 =	simm.s32 @p0 $0x1  }
0x13: {  	[smem:$0x3FA7] =	sst s0;
	s0 =	simm.s32 @!p1 $0x0  }
0x14: {  	s2 =	sld [smem:$0x3F8B];
	s0 =	simm.s32 @p1 $0x1  }
0x15: {  	[smem:$0x3FA8] =	sst s0;
	s0 =	simm.s32 @!p2 $0x0  }
0x16: {  	s3 =	sld [smem:$0x3FDB];
	s0 =	simm.s32 @p2 $0x1  }
0x17: {  	s4 =	simm.s32 $0x1BF5;
	[smem:$0x3FAA] =	sst s0  }
0x18: {  	s0 =	sld [smem:$0x3F8D];
	_ =	swait.ge [sflag:s4], $0x0  }
0x19: {  	s7 =	sld [smem:$0x3F8E]  }
0x1a: {  	s8 =	sadd.s32 $0xFFFFE003, lr  }
0x1b: {  	s9 =	sadd.s32 $0xFFFFFEF7, lr;
	s5 =	simm.s32 $0xFFFFFFFF;
	p2 =	slt.u32 s8, $0xFFFFF086  }
0x1c: {  	p1 =	slt.u32 s9, $0xF7A;
	s5 =	simm.s32 @!p2 $0x0  }
0x1d: {  	s5 =	simm.s32 @p1 $0x1;
	p0 =	seq.s32 s7, s2  }
0x1e: {  	s7 =	smul.u32 @!p0 $0xF7A, s2;
	p2 =	seq.s32 @!p0 s5, $0x0  }
0x1f: {  	s9 =	smul.u32 $0xF7A, s1;
	s8 =	simm.s32 @!p0 $0x1BF5;
	p2 =	por !p2, p0  }
0x20: {  	[sflag:s8] =	ssyncset.s32 @!p0 $0xFFFFF086;
	s6 =	sadd.s32 @!p0 s3, s7;
	s7 =	simm.s32 @!p0 $0x108  }
0x21: {  	s3 =	sadd.s32 s3, s9;
	s6 =	sadd.s32 @!p0 $0x88, s6;
	s7 =	simm.s32 @p2 $0x1082  }
0x22: {  	[simem:s7], [sflag:s8] =	dma.local @!p0 [hbm:s6], $0xF7A  }
0x23: {  	s9 =	sor.u32 $0xD0000000, s2;
	s6 =	simm.s32 $0x108;
	_ =	swait.ge @!p0 [sflag:s8], $0x0  }
0x24: {  	s3 =	sadd.s32 $0x88, s3;
	s6 =	simm.s32 @!p1 $0x1082;
	[sflag:s4] =	ssyncset.s32 $0xFFFFF086  }
0x25: {  	[simem:s6], [sflag:s4] =	dma.local [hbm:s3], $0xF7A  }
0x26: {  	[smem:$0x3F8E] =	sst s1;
	(tag) =	ssettag s2;
	_ =	strace s9  }
0x27: {  	s1 =	sld [smem:$0x3F9E]  }
0x28: {  	s2 =	sld [smem:$0x3F9F]  }
0x29: {  	s4 =	sld [smem:$0x3FA1]  }
0x2a: {  	p0 =	seq.s32 s5, $0x0;
	s5 =	sld [smem:$0x3FA2]  }
0x2b: {  	s6 =	sld [smem:$0x3FA3]  }
0x2c: {  	s7 =	sld [smem:$0x3FA4]  }
0x2d: {  	s3 =	simm.s32 $0x108;
	s8 =	sld [smem:$0x3FA5]  }
0x2e: {  	s3 =	simm.s32 @!p0 $0x1082;
	s9 =	sld [smem:$0x3FA6]  }
0x2f: {  	lr =	sadd.s32 s0, s3;
	s0 =	sld [smem:$0x3F9D]  }
0x30: {  	s3 =	sld [smem:$0x3FA0]  }
0x31: {  	[smem:$0x3FA9] =	sst s10  }
0x32: {  	s10 =	sld [smem:$0x3FA7];
	_ =	sdelay $0x3  }
0x33: {  	p0 =	seq.s32 s10, $0x1;
	s10 =	sld [smem:$0x3FA9];
	_ =	sdelay $0x3  }
0x34: {  	[smem:$0x3FA9] =	sst s10  }
0x35: {  	s10 =	sld [smem:$0x3FA8];
	_ =	sdelay $0x3  }
0x36: {  	p1 =	seq.s32 s10, $0x1;
	s10 =	sld [smem:$0x3FA9];
	_ =	sdelay $0x3  }
0x37: {  	[smem:$0x3FA9] =	sst s10  }
0x38: {  	s10 =	sld [smem:$0x3FAA]  }
0x39: {  	_ = 	snop;
	(pc) =	sbr.ind lr, $3  }
0x3a: {  	_ = 	snop  }
0x3b: {  	_ = 	snop  }
0x3c: {  	p2 =	seq.s32 s10, $0x1;
	s10 =	sld [smem:$0x3FA9]  }
0x3d: {  	_ =	shalt  }
0x3e: {  	_ =	shalt  }
0x3f: {  	_ =	shalt  }
0x40: {  	_ =	shalt  }
0x41: {  	_ =	shalt  }
0x42: {  	_ =	shalt  }
0x43: {  	_ =	shalt  }
0x44: {  	_ =	shalt  }
0x45: {  	_ =	shalt  }
0x46: {  	_ =	shalt  }
0x47: {  	_ =	shalt  }
0x48: {  	_ =	shalt  }
0x49: {  	_ =	shalt  }
0x4a: {  	_ =	shalt  }
0x4b: {  	_ =	shalt  }
0x4c: {  	_ =	shalt  }
0x4d: {  	_ =	shalt  }
0x4e: {  	_ =	shalt  }
0x4f: {  	_ =	shalt  }
0x50: {  	_ =	shalt  }
0x51: {  	_ =	shalt  }
0x52: {  	_ =	shalt  }
0x53: {  	_ =	shalt  }
0x54: {  	_ =	shalt  }
0x55: {  	_ =	shalt  }
0x56: {  	_ =	shalt  }
0x57: {  	_ =	shalt  }
0x58: {  	_ =	shalt  }
0x59: {  	_ =	shalt  }
0x5a: {  	_ =	shalt  }
0x5b: {  	_ =	shalt  }
0x5c: {  	_ =	shalt  }
0x5d: {  	_ =	shalt  }
0x5e: {  	_ =	shalt  }
0x5f: {  	_ =	shalt  }
0x60: {  	_ =	shalt  }
0x61: {  	_ =	shalt  }
0x62: {  	_ =	shalt  }
0x63: {  	_ =	shalt  }
0x64: {  	_ =	shalt  }
0x65: {  	_ =	shalt  }
0x66: {  	_ =	shalt  }
0x67: {  	_ =	shalt  }
0x68: {  	_ =	shalt  }
0x69: {  	_ =	shalt  }
0x6a: {  	_ =	shalt  }
0x6b: {  	_ =	shalt  }
0x6c: {  	_ =	shalt  }
0x6d: {  	_ =	shalt  }
0x6e: {  	_ =	shalt  }
0x6f: {  	_ =	shalt  }
0x70: {  	_ =	shalt  }
0x71: {  	_ =	shalt  }
0x72: {  	_ =	shalt  }
0x73: {  	_ =	shalt  }
0x74: {  	_ =	shalt  }
0x75: {  	_ =	shalt  }
0x76: {  	_ =	shalt  }
0x77: {  	_ =	shalt  }
0x78: {  	_ =	shalt  }
0x79: {  	_ =	shalt  }
0x7a: {  	_ =	shalt  }
0x7b: {  	_ =	shalt  }
0x7c: {  	_ =	shalt  }
0x7d: {  	_ =	shalt  }
0x7e: {  	_ =	shalt  }
0x7f: {  	_ =	shalt  }
0x80: {  	_ =	shalt  }
0x81: {  	_ =	shalt  }
0x82: {  	_ =	shalt  }
0x83: {  	_ =	shalt  }
0x84: {  	_ =	shalt  }
0x85: {  	_ =	shalt  }
0x86: {  	_ =	shalt  }
0x87: {  	_ =	shalt  }
.Lfunc_end0:
.L_simem_size_0:
called_computation_lowered:
.L_overlay_start_0:
0x88: {  	s2 =	sld [smem:$0x3FD9]  }
0x89: {  	s3 =	sld [smem:$0x3FFE];
	_ =	sdelay $0x1  }
0x8a: {  	s1 =	srdreg.scid  }
0x8b: {  	s0 =	sand.u32 $0x1, s1  }
0x8c: {  	s16 =	sshll.u32 s0, $0xA;
	s2 =	sadd.s32 s3, s2  }
0x8d: {  	s2 =	sadd.s32 s2, s16  }
0x8e: {  	[smem:$0x3FB5] =	sst s2  }
0x8f: {  	_ = 	snop  }
0x90: {  	(tm) =	ssettm $0x1  }
0x91: {  	s17 =	sld [smem:$0x3FFB];
	_ =	sdelay $0x3  }
0x92: {  	_ =	strace s17  }
0x93: {  	s2 =	sld [smem:$0x3FFC];
	_ =	sdelay $0x3  }
0x94: {  	_ =	strace s2  }
0x95: {  	s2 =	sld [smem:$0x3FFD];
	_ =	sdelay $0x3  }
0x96: {  	_ =	strace s2  }
0x97: {  	_ =	strace $0x8FFFFFFF  }
0x98: {  	s18 =	sld [smem:$0x3FDB];
	_ =	sdelay $0x1  }
0x99: {  	s19 =	simm.s32 $_scs_section_size  }
0x9a: {  	s4 =	simm.s32 $_size__tile_overlayer_lowered;
	s5 =	simm.s32 $_tile_overlayer_lowered  }
0x9b: {  	s22 =	simm.s32 $0x1BFF;
	s21 =	sshll.u32 s5, $0x1;
	s2 =	sadd.s32 s19, s18  }
0x9c: {  	s6 =	simm.s32 $0x0;
	s20 =	sshll.u32 s4, $0x1;
	s4 =	sadd.s32 s21, s2  }
0x9d: {  	[timem:s6], [sflag:s22] =	dma.local [hbm:s4], s20  }
0x9e: {  	_ =	swait.ge [sflag:s22], s20  }
0x9f: {  	s3 =	ssub.s32 $0x0, s20;
	[sflag:s22] =	ssyncset.done $0x0  }
0xa0: {  	[sflag:s22] =	ssyncadd.s32 s3;
	_ =	sdelay $0x1  }
0xa1: {  	s23 =	simm.s32 $0x1B8B  }
0xa2: {  	_ =	swait.ge [sflag:s23], $0x1  }
0xa3: {  	[sflag:s23] =	ssyncset.done $0x0  }
0xa4: {  	s25 =	simm.s32 $0x1B8E;
	s24 =	sld [smem:$0x3FFE];
	[sflag:s23] =	ssyncadd.s32 $0xFFFFFFFF  }
0xa5: {  	s26 =	simm.s32 $execute0_lowered;
	[smem:$0x3FD2] =	sst s25  }
0xa6: {  	s4 =	sshll.u32 s26, $0x1;
	_ =	strace $0x80000046;
	[dreg:$0x1] =	wrdreg $0xFFFFFFFF  }
0xa7: {  	s28 =	simm.s32 $_size_execute0_lowered;
	s2 =	sadd.s32 s2, s4;
	[dreg:$0x0] =	wrdreg $0x0  }
0xa8: {  	s4 =	sshll.u32 s28, $0x1;
	[dreg:$0x2] =	wrdreg s2  }
0xa9: {  	[dreg:$0x3] =	wrdreg s4  }
0xaa: {  	[dreg:$0x4] =	wrdreg $0xC0  }
0xab: {  	_ =	task [dreg:s6], $0x5FFFF  }
0xac: {  	[dreg:$0x1] =	wrdreg $0xFFFFFFFF  }
0xad: {  	[dreg:$0x0] =	wrdreg $0x60  }
0xae: {  	[dreg:$0x2] =	wrdreg s24  }
0xaf: {  	[dreg:$0x3] =	wrdreg $0x150000  }
0xb0: {  	[dreg:$0x4] =	wrdreg $0x9  }
0xb1: {  	_ =	task.clear_ibuf [dreg:s6], $0x5FFFF;
	_ =	strace $0x90000046  }
0xb2: {  	s29 =	simm.s32 $0x9;
	_ =	strace $0x80000048  }
0xb3: {  	_ =	swait.ge [sflag:s29], $0x1  }
0xb4: {  	[sflag:s29] =	ssyncadd.s32 $0xFFFFFFFF  }
0xb5: {  	_ =	strace $0x90000048  }
0xb6: {  	_ =	sfence  }
0xb7: {  	s30 =	sld [smem:$0x0];
	_ =	sdelay $0x2  }
0xb8: {  	s31 =	sshll.u32 s1, $0xD;
	s1 =	sshrl.u32 s1, $0x2  }
0xb9: {  	s3 =	sand.u32 $0x4000, s31;
	s1 =	sadd.s32 s1, s30  }
0xba: {  	s0 =	sor.u32 s3, s0;
	s1 =	sshll.u32 s1, $0x11  }
0xbb: {  	s0 =	sor.u32 s1, s0  }
0xbc: {  	s0 =	sadd.s32 $0x8F2B, s0  }
0xbd: {  	[sflag:s0] =	ssyncadd.remote.s32 $0x1  }
0xbe: {  	_ =	sfence.sel $0xFFFF  }
0xbf: {  	[dreg:$0x0] =	wrdreg $0xFFFFFFFF;
	(pc) =	sbr.abs _section_cstart, $3  }
0xc0: {  	[dreg:$0x1] =	wrdreg $0xFFFFFFFF  }
0xc1: {  	_ =	task.clear_ibuf [dreg:s6], $0x2FFFF;
	_ =	strace $0x9FFFFFFF  }
0xc2: {  	(tm) =	ssettm $0x7FFFFFFF  }
0xc3: {  	_ =	shalt  }
tec
execute0_lowered:
.L_overlay_start_1:
0x0: {  	(tag) =	ssettag $0x1  }
0x1: {  	s0 =	srdreg.scid  }
0x2: {  	s11 =	stileid.u32;
	s3 =	rddreg [dreg:$0x0]  }
0x3: {  	s2 =	rddreg [dreg:$0x1];
	s4 =	simm.s32 $0x0;
	s14 =	simm.s32 $0x11  }
0x4: {  	s16 =	simm.s32 $0x80;
	s17 =	simm.s32 $0x5000;
	s18 =	simm.s32 $0x7000  }
0x5: {  	s20 =	simm.s32 $0x9000;
	s28 =	simm.s32 $0x2;
	s29 =	simm.s32 $0xF000  }
0x6: {  	s30 =	simm.s32 $0x3;
	s31 =	simm.s32 $0x11000;
	s15 =	simm.s32 $0x13000  }
0x7: {  	s19 =	simm.s32 $0x5;
	s13 =	simm.s32 $0xF;
	s0 =	sand.u32 $0x1, s0  }
0x8: {  	s5 =	smul.u32 $0xA000, s11;
	[smem:$0x7FF] =	sst s4;
	s4 =	sadd.s32 $0x2800, s3  }
0x9: {  	p1 =	sne.s32 s11, $0xF;
	p2 =	seq.s32 s11, $0xF;
	s23 =	sadd.s32 $0x15400, s3  }
0xa: {  	s1 =	sshll.u32 s0, $0x4;
	s6 =	smul.u32 $0xA0000, s0;
	_ =	strace $0x80000047  }
0xb: {  	s7 =	ssub.s32 $0x2, s0;
	p0 =	seq.s32 s0, $0x0;
	[dreg:$0x6] =	wrdreg s23  }
0xc: {  	s23 =	simm.s32 $0x10;
	s1 =	sor.u32 s11, s1;
	s8 =	sshrl.u32 s5, $0x3  }
0xd: {  	s9 =	sshrl.u32 s7, $0x1;
	p1 =	por !p0, !p1;
	p2 =	por !p0, !p2  }
0xe: {  	s1 =	smul.u32 $0x500, s1;
	s6 =	sadd.s32 s5, s6;
	s10 =	sadd.s32 s8, s3  }
0xf: {  	s9 =	ssub.s32 s7, s9;
	p0 =	por !p1, !p1;
	p1 =	por !p2, !p2  }
0x10: {  	s7 =	sadd.s32 s5, s2;
	s5 =	sadd.s32 $0x9C400, s2;
	s24 =	sadd.s32 s4, s8  }
0x11: {  	s6 =	sshrl.u32 s6, $0x3;
	s22 =	sadd.s32 $0x2A200, s10;
	[dreg:$0x8] =	wrdreg s24  }
0x12: {  	s26 =	smax.u32 s9, $0x1;
	p2 =	por p1, p0;
	s9 =	simm.s32 $0xB  }
0x13: {  	s10 =	simm.s32 $0xC;
	s24 =	simm.s32 $0x0;
	s1 =	sadd.s32 s1, s3  }
0x14: {  	s6 =	sadd.s32 s6, s3;
	[dreg:$0x5] =	wrdreg s22;
	s3 =	sadd.s32 $0x3DA80, s3  }
0x15: {  	[dreg:$0xa] =	wrdreg s26;
	p2 =	seq.s32 @!p2 s0, $0x0;
	s22 =	simm.s32 $0xB000  }
0x16: {  	s26 =	simm.s32 $0xD000;
	s21 =	sadd.s32 $0x16200, s1;
	[dreg:$0x7] =	wrdreg s3  }
0x17: {  	s1 =	sadd.s32 $0x20200, s1;
	s25 =	sadd.s32 $0x3E200, s6;
	[dreg:$0x3] =	wrdreg s21  }
.Ltmp0:
0x18: {  	p2 =	por @!p0 p2, p1;
	[dreg:$0x4] =	wrdreg s1;
	(pc) =	sbr.rel .LBB2_1-.Ltmp0, $4  }
0x19: {  	p1 =	por !p1, p0;
	s1 =	sadd.s32 $0x96000, s2;
	[dreg:$0x9] =	wrdreg s25  }
0x1a: {  	p2 =	por p2, p0;
	s25 =	simm.s32 $0x1;
	s0 =	sshrl.u32 @!p1 s1, $0x3  }
0x1b: {  	s21 =	simm.s32 $0x7;
	[dreg:$0xb] =	wrdreg s0;
	s0 =	sshrl.u32 @!p1 s5, $0x3  }
0x1c: {  	s1 =	simm.s32 $0x4;
	s5 =	simm.s32 $0x8;
	[dreg:$0xc] =	wrdreg s0  }
.LBB2_4:
0x1d: {  	_ =	swait.ge [sflag:s5], $0x2000  }
0x1e: {  	[sflag:s5] =	ssyncset.done $0x0  }
0x1f: {  	s0 =	simm.s32 $0x9;
	[sflag:s5] =	ssyncadd.s32 $0xFFFFE000  }
0x20: {  	[spmem:s2] =	stream.indirect.scatter.add.f32 [tilespmem:s15], [sflag:$0x10], $0x40, s6, s16, $0xb8;
	[tilespmem:$0x1F000] =	vst v63  }
0x21: {  	_ =	swait.ge [sflag:s0], $0x2000  }
0x22: {  	[sflag:s0] =	ssyncset.done $0x0  }
0x23: {  	s11 =	simm.s32 $0xA;
	[sflag:s0] =	ssyncadd.s32 $0xFFFFE000  }
0x24: {  	_ =	swait.ge [sflag:s11], $0x2000  }
0x25: {  	[sflag:s11] =	ssyncset.done $0x0  }
0x26: {  	[sflag:s11] =	ssyncadd.s32 $0xFFFFE000  }
0x27: {  	_ =	swait.ge [sflag:s9], $0x2000  }
0x28: {  	[sflag:s9] =	ssyncset.done $0x0  }
0x29: {  	[sflag:s9] =	ssyncadd.s32 $0xFFFFE000  }
0x2a: {  	_ =	swait.ge [sflag:s10], $0x2000  }
0x2b: {  	[sflag:s10] =	ssyncset.done $0x0  }
0x2c: {  	s12 =	simm.s32 $0xD;
	[sflag:s10] =	ssyncadd.s32 $0xFFFFE000  }
0x2d: {  	_ =	swait.ge [sflag:s12], $0x2000  }
0x2e: {  	[sflag:s12] =	ssyncset.done $0x0  }
0x2f: {  	s3 =	simm.s32 $0xE;
	[sflag:s12] =	ssyncadd.s32 $0xFFFFE000  }
0x30: {  	_ =	swait.ge [sflag:s3], $0x2000  }
0x31: {  	[sflag:s3] =	ssyncset.done $0x0  }
0x32: {  	[sflag:s3] =	ssyncadd.s32 $0xFFFFE000  }
0x33: {  	_ =	swait.ge [sflag:s13], $0x2000  }
0x34: {  	[sflag:s13] =	ssyncset.done $0x0  }
0x35: {  	[sflag:s13] =	ssyncadd.s32 $0xFFFFE000  }
0x36: {  	_ =	swait.ge [sflag:s23], $0x2000  }
0x37: {  	[sflag:s23] =	ssyncset.done $0x0  }
0x38: {  	s11 =	stileid.u32;
	[sflag:s23] =	ssyncadd.s32 $0xFFFFE000  }
0x39: {  	s6 =	sshll.u32 s11, $0x6;
	[bflag:$0x0] =	sbarrier.arrive $0xFFFF  }
0x3a: {  	s0 =	sor.u32 $0x1C11, s6;
	s3 =	sshrl.u32 s7, $0x3;
	s8 =	rddreg [dreg:$0x9]  }
0x3b: {  	[hbm:s8], [sflag:s0] =	dma.local [spmem:s3], $0x1400  }
0x3c: {  	_ =	swait.ge [sflag:s14], $0x1400  }
0x3d: {  	s24 =	sadd.s32 $0x1, s24;
	s12 =	rddreg [dreg:$0xa]  }
0x3e: {  	p3 =	sne.s32 s24, s12  }
.Ltmp1:
0x3f: {  	_ = 	snop;
	(pc) =	sbr.rel @!p3 .LBB2_5-.Ltmp1, $3  }
0x40: {  	_ =	sdelay $0x1  }
0x41: {  	[sflag:s14] =	ssyncset.done $0x0  }
0x42: {  	[sflag:s14] =	ssyncadd.s32 $0xFFFFEC00  }
.LBB2_1:
0x43: {  	s0 =	simm.s32 $0x0;
	s3 =	rddreg [dreg:$0x3]  }
0x44: {  	[tilespmem:s0], [sflag:$0x11] =	stream.linear.gather [hbm4b:s3+s0], $0x2800, $0x38;
	[tilespmem:$0x1F000] =	vst v63  }
0x45: {  	_ =	swait.ge [sflag:s14], $0x2800  }
0x46: {  	[sflag:s14] =	ssyncset.done $0x0  }
0x47: {  	s6 =	simm.s32 $0x2800;
	s12 =	rddreg [dreg:$0x4];
	[sflag:s14] =	ssyncadd.s32 $0xFFFFD800  }
0x48: {  	[tilespmem:s6], [sflag:$0x11] =	stream.linear.gather [hbm4b:s12+s0], $0x2800, $0x38;
	[tilespmem:$0x1F000] =	vst v63  }
0x49: {  	_ =	swait.ge [sflag:s14], $0x2800  }
0x4a: {  	[sflag:s14] =	ssyncset.done $0x0  }
0x4b: {  	[sflag:s14] =	ssyncadd.s32 $0xFFFFD800  }
0x4c: {  	[tilespmem:s17], [sflag:$0x1] =	stream.indirect.gather [hbm4b:s4+s16], $0x40, s0, s16, $0xb8;
	[tilespmem:$0x1F000] =	vst v63  }
0x4d: {  	_ = 	snop  }
0x4e: {  	[tilespmem:s18], [sflag:$0x2] =	stream.indirect.gather [hbm4b:s4+s16], $0x40, s16, s16, $0xb8;
	[tilespmem:$0x1F000] =	vst v63  }
0x4f: {  	s8 =	simm.s32 $0x100;
	s3 =	sshrl.u32 @!p2 s7, $0x3;
	s0 =	sshll.u32 @!p2 s11, $0x6  }
0x50: {  	[tilespmem:s20], [sflag:$0x3] =	stream.indirect.gather [hbm4b:s4+s16], $0x40, s8, s16, $0xb8;
	[tilespmem:$0x1F000] =	vst v63  }
0x51: {  	s12 =	simm.s32 $0x180;
	s6 =	rddreg [dreg:$0x5];
	s0 =	sor.u32 @!p2 $0x1C11, s0  }
0x52: {  	[tilespmem:s22], [sflag:$0x4] =	stream.indirect.gather [hbm4b:s4+s16], $0x40, s12, s16, $0xb8;
	[tilespmem:$0x1F000] =	vst v63  }
0x53: {  	[spmem:s3], [sflag:s0] =	dma.local @!p2 [hbm:s6], $0x1400  }
0x54: {  	s0 =	simm.s32 @!p2 $0x11  }
0x55: {  	_ =	swait.ge @!p2 [sflag:s0], $0x1400  }
0x56: {  	[sflag:s0] =	ssyncset.done @!p2 $0x0;
	s3 =	rddreg [dreg:$0x6]  }
0x57: {  	s6 =	rddreg [dreg:$0xb];
	[sflag:s0] =	ssyncadd.s32 @!p2 $0xFFFFEC00;
	s0 =	simm.s32 @!p1 $0x1FD1  }
0x58: {  	[spmem:s6], [sflag:s0] =	dma.local @!p1 [hbm:s3], $0xC80  }
0x59: {  	s3 =	simm.s32 @!p1 $0x11  }
0x5a: {  	_ =	swait.ge @!p1 [sflag:s3], $0xC80  }
0x5b: {  	[sflag:s3] =	ssyncset.done @!p1 $0x0;
	s6 =	rddreg [dreg:$0x7]  }
0x5c: {  	s8 =	rddreg [dreg:$0xc];
	[sflag:s3] =	ssyncadd.s32 @!p1 $0xFFFFF380  }
0x5d: {  	[spmem:s8], [sflag:s0] =	dma.local @!p1 [hbm:s6], $0x780  }
0x5e: {  	s0 =	sshll.u32 @p0 s11, $0x6;
	_ =	swait.ge @!p1 [sflag:s3], $0x780  }
0x5f: {  	s0 =	sor.u32 @p0 $0x1C11, s0;
	[sflag:s3] =	ssyncset.done @!p1 $0x0  }
0x60: {  	s6 =	rddreg [dreg:$0x8];
	[sflag:s3] =	ssyncadd.s32 @!p1 $0xFFFFF880;
	s3 =	sshrl.u32 @p0 s7, $0x3  }
0x61: {  	[spmem:s3], [sflag:s0] =	dma.local @p0 [hbm:s6], $0x1400  }
0x62: {  	s0 =	simm.s32 @p0 $0x11  }
0x63: {  	_ =	swait.ge @p0 [sflag:s0], $0x1400  }
0x64: {  	[sflag:s0] =	ssyncset.done @p0 $0x0  }
0x65: {  	[sflag:s0] =	ssyncadd.s32 @p0 $0xFFFFEC00  }
0x66: {  	s3 =	simm.s32 $0x0;
	[bflag:$0x0] =	sbarrier.arrive $0xFFFF  }
.LBB2_2:
0x67: {  	_ =	swait.ge [sflag:s25], $0x2000  }
0x68: {  	s0 =	sshra.s32 s3, $0x2;
	[sflag:s25] =	ssyncset.done $0x0  }
0x69: {  	p3 =	seq.s32 s3, $0x0;
	s6 =	sadd.s32 $0x2800, s0;
	[sflag:s25] =	ssyncadd.s32 $0xFFFFE000  }
0x6a: {  	[spmem:s2] =	stream.indirect.scatter.add.f32 [tilespmem:s17], [sflag:$0x9], $0x40, s6, s16, $0xb8;
	[tilespmem:$0x1F000] =	vst v63  }
0x6b: {  	s6 =	simm.s32 @!p3 $0xD  }
0x6c: {  	_ =	swait.ge @!p3 [sflag:s6], $0x2000  }
0x6d: {  	[sflag:s6] =	ssyncset.done @!p3 $0x0  }
0x6e: {  	s8 =	sadd.s32 $0x200, s0;
	[sflag:s6] =	ssyncadd.s32 @!p3 $0xFFFFE000  }
0x6f: {  	[tilespmem:s26], [sflag:$0x5] =	stream.indirect.gather [hbm4b:s4+s16], $0x40, s8, s16, $0xb8;
	[tilespmem:$0x1F000] =	vst v63  }
0x70: {  	_ =	swait.ge [sflag:s28], $0x2000  }
0x71: {  	[sflag:s28] =	ssyncset.done $0x0  }
0x72: {  	s11 =	sadd.s32 $0x2880, s0;
	s6 =	simm.s32 @!p3 $0xE;
	[sflag:s28] =	ssyncadd.s32 $0xFFFFE000  }
0x73: {  	[spmem:s2] =	stream.indirect.scatter.add.f32 [tilespmem:s18], [sflag:$0xA], $0x40, s11, s16, $0xb8;
	[tilespmem:$0x1F000] =	vst v63  }
0x74: {  	_ =	swait.ge @!p3 [sflag:s6], $0x2000  }
0x75: {  	[sflag:s6] =	ssyncset.done @!p3 $0x0  }
0x76: {  	s12 =	sadd.s32 $0x280, s0;
	[sflag:s6] =	ssyncadd.s32 @!p3 $0xFFFFE000  }
0x77: {  	[tilespmem:s29], [sflag:$0x6] =	stream.indirect.gather [hbm4b:s4+s16], $0x40, s12, s16, $0xb8;
	[tilespmem:$0x1F000] =	vst v63  }
0x78: {  	_ =	swait.ge [sflag:s30], $0x2000  }
0x79: {  	[sflag:s30] =	ssyncset.done $0x0  }
0x7a: {  	s8 =	sadd.s32 $0x2900, s0;
	s6 =	simm.s32 @!p3 $0xF;
	[sflag:s30] =	ssyncadd.s32 $0xFFFFE000  }
0x7b: {  	[spmem:s2] =	stream.indirect.scatter.add.f32 [tilespmem:s20], [sflag:$0xB], $0x40, s8, s16, $0xb8;
	[tilespmem:$0x1F000] =	vst v63  }
0x7c: {  	_ =	swait.ge @!p3 [sflag:s6], $0x2000  }
0x7d: {  	[sflag:s6] =	ssyncset.done @!p3 $0x0  }
0x7e: {  	s11 =	sadd.s32 $0x300, s0;
	[sflag:s6] =	ssyncadd.s32 @!p3 $0xFFFFE000  }
0x7f: {  	[tilespmem:s31], [sflag:$0x7] =	stream.indirect.gather [hbm4b:s4+s16], $0x40, s11, s16, $0xb8;
	[tilespmem:$0x1F000] =	vst v63  }
0x80: {  	_ =	swait.ge [sflag:s1], $0x2000  }
0x81: {  	[sflag:s1] =	ssyncset.done $0x0  }
0x82: {  	s12 =	sadd.s32 $0x2980, s0;
	s6 =	simm.s32 @!p3 $0x10;
	[sflag:s1] =	ssyncadd.s32 $0xFFFFE000  }
0x83: {  	[spmem:s2] =	stream.indirect.scatter.add.f32 [tilespmem:s22], [sflag:$0xC], $0x40, s12, s16, $0xb8;
	[tilespmem:$0x1F000] =	vst v63  }
0x84: {  	_ =	swait.ge @!p3 [sflag:s6], $0x2000  }
0x85: {  	[sflag:s6] =	ssyncset.done @!p3 $0x0  }
0x86: {  	s8 =	sadd.s32 $0x380, s0;
	[sflag:s6] =	ssyncadd.s32 @!p3 $0xFFFFE000  }
0x87: {  	[tilespmem:s15], [sflag:$0x8] =	stream.indirect.gather [hbm4b:s4+s16], $0x40, s8, s16, $0xb8;
	[tilespmem:$0x1F000] =	vst v63  }
0x88: {  	_ =	swait.ge [sflag:s19], $0x2000  }
0x89: {  	p3 =	seq.s32 s3, $0x9000;
	[sflag:s19] =	ssyncset.done $0x0  }
0x8a: {  	s11 =	sadd.s32 $0x2A00, s0;
	s6 =	simm.s32 @p3 $0x6;
	[sflag:s19] =	ssyncadd.s32 $0xFFFFE000  }
0x8b: {  	[spmem:s2] =	stream.indirect.scatter.add.f32 [tilespmem:s26], [sflag:$0xD], $0x40, s11, s16, $0xb8;
	[tilespmem:$0x1F000] =	vst v63  }
0x8c: {  	_ =	swait.ge @p3 [sflag:s6], $0x2000  }
0x8d: {  	[sflag:s6] =	ssyncset.done @p3 $0x0  }
0x8e: {  	[sflag:s6] =	ssyncadd.s32 @p3 $0xFFFFE000;
	s6 =	sshra.s32 @p3 s3, $0x2  }
0x8f: {  	s8 =	simm.s32 @p3 $0x80;
	s11 =	simm.s32 @p3 $0xF000;
	s6 =	sadd.s32 @p3 $0x2A80, s6  }
0x90: {  	[spmem:s2] =	stream.indirect.scatter.add.f32 @p3 [tilespmem:s11], [sflag:$0xE], $0x40, s6, s8, $0xb8;
	[tilespmem:$0x1F000] =	vst v63  }
0x91: {  	s6 =	simm.s32 @!p3 $0x9  }
0x92: {  	_ =	swait.ge @!p3 [sflag:s6], $0x2000  }
0x93: {  	[sflag:s6] =	ssyncset.done @!p3 $0x0  }
0x94: {  	[sflag:s6] =	ssyncadd.s32 @!p3 $0xFFFFE000;
	s6 =	sshra.s32 @!p3 s3, $0x2  }
0x95: {  	s12 =	simm.s32 @!p3 $0x5000;
	s11 =	simm.s32 @!p3 $0x80;
	s8 =	sadd.s32 @!p3 $0x400, s6  }
0x96: {  	[tilespmem:s12], [sflag:$0x1] =	stream.indirect.gather @!p3 [hbm4b:s4+s11], $0x40, s8, s11, $0xb8;
	[tilespmem:$0x1F000] =	vst v63  }
0x97: {  	s8 =	simm.s32 @!p3 $0x6  }
0x98: {  	_ =	swait.ge @!p3 [sflag:s8], $0x2000  }
0x99: {  	[sflag:s8] =	ssyncset.done @!p3 $0x0  }
0x9a: {  	s12 =	simm.s32 @!p3 $0xF000;
	[sflag:s8] =	ssyncadd.s32 @!p3 $0xFFFFE000;
	s8 =	sadd.s32 @!p3 $0x2A80, s6  }
0x9b: {  	[spmem:s2] =	stream.indirect.scatter.add.f32 @!p3 [tilespmem:s12], [sflag:$0xE], $0x40, s8, s11, $0xb8;
	[tilespmem:$0x1F000] =	vst v63  }
0x9c: {  	s8 =	simm.s32 @!p3 $0xA  }
0x9d: {  	_ =	swait.ge @!p3 [sflag:s8], $0x2000  }
0x9e: {  	[sflag:s8] =	ssyncset.done @!p3 $0x0  }
0x9f: {  	s6 =	sadd.s32 @!p3 $0x480, s6;
	[sflag:s8] =	ssyncadd.s32 @!p3 $0xFFFFE000;
	s8 =	simm.s32 @!p3 $0x7000  }
0xa0: {  	[tilespmem:s8], [sflag:$0x2] =	stream.indirect.gather @!p3 [hbm4b:s4+s11], $0x40, s6, s11, $0xb8;
	[tilespmem:$0x1F000] =	vst v63  }
.Ltmp2:
0xa1: {  	_ = 	snop;
	(pc) =	sbr.rel @p3 .LBB2_4-.Ltmp2, $4  }
0xa2: {  	_ =	swait.ge [sflag:s21], $0x2000  }
0xa3: {  	[sflag:s21] =	ssyncset.done $0x0  }
0xa4: {  	s12 =	sadd.s32 $0x2B00, s0;
	s6 =	sadd.s32 $0x2B80, s0;
	[sflag:s21] =	ssyncadd.s32 $0xFFFFE000  }
0xa5: {  	[spmem:s2] =	stream.indirect.scatter.add.f32 [tilespmem:s31], [sflag:$0xF], $0x40, s12, s16, $0xb8;
	[tilespmem:$0x1F000] =	vst v63  }
0xa6: {  	_ =	swait.ge [sflag:s9], $0x2000  }
0xa7: {  	[sflag:s9] =	ssyncset.done $0x0  }
0xa8: {  	s8 =	sadd.s32 $0x500, s0;
	[sflag:s9] =	ssyncadd.s32 $0xFFFFE000  }
0xa9: {  	[tilespmem:s20], [sflag:$0x3] =	stream.indirect.gather [hbm4b:s4+s16], $0x40, s8, s16, $0xb8;
	[tilespmem:$0x1F000] =	vst v63  }
0xaa: {  	_ =	swait.ge [sflag:s5], $0x2000  }
0xab: {  	[sflag:s5] =	ssyncset.done $0x0  }
0xac: {  	[sflag:s5] =	ssyncadd.s32 $0xFFFFE000  }
0xad: {  	[spmem:s2] =	stream.indirect.scatter.add.f32 [tilespmem:s15], [sflag:$0x10], $0x40, s6, s16, $0xb8;
	[tilespmem:$0x1F000] =	vst v63  }
.Ltmp3:
0xae: {  	_ = 	snop;
	(pc) =	sbr.rel .LBB2_2-.Ltmp3, $4  }
0xaf: {  	_ =	swait.ge [sflag:s10], $0x2000  }
0xb0: {  	[sflag:s10] =	ssyncset.done $0x0  }
0xb1: {  	s12 =	sadd.s32 $0x580, s0;
	s3 =	sadd.s32 $0x1000, s3;
	[sflag:s10] =	ssyncadd.s32 $0xFFFFE000  }
0xb2: {  	[tilespmem:s22], [sflag:$0x4] =	stream.indirect.gather [hbm4b:s4+s16], $0x40, s12, s16, $0xb8;
	[tilespmem:$0x1F000] =	vst v63  }
.LBB2_5:
0xb3: {  	_ =	sfence.sel $0x180000  }
0xb4: {  	[bflag:$0x0] =	sbarrier.arrive $0xFFFF  }
0xb5: {  	_ =	strace $0x90000047  }
0xb6: {  	[bflag:$0x2] =	sbarrier.arrive $0xFFFF  }
0xb7: {  	p0 =	sne.s32 s11, $0x0;
	s0 =	rddreg [dreg:$0x2]  }
0xb8: {  	s0 =	sadd.s32 @!p0 $0x100000, s0  }
0xb9: {  	[sflag:s0] =	ssyncadd.tile.s32 @!p0 $0x1;
	_ =	shalt  }
.Lfunc_end2:
_tile_overlayer_lowered:
.L_overlay_start_2:
0xba: {  	(tag) =	ssettag $0x2  }
0xbb: {  	s0 =	rddreg [dreg:$0x0];
	s2 =	stileid.u32  }
0xbc: {  	s1 =	rddreg [dreg:$0x1];
	p0 =	sne.s32 s2, $0x0  }
0xbd: {  	s3 =	rddreg [dreg:$0x2];
	[bflag:$0x3] =	sbarrier.arrive $0xFFFF;
	s2 =	simm.s32 @!p0 $0x1C11  }
0xbe: {  	[timem:s3], [sflag:s2] =	dma.local @!p0 [hbm:s0], s1  }
0xbf: {  	s0 =	simm.s32 @!p0 $0x11  }
0xc0: {  	_ =	swait.ge @!p0 [sflag:s0], s1  }
0xc1: {  	s1 =	ssub.s32 @!p0 $0x0, s1;
	[sflag:s0] =	ssyncset.done @!p0 $0x0  }
0xc2: {  	[sflag:s0] =	ssyncadd.s32 @!p0 s1  }
0xc3: {  	[bflag:$0x3] =	sbarrier.arrive $0xFFFF  }
0xc4: {  	_ =	shalt  }

</sc_bundles>
